<compile_context>
chip_gen: v7x
topology: tpu7x:2x2x1
jax: 0.10.2.dev20260603
libtpu: 0.0.44.dev20260713+nightly
codegen_flags: <defaults>
</compile_context>

<pallas_src>
import functools

import jax
import jax.numpy as jnp
from jax import lax
from jax.experimental import pallas as pl
from jax.experimental.pallas import tpu as pltpu, tpu_sc as plsc

N_NODES = 10000
N_PAD = 10240
IN_DIM = 128
HID_DIM = 256
OUT_DIM = 128
N_EDGES = 320000
E_PAD = 327680
PAD_NODE = N_NODES

NC, NS = 2, 16
NW = NC * NS
E_W = E_PAD // NW
K = 64
CH = E_W // K
IT = CH // 8
ROWS_T = N_PAD // NS

BN = 1024
GRID = N_PAD // BN

_mesh = plsc.VectorSubcoreMesh(core_axis_name="c", subcore_axis_name="s")



@functools.partial(
    pl.kernel,
    out_type=jax.ShapeDtypeStruct((NW, N_PAD), jnp.float32),
    mesh=_mesh,
    scratch_types=[
        pltpu.VMEM((E_W,), jnp.int32),
        pltpu.VMEM((N_PAD,), jnp.float32),
    ],
    compiler_params=pltpu.CompilerParams(needs_layout_passes=False),
)
def _deg_kernel(dst_hbm, out_hbm, idx_v, deg_v):
    c = lax.axis_index("c")
    s = lax.axis_index("s")
    wid = c * NS + s
    pltpu.sync_copy(dst_hbm.at[pl.ds(wid * E_W, E_W)], idx_v)

    def zero(i, _):
        deg_v[pl.ds(i * 16, 16)] = jnp.zeros((16,), jnp.float32)
        return 0
    lax.fori_loop(0, N_PAD // 16, zero, 0)

    ones = jnp.ones((16,), jnp.float32)

    def step(i, _):
        idx = idx_v[pl.ds(i * 16, 16)]
        plsc.addupdate_scatter(deg_v, [idx], ones)
        return 0
    lax.fori_loop(0, E_W // 16, step, 0)
    pltpu.sync_copy(deg_v, out_hbm.at[wid])


@functools.partial(
    pl.kernel,
    out_type=jax.ShapeDtypeStruct((NC, N_PAD, IN_DIM), jnp.float32),
    mesh=_mesh,
    scratch_types=[
        pltpu.VMEM((4, K), jnp.int32),
        pltpu.VMEM((4, K), jnp.int32),
        pltpu.VMEM((4, K), jnp.int32),
        pltpu.VMEM((4, K), jnp.int32),
        pltpu.VMEM((K, IN_DIM), jnp.float32),
        pltpu.VMEM((K, IN_DIM), jnp.float32),
        pltpu.VMEM((K, IN_DIM), jnp.float32),
        pltpu.VMEM((K, IN_DIM), jnp.float32),
        pltpu.VMEM_SHARED((N_PAD, IN_DIM), jnp.float32),
        pltpu.SemaphoreType.DMA,
        pltpu.SemaphoreType.DMA,
        pltpu.SemaphoreType.DMA,
        pltpu.SemaphoreType.DMA,
        pltpu.SemaphoreType.DMA,
        pltpu.SemaphoreType.DMA,
    ],
)
def _prop_kernel(xs_hbm, src_hbm, dst_hbm, zrows_hbm, out_hbm,
                 xs_i, xd_i, ys_i, yd_i, a0, a1, b0, b1, acc_shared,
                 sga, sgb, ssa, ssb, six, siy):
    c = lax.axis_index("c")
    s = lax.axis_index("s")
    wid = c * NS + s
    ibase = wid * CH

    def gather(idx_ref, row, buf, sem):
        pltpu.async_copy(xs_hbm.at[idx_ref.at[row]], buf, sem)

    def scatter(idx_ref, row, buf, sem):
        pltpu.async_copy(buf, acc_shared.at[idx_ref.at[row]], sem, add=True)

    def drain_rows(buf, sem):
        pltpu.make_async_copy(xs_hbm.at[pl.ds(0, K)], buf, sem).wait()

    def load_idx(group, s_ref, d_ref, sem):
        pltpu.async_copy(src_hbm.at[pl.ds(ibase + 4 * group, 4)], s_ref, sem)
        pltpu.async_copy(dst_hbm.at[pl.ds(ibase + 4 * group, 4)], d_ref, sem)

    def drain_idx(s_ref, d_ref, sem):
        pltpu.make_async_copy(src_hbm.at[pl.ds(0, 4)], s_ref, sem).wait()
        pltpu.make_async_copy(src_hbm.at[pl.ds(0, 4)], d_ref, sem).wait()

    pltpu.sync_copy(src_hbm.at[pl.ds(ibase, 4)], xs_i)
    pltpu.sync_copy(dst_hbm.at[pl.ds(ibase, 4)], xd_i)
    load_idx(1, ys_i, yd_i, siy)
    pltpu.sync_copy(zrows_hbm, acc_shared.at[pl.ds(s * ROWS_T, ROWS_T)])
    plsc.subcore_barrier()
    gather(xs_i, 0, a0, sga)
    gather(xs_i, 1, a1, sga)
    gather(xs_i, 2, b0, sgb)
    gather(xs_i, 3, b1, sgb)

    def step(m, _):
        drain_rows(a0, sga)
        drain_rows(a1, sga)
        scatter(xd_i, 0, a0, ssa)
        scatter(xd_i, 1, a1, ssa)
        drain_rows(a0, ssa)
        drain_rows(a1, ssa)
        drain_idx(ys_i, yd_i, siy)
        gather(ys_i, 0, a0, sga)
        gather(ys_i, 1, a1, sga)
        drain_rows(b0, sgb)
        drain_rows(b1, sgb)
        scatter(xd_i, 2, b0, ssb)
        scatter(xd_i, 3, b1, ssb)
        drain_rows(b0, ssb)
        drain_rows(b1, ssb)
        load_idx(2 * m + 2, xs_i, xd_i, six)
        gather(ys_i, 2, b0, sgb)
        gather(ys_i, 3, b1, sgb)
        drain_rows(a0, sga)
        drain_rows(a1, sga)
        scatter(yd_i, 0, a0, ssa)
        scatter(yd_i, 1, a1, ssa)
        drain_rows(a0, ssa)
        drain_rows(a1, ssa)
        drain_idx(xs_i, xd_i, six)
        gather(xs_i, 0, a0, sga)
        gather(xs_i, 1, a1, sga)
        drain_rows(b0, sgb)
        drain_rows(b1, sgb)
        scatter(yd_i, 2, b0, ssb)
        scatter(yd_i, 3, b1, ssb)
        drain_rows(b0, ssb)
        drain_rows(b1, ssb)
        load_idx(2 * m + 3, ys_i, yd_i, siy)
        gather(xs_i, 2, b0, sgb)
        gather(xs_i, 3, b1, sgb)
        return 0
    lax.fori_loop(0, IT, step, 0)

    drain_rows(a0, sga)
    drain_rows(a1, sga)
    drain_rows(b0, sgb)
    drain_rows(b1, sgb)
    drain_idx(ys_i, yd_i, siy)

    plsc.subcore_barrier()
    pltpu.sync_copy(acc_shared.at[pl.ds(s * ROWS_T, ROWS_T)],
                    out_hbm.at[c, pl.ds(s * ROWS_T, ROWS_T)])



def _scale_body(dp_ref, x_ref, xs_ref, disb_ref):
    dp = dp_ref[...]
    ones = jnp.ones((NW, IN_DIM), jnp.float32)
    degb = lax.dot_general(dp, ones, (((0,), (0,)), ((), ())),
                           preferred_element_type=jnp.float32) + 1.0
    disb = lax.rsqrt(degb)
    disb_ref[...] = disb
    xs_ref[...] = x_ref[...] * disb


def _scale_kernel(deg_part, x_pad):
    return pl.pallas_call(
        _scale_body,
        grid=(GRID,),
        in_specs=[
            pl.BlockSpec((NW, BN), lambda i: (0, i)),
            pl.BlockSpec((BN, IN_DIM), lambda i: (i, 0)),
        ],
        out_specs=[
            pl.BlockSpec((BN, IN_DIM), lambda i: (i, 0)),
            pl.BlockSpec((BN, IN_DIM), lambda i: (i, 0)),
        ],
        out_shape=[
            jax.ShapeDtypeStruct((N_PAD, IN_DIM), jnp.float32),
            jax.ShapeDtypeStruct((N_PAD, IN_DIM), jnp.float32),
        ],
    )(deg_part, x_pad)


def _l1_body(s1_ref, x_ref, disb_ref, w1_ref, b1_ref, w2_ref, g_ref, gs_ref):
    s1 = s1_ref[...]
    disb = disb_ref[...]
    p1 = disb * (s1[0] + s1[1]) + disb * disb * x_ref[...]
    h = jnp.dot(p1, w1_ref[...], preferred_element_type=jnp.float32)
    h = jnp.maximum(h + b1_ref[...], 0.0)
    g = jnp.dot(h, w2_ref[...], preferred_element_type=jnp.float32)
    g_ref[...] = g
    gs_ref[...] = disb * g


def _l1_kernel(S1, x_pad, disb, W1, b1, W2):
    return pl.pallas_call(
        _l1_body,
        grid=(GRID,),
        in_specs=[
            pl.BlockSpec((NC, BN, IN_DIM), lambda i: (0, i, 0)),
            pl.BlockSpec((BN, IN_DIM), lambda i: (i, 0)),
            pl.BlockSpec((BN, IN_DIM), lambda i: (i, 0)),
            pl.BlockSpec((IN_DIM, HID_DIM), lambda i: (0, 0)),
            pl.BlockSpec((1, HID_DIM), lambda i: (0, 0)),
            pl.BlockSpec((HID_DIM, OUT_DIM), lambda i: (0, 0)),
        ],
        out_specs=[
            pl.BlockSpec((BN, OUT_DIM), lambda i: (i, 0)),
            pl.BlockSpec((BN, OUT_DIM), lambda i: (i, 0)),
        ],
        out_shape=[
            jax.ShapeDtypeStruct((N_PAD, OUT_DIM), jnp.float32),
            jax.ShapeDtypeStruct((N_PAD, OUT_DIM), jnp.float32),
        ],
    )(S1, x_pad, disb, W1, b1, W2)


def _l2_body(s2_ref, g_ref, disb_ref, b2_ref, out_ref):
    s2 = s2_ref[...]
    disb = disb_ref[...]
    p2 = disb * (s2[0] + s2[1]) + disb * disb * g_ref[...]
    out_ref[...] = jnp.maximum(p2 + b2_ref[...], 0.0)


def _l2_kernel(S2, g, disb, b2):
    bn = N_NODES // GRID
    return pl.pallas_call(
        _l2_body,
        grid=(GRID,),
        in_specs=[
            pl.BlockSpec((NC, bn, OUT_DIM), lambda i: (0, i, 0)),
            pl.BlockSpec((bn, OUT_DIM), lambda i: (i, 0)),
            pl.BlockSpec((bn, OUT_DIM), lambda i: (i, 0)),
            pl.BlockSpec((1, OUT_DIM), lambda i: (0, 0)),
        ],
        out_specs=pl.BlockSpec((bn, OUT_DIM), lambda i: (i, 0)),
        out_shape=jax.ShapeDtypeStruct((N_NODES, OUT_DIM), jnp.float32),
    )(S2, g, disb, b2)



def kernel(x, edge_index, W1, b1, W2, b2):
    src = edge_index[0].astype(jnp.int32)
    dst = edge_index[1].astype(jnp.int32)
    pad = PAD_NODE + jnp.arange(E_PAD - N_EDGES, dtype=jnp.int32) % (
        N_PAD - N_NODES)
    extra = jnp.full((8 * K,), PAD_NODE, jnp.int32)
    src_p = jnp.concatenate([src, pad, extra]).reshape(NW * CH + 8, K)
    dst_p = jnp.concatenate([dst, pad, extra]).reshape(NW * CH + 8, K)
    dst_flat = jnp.concatenate([dst, pad])
    x_pad = jnp.pad(x, ((0, N_PAD - N_NODES), (0, 0)))
    zrows = jnp.zeros((ROWS_T, IN_DIM), jnp.float32)

    deg_part = _deg_kernel(dst_flat)
    xs, disb = _scale_kernel(deg_part, x_pad)
    S1 = _prop_kernel(xs, src_p, dst_p, zrows)
    g, gs = _l1_kernel(S1, x_pad, disb, W1,
                       b1.reshape(1, HID_DIM), W2)
    S2 = _prop_kernel(gs, src_p, dst_p, zrows)
    return _l2_kernel(S2, g, disb, b2.reshape(1, OUT_DIM))

# --- scband reference (transcript-rebuilt; emitter-appended) ---
"""Pipeline reference for scband-encoder-85229331021973 (READ-ONLY COPY).

The authoritative reference and input builder live on the scoring server;
editing this copy changes nothing except your own understanding.
"""

import jax, jax.numpy as jnp
import numpy as np

N_NODES = 10000
IN_DIM = 128
OUT_DIM = 128
HID_DIM = 2 * OUT_DIM
N_EDGES = 320000


def setup_inputs(seed: int = 0) -> dict:
    key = jax.random.key(seed)
    k1, k2, k3, k4, k5, k6 = jax.random.split(key, 6)
    x = jax.random.normal(k1, (N_NODES, IN_DIM), dtype=jnp.float32)
    edge_index = jax.random.randint(k2, (2, N_EDGES), 0, N_NODES, dtype=jnp.int64)
    # GCNConv weights (glorot-style scale) and biases
    W1 = jax.random.normal(k3, (IN_DIM, HID_DIM), dtype=jnp.float32) * (1.0 / np.sqrt(IN_DIM))
    b1 = jnp.zeros((HID_DIM,), dtype=jnp.float32)
    W2 = jax.random.normal(k4, (HID_DIM, OUT_DIM), dtype=jnp.float32) * (1.0 / np.sqrt(HID_DIM))
    b2 = jnp.zeros((OUT_DIM,), dtype=jnp.float32)
    return {"x": x, "edge_index": edge_index, "W1": W1, "b1": b1, "W2": W2, "b2": b2}


def _gcn_conv(x, src, dst, norm, W, b, n_nodes):
    # PyG GCNConv: h = X @ W; propagate with symmetric norm; add bias
    h = x @ W
    msg = h[src] * norm[:, None]
    out = jnp.zeros((n_nodes, h.shape[1]), dtype=h.dtype).at[dst].add(msg)
    return out + b


def _norm_coeffs(edge_index, n_nodes):
    # add self-loops and compute D^{-1/2} (A+I) D^{-1/2} edge coefficients
    loop = jnp.arange(n_nodes, dtype=edge_index.dtype)
    src = jnp.concatenate([edge_index[0], loop])
    dst = jnp.concatenate([edge_index[1], loop])
    deg = jnp.zeros((n_nodes,), dtype=jnp.float32).at[dst].add(1.0)
    deg_inv_sqrt = jnp.where(deg > 0, 1.0 / jnp.sqrt(deg), 0.0)
    norm = deg_inv_sqrt[src] * deg_inv_sqrt[dst]
    return src, dst, norm


def reference(x, edge_index, W1, b1, W2, b2):
    n_nodes = x.shape[0]
    src, dst, norm = _norm_coeffs(edge_index, n_nodes)
    h = _gcn_conv(x, src, dst, norm, W1, b1, n_nodes)
    h = jax.nn.relu(h)
    h = _gcn_conv(h, src, dst, norm, W2, b2, n_nodes)
    h = jax.nn.relu(h)
    return h

if __name__ == "__main__":
    import jax
    _d = setup_inputs()
    print(jax.jit(kernel)(*tuple(_d.values())))

</pallas_src>

<mosaic_0001>
#map = affine_map<(d0, d1) -> (0)>
#map1 = affine_map<(d0, d1) -> (0, 0)>
module attributes {stable_mosaic.version = 14 : i64} {
  func.func @_deg_kernel(%arg0: i32, %arg1: i32, %arg2: memref<327680xi32, #tpu.memory_space<hbm>>, %arg3: memref<32x10240xf32, #tpu.memory_space<hbm>>, %arg4: memref<10240xi32, #tpu.memory_space<vmem>>, %arg5: memref<10240xf32, #tpu.memory_space<vmem>>) attributes {dimension_semantics = [#tpu.dimension_semantics<core_parallel>, #tpu.dimension_semantics<subcore_parallel>], iteration_bounds = array<i64: 2, 16>, scalar_prefetch = 0 : i64, scratch_operands = 2 : i64, tpu.core_type = #tpu.core_type<sc_vector_subcore>, window_params = [{transform_indices = #map}, {transform_indices = #map1}]} {
    %mul3A = arith.constant 16 : i32
    %mul3A_0 = arith.muli %arg0, %mul3A : i32
    %add3A = arith.addi %mul3A_0, %arg1 : i32
    %mul3A_1 = arith.constant 10240 : i32
    %mul3A_2 = arith.muli %add3A, %mul3A_1 : i32
    "tpu.region"() ({
      %run_scoped3A = tpu.sem_alloc : memref<!tpu.dma_semaphore, #tpu.memory_space<semaphore_mem>>
      %dma_start3A = tpu.memref_slice %arg2[%mul3A_2] : memref<327680xi32, #tpu.memory_space<hbm>> -> memref<10240xi32, #tpu.memory_space<hbm>>
      %dma_start3A_17 = tpu.memref_slice %arg2[%mul3A_2] : memref<327680xi32, #tpu.memory_space<hbm>> -> memref<10240xi32, #tpu.memory_space<hbm>>
      tpu.enqueue_dma source(%dma_start3A_17 : memref<10240xi32, #tpu.memory_space<hbm>>) target(%arg4 : memref<10240xi32, #tpu.memory_space<vmem>>) target_semaphore(%run_scoped3A : memref<!tpu.dma_semaphore, #tpu.memory_space<semaphore_mem>>)
      %dma_wait3A = tpu.memref_slice %arg2[%mul3A_2] : memref<327680xi32, #tpu.memory_space<hbm>> -> memref<10240xi32, #tpu.memory_space<hbm>>
      %dma_wait3A_18 = tpu.memref_slice %arg2[%mul3A_2] : memref<327680xi32, #tpu.memory_space<hbm>> -> memref<10240xi32, #tpu.memory_space<hbm>>
      tpu.wait_dma2 semaphore(%run_scoped3A : memref<!tpu.dma_semaphore, #tpu.memory_space<semaphore_mem>>) src(%dma_wait3A_18 : memref<10240xi32, #tpu.memory_space<hbm>>) dst(%arg4 : memref<10240xi32, #tpu.memory_space<vmem>>)
      tpu.yield
    }) : () -> ()
    %scan3A = arith.constant 0 : i32
    %scan3A_3 = arith.constant 0 : i32
    %scan3A_4 = arith.constant 640 : i32
    %scan3A_5 = arith.addi %scan3A_3, %scan3A_4 : i32
    %scan3A_6 = arith.constant 1 : i32
    %scan3A_7 = scf.for %scan3A_17 = %scan3A_3 to %scan3A_5 step %scan3A_6 iter_args(%scan3A_18 = %scan3A) -> (i32)  : i32 {
      %broadcast_in_dim3A_19 = arith.constant 0.000000e+00 : f32
      %broadcast_in_dim3A_20 = vector.broadcast %broadcast_in_dim3A_19 : f32 to vector<16xf32>
      %mul3A_21 = arith.constant 16 : i32
      %mul3A_22 = arith.muli %scan3A_17, %mul3A_21 : i32
      %swap3A = arith.index_cast %mul3A_22 : i32 to index
      %swap3A_23 = tpu.vector_load %arg5[%swap3A] {strides = array<i32>} : memref<10240xf32, #tpu.memory_space<vmem>>, vector<16xf32>,
      tpu.vector_store %arg5[%swap3A], %broadcast_in_dim3A_20 {strides = array<i32>} : memref<10240xf32, #tpu.memory_space<vmem>>, vector<16xf32>,
      %scan3A_24 = arith.constant 0 : i32
      scf.yield %scan3A_24 : i32
    }
    %scan3A_8 = arith.constant 640 : i32
    %broadcast_in_dim3A = arith.constant 1.000000e+00 : f32
    %broadcast_in_dim3A_9 = vector.broadcast %broadcast_in_dim3A : f32 to vector<16xf32>
    %scan3A_10 = arith.constant 0 : i32
    %scan3A_11 = arith.constant 0 : i32
    %scan3A_12 = arith.constant 640 : i32
    %scan3A_13 = arith.addi %scan3A_11, %scan3A_12 : i32
    %scan3A_14 = arith.constant 1 : i32
    %scan3A_15 = scf.for %scan3A_17 = %scan3A_11 to %scan3A_13 step %scan3A_14 iter_args(%scan3A_18 = %scan3A_10) -> (i32)  : i32 {
      %mul3A_19 = arith.constant 16 : i32
      %mul3A_20 = arith.muli %scan3A_17, %mul3A_19 : i32
      %get3A = arith.index_cast %mul3A_20 : i32 to index
      %get3A_21 = tpu.vector_load %arg4[%get3A] {strides = array<i32>} : memref<10240xi32, #tpu.memory_space<vmem>>, vector<16xi32>,
      tpu.vector_store_idx %arg5[%get3A_21], %broadcast_in_dim3A_9 {add = true} : memref<10240xf32, #tpu.memory_space<vmem>>[vector<16xi32>], vector<16xf32>,
      %scan3A_22 = arith.constant 0 : i32
      scf.yield %scan3A_22 : i32
    }
    %scan3A_16 = arith.constant 640 : i32
    "tpu.region"() ({
      %run_scoped3A = tpu.sem_alloc : memref<!tpu.dma_semaphore, #tpu.memory_space<semaphore_mem>>
      %dma_start3A = arith.constant 0 : i32
      %dma_start3A_17 = tpu.memref_slice %arg3[%add3A, %dma_start3A] : memref<32x10240xf32, #tpu.memory_space<hbm>> -> memref<1x10240xf32, #tpu.memory_space<hbm>>
      %dma_start3A_18 = tpu.memref_squeeze %dma_start3A_17 : memref<1x10240xf32, #tpu.memory_space<hbm>> -> memref<10240xf32, #tpu.memory_space<hbm>>
      %dma_start3A_19 = arith.constant 0 : i32
      %dma_start3A_20 = tpu.memref_slice %arg3[%add3A, %dma_start3A_19] : memref<32x10240xf32, #tpu.memory_space<hbm>> -> memref<1x10240xf32, #tpu.memory_space<hbm>>
      %dma_start3A_21 = tpu.memref_squeeze %dma_start3A_20 : memref<1x10240xf32, #tpu.memory_space<hbm>> -> memref<10240xf32, #tpu.memory_space<hbm>>
      tpu.enqueue_dma source(%arg5 : memref<10240xf32, #tpu.memory_space<vmem>>) target(%dma_start3A_21 : memref<10240xf32, #tpu.memory_space<hbm>>) target_semaphore(%run_scoped3A : memref<!tpu.dma_semaphore, #tpu.memory_space<semaphore_mem>>)
      %dma_wait3A = arith.constant 0 : i32
      %dma_wait3A_22 = tpu.memref_slice %arg3[%add3A, %dma_wait3A] : memref<32x10240xf32, #tpu.memory_space<hbm>> -> memref<1x10240xf32, #tpu.memory_space<hbm>>
      %dma_wait3A_23 = tpu.memref_squeeze %dma_wait3A_22 : memref<1x10240xf32, #tpu.memory_space<hbm>> -> memref<10240xf32, #tpu.memory_space<hbm>>
      %dma_wait3A_24 = arith.constant 0 : i32
      %dma_wait3A_25 = tpu.memref_slice %arg3[%add3A, %dma_wait3A_24] : memref<32x10240xf32, #tpu.memory_space<hbm>> -> memref<1x10240xf32, #tpu.memory_space<hbm>>
      %dma_wait3A_26 = tpu.memref_squeeze %dma_wait3A_25 : memref<1x10240xf32, #tpu.memory_space<hbm>> -> memref<10240xf32, #tpu.memory_space<hbm>>
      tpu.wait_dma2 semaphore(%run_scoped3A : memref<!tpu.dma_semaphore, #tpu.memory_space<semaphore_mem>>) src(%arg5 : memref<10240xf32, #tpu.memory_space<vmem>>) dst(%dma_wait3A_26 : memref<10240xf32, #tpu.memory_space<hbm>>)
      tpu.yield
    }) : () -> ()
    return
  }
}

#map = affine_map<(d0, d1) -> (0, 0)>
#map1 = affine_map<(d0, d1) -> (0, 0, 0)>
module attributes {stable_mosaic.version = 14 : i64} {
  func.func @_prop_kernel(%arg0: i32, %arg1: i32, %arg2: memref<10240x128xf32, #tpu.memory_space<hbm>>, %arg3: memref<5128x64xi32, #tpu.memory_space<hbm>>, %arg4: memref<5128x64xi32, #tpu.memory_space<hbm>>, %arg5: memref<640x128xf32, #tpu.memory_space<hbm>>, %arg6: memref<2x10240x128xf32, #tpu.memory_space<hbm>>, %arg7: memref<4x64xi32, #tpu.memory_space<vmem>>, %arg8: memref<4x64xi32, #tpu.memory_space<vmem>>, %arg9: memref<4x64xi32, #tpu.memory_space<vmem>>, %arg10: memref<4x64xi32, #tpu.memory_space<vmem>>, %arg11: memref<64x128xf32, #tpu.memory_space<vmem>>, %arg12: memref<64x128xf32, #tpu.memory_space<vmem>>, %arg13: memref<64x128xf32, #tpu.memory_space<vmem>>, %arg14: memref<64x128xf32, #tpu.memory_space<vmem>>, %arg15: memref<10240x128xf32, #tpu.memory_space<vmem_shared>>, %arg16: memref<!tpu.dma_semaphore, #tpu.memory_space<semaphore_mem>>, %arg17: memref<!tpu.dma_semaphore, #tpu.memory_space<semaphore_mem>>, %arg18: memref<!tpu.dma_semaphore, #tpu.memory_space<semaphore_mem>>, %arg19: memref<!tpu.dma_semaphore, #tpu.memory_space<semaphore_mem>>, %arg20: memref<!tpu.dma_semaphore, #tpu.memory_space<semaphore_mem>>, %arg21: memref<!tpu.dma_semaphore, #tpu.memory_space<semaphore_mem>>) attributes {dimension_semantics = [#tpu.dimension_semantics<core_parallel>, #tpu.dimension_semantics<subcore_parallel>], iteration_bounds = array<i64: 2, 16>, scalar_prefetch = 0 : i64, scratch_operands = 15 : i64, tpu.core_type = #tpu.core_type<sc_vector_subcore>, window_params = [{transform_indices = #map}, {transform_indices = #map}, {transform_indices = #map}, {transform_indices = #map}, {transform_indices = #map1}]} {
    %mul3A = arith.constant 16 : i32
    %mul3A_0 = arith.muli %arg0, %mul3A : i32
    %add3A = arith.addi %mul3A_0, %arg1 : i32
    %mul3A_1 = arith.constant 160 : i32
    %mul3A_2 = arith.muli %add3A, %mul3A_1 : i32
    "tpu.region"() ({
      %run_scoped3A = tpu.sem_alloc : memref<!tpu.dma_semaphore, #tpu.memory_space<semaphore_mem>>
      %dma_start3A_90 = arith.constant 0 : i32
      %dma_start3A_91 = tpu.memref_slice %arg3[%mul3A_2, %dma_start3A_90] : memref<5128x64xi32, #tpu.memory_space<hbm>> -> memref<4x64xi32, #tpu.memory_space<hbm>>
      %dma_start3A_92 = arith.constant 0 : i32
      %dma_start3A_93 = tpu.memref_slice %arg3[%mul3A_2, %dma_start3A_92] : memref<5128x64xi32, #tpu.memory_space<hbm>> -> memref<4x64xi32, #tpu.memory_space<hbm>>
      tpu.enqueue_dma source(%dma_start3A_93 : memref<4x64xi32, #tpu.memory_space<hbm>>) target(%arg7 : memref<4x64xi32, #tpu.memory_space<vmem>>) target_semaphore(%run_scoped3A : memref<!tpu.dma_semaphore, #tpu.memory_space<semaphore_mem>>)
      %dma_wait3A_94 = arith.constant 0 : i32
      %dma_wait3A_95 = tpu.memref_slice %arg3[%mul3A_2, %dma_wait3A_94] : memref<5128x64xi32, #tpu.memory_space<hbm>> -> memref<4x64xi32, #tpu.memory_space<hbm>>
      %dma_wait3A_96 = arith.constant 0 : i32
      %dma_wait3A_97 = tpu.memref_slice %arg3[%mul3A_2, %dma_wait3A_96] : memref<5128x64xi32, #tpu.memory_space<hbm>> -> memref<4x64xi32, #tpu.memory_space<hbm>>
      tpu.wait_dma2 semaphore(%run_scoped3A : memref<!tpu.dma_semaphore, #tpu.memory_space<semaphore_mem>>) src(%dma_wait3A_97 : memref<4x64xi32, #tpu.memory_space<hbm>>) dst(%arg7 : memref<4x64xi32, #tpu.memory_space<vmem>>)
      tpu.yield
    }) : () -> ()
    "tpu.region"() ({
      %run_scoped3A = tpu.sem_alloc : memref<!tpu.dma_semaphore, #tpu.memory_space<semaphore_mem>>
      %dma_start3A_90 = arith.constant 0 : i32
      %dma_start3A_91 = tpu.memref_slice %arg4[%mul3A_2, %dma_start3A_90] : memref<5128x64xi32, #tpu.memory_space<hbm>> -> memref<4x64xi32, #tpu.memory_space<hbm>>
      %dma_start3A_92 = arith.constant 0 : i32
      %dma_start3A_93 = tpu.memref_slice %arg4[%mul3A_2, %dma_start3A_92] : memref<5128x64xi32, #tpu.memory_space<hbm>> -> memref<4x64xi32, #tpu.memory_space<hbm>>
      tpu.enqueue_dma source(%dma_start3A_93 : memref<4x64xi32, #tpu.memory_space<hbm>>) target(%arg8 : memref<4x64xi32, #tpu.memory_space<vmem>>) target_semaphore(%run_scoped3A : memref<!tpu.dma_semaphore, #tpu.memory_space<semaphore_mem>>)
      %dma_wait3A_94 = arith.constant 0 : i32
      %dma_wait3A_95 = tpu.memref_slice %arg4[%mul3A_2, %dma_wait3A_94] : memref<5128x64xi32, #tpu.memory_space<hbm>> -> memref<4x64xi32, #tpu.memory_space<hbm>>
      %dma_wait3A_96 = arith.constant 0 : i32
      %dma_wait3A_97 = tpu.memref_slice %arg4[%mul3A_2, %dma_wait3A_96] : memref<5128x64xi32, #tpu.memory_space<hbm>> -> memref<4x64xi32, #tpu.memory_space<hbm>>
      tpu.wait_dma2 semaphore(%run_scoped3A : memref<!tpu.dma_semaphore, #tpu.memory_space<semaphore_mem>>) src(%dma_wait3A_97 : memref<4x64xi32, #tpu.memory_space<hbm>>) dst(%arg8 : memref<4x64xi32, #tpu.memory_space<vmem>>)
      tpu.yield
    }) : () -> ()
    %add3A_3 = arith.constant 4 : i32
    %add3A_4 = arith.addi %mul3A_2, %add3A_3 : i32
    %dma_start3A = arith.constant 0 : i32
    %dma_start3A_5 = tpu.memref_slice %arg3[%add3A_4, %dma_start3A] : memref<5128x64xi32, #tpu.memory_space<hbm>> -> memref<4x64xi32, #tpu.memory_space<hbm>>
    %dma_start3A_6 = arith.constant 0 : i32
    %dma_start3A_7 = tpu.memref_slice %arg3[%add3A_4, %dma_start3A_6] : memref<5128x64xi32, #tpu.memory_space<hbm>> -> memref<4x64xi32, #tpu.memory_space<hbm>>
    tpu.enqueue_dma source(%dma_start3A_7 : memref<4x64xi32, #tpu.memory_space<hbm>>) target(%arg9 : memref<4x64xi32, #tpu.memory_space<vmem>>) target_semaphore(%arg21 : memref<!tpu.dma_semaphore, #tpu.memory_space<semaphore_mem>>)
    %add3A_8 = arith.constant 4 : i32
    %add3A_9 = arith.addi %mul3A_2, %add3A_8 : i32
    %dma_start3A_10 = arith.constant 0 : i32
    %dma_start3A_11 = tpu.memref_slice %arg4[%add3A_9, %dma_start3A_10] : memref<5128x64xi32, #tpu.memory_space<hbm>> -> memref<4x64xi32, #tpu.memory_space<hbm>>
    %dma_start3A_12 = arith.constant 0 : i32
    %dma_start3A_13 = tpu.memref_slice %arg4[%add3A_9, %dma_start3A_12] : memref<5128x64xi32, #tpu.memory_space<hbm>> -> memref<4x64xi32, #tpu.memory_space<hbm>>
    tpu.enqueue_dma source(%dma_start3A_13 : memref<4x64xi32, #tpu.memory_space<hbm>>) target(%arg10 : memref<4x64xi32, #tpu.memory_space<vmem>>) target_semaphore(%arg21 : memref<!tpu.dma_semaphore, #tpu.memory_space<semaphore_mem>>)
    %mul3A_14 = arith.constant 640 : i32
    %mul3A_15 = arith.muli %arg1, %mul3A_14 : i32
    "tpu.region"() ({
      %run_scoped3A = tpu.sem_alloc : memref<!tpu.dma_semaphore, #tpu.memory_space<semaphore_mem>>
      %dma_start3A_90 = arith.constant 0 : i32
      %dma_start3A_91 = tpu.memref_slice %arg15[%mul3A_15, %dma_start3A_90] : memref<10240x128xf32, #tpu.memory_space<vmem_shared>> -> memref<640x128xf32, #tpu.memory_space<vmem_shared>>
      tpu.enqueue_dma source(%arg5 : memref<640x128xf32, #tpu.memory_space<hbm>>) target(%dma_start3A_91 : memref<640x128xf32, #tpu.memory_space<vmem_shared>>) target_semaphore(%run_scoped3A : memref<!tpu.dma_semaphore, #tpu.memory_space<semaphore_mem>>)
      %dma_wait3A_92 = arith.constant 0 : i32
      %dma_wait3A_93 = tpu.memref_slice %arg15[%mul3A_15, %dma_wait3A_92] : memref<10240x128xf32, #tpu.memory_space<vmem_shared>> -> memref<640x128xf32, #tpu.memory_space<vmem_shared>>
      tpu.wait_dma2 semaphore(%run_scoped3A : memref<!tpu.dma_semaphore, #tpu.memory_space<semaphore_mem>>) src(%arg5 : memref<640x128xf32, #tpu.memory_space<hbm>>) dst(%dma_wait3A_93 : memref<640x128xf32, #tpu.memory_space<vmem_shared>>)
      tpu.yield
    }) : () -> ()
    %barrier3A = arith.constant 0 : index
    tpu.barrier barrier_id(%barrier3A)
    %dma_start3A_16 = arith.constant 0 : i32
    %dma_start3A_17 = arith.constant 0 : i32
    %dma_start3A_18 = tpu.memref_slice %arg7[%dma_start3A_16, %dma_start3A_17] : memref<4x64xi32, #tpu.memory_space<vmem>> -> memref<1x64xi32, #tpu.memory_space<vmem>>
    %dma_start3A_19 = tpu.memref_squeeze %dma_start3A_18 : memref<1x64xi32, #tpu.memory_space<vmem>> -> memref<64xi32, #tpu.memory_space<vmem>>
    %dma_start3A_20 = arith.constant 0 : i32
    %dma_start3A_21 = arith.constant 0 : i32
    %dma_start3A_22 = tpu.memref_slice %arg2[%dma_start3A_20, %dma_start3A_21] : memref<10240x128xf32, #tpu.memory_space<hbm>> -> memref<10240x128xf32, #tpu.memory_space<hbm>>
    tpu.enqueue_indirect_dma source(%dma_start3A_22 : memref<10240x128xf32, #tpu.memory_space<hbm>>) target(%arg11 : memref<64x128xf32, #tpu.memory_space<vmem>>) offsets(%dma_start3A_19 : memref<64xi32, #tpu.memory_space<vmem>>) semaphore(%arg16 : memref<!tpu.dma_semaphore, #tpu.memory_space<semaphore_mem>>)
    %dma_start3A_23 = arith.constant 1 : i32
    %dma_start3A_24 = arith.constant 0 : i32
    %dma_start3A_25 = tpu.memref_slice %arg7[%dma_start3A_23, %dma_start3A_24] : memref<4x64xi32, #tpu.memory_space<vmem>> -> memref<1x64xi32, #tpu.memory_space<vmem>>
    %dma_start3A_26 = tpu.memref_squeeze %dma_start3A_25 : memref<1x64xi32, #tpu.memory_space<vmem>> -> memref<64xi32, #tpu.memory_space<vmem>>
    %dma_start3A_27 = arith.constant 0 : i32
    %dma_start3A_28 = arith.constant 0 : i32
    %dma_start3A_29 = tpu.memref_slice %arg2[%dma_start3A_27, %dma_start3A_28] : memref<10240x128xf32, #tpu.memory_space<hbm>> -> memref<10240x128xf32, #tpu.memory_space<hbm>>
    tpu.enqueue_indirect_dma source(%dma_start3A_29 : memref<10240x128xf32, #tpu.memory_space<hbm>>) target(%arg12 : memref<64x128xf32, #tpu.memory_space<vmem>>) offsets(%dma_start3A_26 : memref<64xi32, #tpu.memory_space<vmem>>) semaphore(%arg16 : memref<!tpu.dma_semaphore, #tpu.memory_space<semaphore_mem>>)
    %dma_start3A_30 = arith.constant 2 : i32
    %dma_start3A_31 = arith.constant 0 : i32
    %dma_start3A_32 = tpu.memref_slice %arg7[%dma_start3A_30, %dma_start3A_31] : memref<4x64xi32, #tpu.memory_space<vmem>> -> memref<1x64xi32, #tpu.memory_space<vmem>>
    %dma_start3A_33 = tpu.memref_squeeze %dma_start3A_32 : memref<1x64xi32, #tpu.memory_space<vmem>> -> memref<64xi32, #tpu.memory_space<vmem>>
    %dma_start3A_34 = arith.constant 0 : i32
    %dma_start3A_35 = arith.constant 0 : i32
    %dma_start3A_36 = tpu.memref_slice %arg2[%dma_start3A_34, %dma_start3A_35] : memref<10240x128xf32, #tpu.memory_space<hbm>> -> memref<10240x128xf32, #tpu.memory_space<hbm>>
    tpu.enqueue_indirect_dma source(%dma_start3A_36 : memref<10240x128xf32, #tpu.memory_space<hbm>>) target(%arg13 : memref<64x128xf32, #tpu.memory_space<vmem>>) offsets(%dma_start3A_33 : memref<64xi32, #tpu.memory_space<vmem>>) semaphore(%arg17 : memref<!tpu.dma_semaphore, #tpu.memory_space<semaphore_mem>>)
    %dma_start3A_37 = arith.constant 3 : i32
    %dma_start3A_38 = arith.constant 0 : i32
    %dma_start3A_39 = tpu.memref_slice %arg7[%dma_start3A_37, %dma_start3A_38] : memref<4x64xi32, #tpu.memory_space<vmem>> -> memref<1x64xi32, #tpu.memory_space<vmem>>
    %dma_start3A_40 = tpu.memref_squeeze %dma_start3A_39 : memref<1x64xi32, #tpu.memory_space<vmem>> -> memref<64xi32, #tpu.memory_space<vmem>>
    %dma_start3A_41 = arith.constant 0 : i32
    %dma_start3A_42 = arith.constant 0 : i32
    %dma_start3A_43 = tpu.memref_slice %arg2[%dma_start3A_41, %dma_start3A_42] : memref<10240x128xf32, #tpu.memory_space<hbm>> -> memref<10240x128xf32, #tpu.memory_space<hbm>>
    tpu.enqueue_indirect_dma source(%dma_start3A_43 : memref<10240x128xf32, #tpu.memory_space<hbm>>) target(%arg14 : memref<64x128xf32, #tpu.memory_space<vmem>>) offsets(%dma_start3A_40 : memref<64xi32, #tpu.memory_space<vmem>>) semaphore(%arg17 : memref<!tpu.dma_semaphore, #tpu.memory_space<semaphore_mem>>)
    %scan3A = arith.constant 0 : i32
    %scan3A_44 = arith.constant 0 : i32
    %scan3A_45 = arith.constant 20 : i32
    %scan3A_46 = arith.addi %scan3A_44, %scan3A_45 : i32
    %scan3A_47 = arith.constant 1 : i32
    %scan3A_48 = scf.for %scan3A_90 = %scan3A_44 to %scan3A_46 step %scan3A_47 iter_args(%scan3A_91 = %scan3A) -> (i32)  : i32 {
      %dma_wait3A_92 = arith.constant 0 : i32
      %dma_wait3A_93 = arith.constant 0 : i32
      %dma_wait3A_94 = tpu.memref_slice %arg2[%dma_wait3A_92, %dma_wait3A_93] : memref<10240x128xf32, #tpu.memory_space<hbm>> -> memref<64x128xf32, #tpu.memory_space<hbm>>
      %dma_wait3A_95 = arith.constant 0 : i32
      %dma_wait3A_96 = arith.constant 0 : i32
      %dma_wait3A_97 = tpu.memref_slice %arg2[%dma_wait3A_95, %dma_wait3A_96] : memref<10240x128xf32, #tpu.memory_space<hbm>> -> memref<64x128xf32, #tpu.memory_space<hbm>>
      tpu.wait_dma2 semaphore(%arg16 : memref<!tpu.dma_semaphore, #tpu.memory_space<semaphore_mem>>) src(%dma_wait3A_97 : memref<64x128xf32, #tpu.memory_space<hbm>>) dst(%arg11 : memref<64x128xf32, #tpu.memory_space<vmem>>)
      %dma_wait3A_98 = arith.constant 0 : i32
      %dma_wait3A_99 = arith.constant 0 : i32
      %dma_wait3A_100 = tpu.memref_slice %arg2[%dma_wait3A_98, %dma_wait3A_99] : memref<10240x128xf32, #tpu.memory_space<hbm>> -> memref<64x128xf32, #tpu.memory_space<hbm>>
      %dma_wait3A_101 = arith.constant 0 : i32
      %dma_wait3A_102 = arith.constant 0 : i32
      %dma_wait3A_103 = tpu.memref_slice %arg2[%dma_wait3A_101, %dma_wait3A_102] : memref<10240x128xf32, #tpu.memory_space<hbm>> -> memref<64x128xf32, #tpu.memory_space<hbm>>
      tpu.wait_dma2 semaphore(%arg16 : memref<!tpu.dma_semaphore, #tpu.memory_space<semaphore_mem>>) src(%dma_wait3A_103 : memref<64x128xf32, #tpu.memory_space<hbm>>) dst(%arg12 : memref<64x128xf32, #tpu.memory_space<vmem>>)
      %dma_start3A_104 = arith.constant 0 : i32
      %dma_start3A_105 = arith.constant 0 : i32
      %dma_start3A_106 = tpu.memref_slice %arg8[%dma_start3A_104, %dma_start3A_105] : memref<4x64xi32, #tpu.memory_space<vmem>> -> memref<1x64xi32, #tpu.memory_space<vmem>>
      %dma_start3A_107 = tpu.memref_squeeze %dma_start3A_106 : memref<1x64xi32, #tpu.memory_space<vmem>> -> memref<64xi32, #tpu.memory_space<vmem>>
      %dma_start3A_108 = arith.constant 0 : i32
      %dma_start3A_109 = arith.constant 0 : i32
      %dma_start3A_110 = tpu.memref_slice %arg15[%dma_start3A_108, %dma_start3A_109] : memref<10240x128xf32, #tpu.memory_space<vmem_shared>> -> memref<10240x128xf32, #tpu.memory_space<vmem_shared>>
      tpu.enqueue_indirect_dma source(%arg11 : memref<64x128xf32, #tpu.memory_space<vmem>>) target(%dma_start3A_110 : memref<10240x128xf32, #tpu.memory_space<vmem_shared>>) offsets(%dma_start3A_107 : memref<64xi32, #tpu.memory_space<vmem>>) semaphore(%arg18 : memref<!tpu.dma_semaphore, #tpu.memory_space<semaphore_mem>>) {add = true}
      %dma_start3A_111 = arith.constant 1 : i32
      %dma_start3A_112 = arith.constant 0 : i32
      %dma_start3A_113 = tpu.memref_slice %arg8[%dma_start3A_111, %dma_start3A_112] : memref<4x64xi32, #tpu.memory_space<vmem>> -> memref<1x64xi32, #tpu.memory_space<vmem>>
      %dma_start3A_114 = tpu.memref_squeeze %dma_start3A_113 : memref<1x64xi32, #tpu.memory_space<vmem>> -> memref<64xi32, #tpu.memory_space<vmem>>
      %dma_start3A_115 = arith.constant 0 : i32
      %dma_start3A_116 = arith.constant 0 : i32
      %dma_start3A_117 = tpu.memref_slice %arg15[%dma_start3A_115, %dma_start3A_116] : memref<10240x128xf32, #tpu.memory_space<vmem_shared>> -> memref<10240x128xf32, #tpu.memory_space<vmem_shared>>
      tpu.enqueue_indirect_dma source(%arg12 : memref<64x128xf32, #tpu.memory_space<vmem>>) target(%dma_start3A_117 : memref<10240x128xf32, #tpu.memory_space<vmem_shared>>) offsets(%dma_start3A_114 : memref<64xi32, #tpu.memory_space<vmem>>) semaphore(%arg18 : memref<!tpu.dma_semaphore, #tpu.memory_space<semaphore_mem>>) {add = true}
      %dma_wait3A_118 = arith.constant 0 : i32
      %dma_wait3A_119 = arith.constant 0 : i32
      %dma_wait3A_120 = tpu.memref_slice %arg2[%dma_wait3A_118, %dma_wait3A_119] : memref<10240x128xf32, #tpu.memory_space<hbm>> -> memref<64x128xf32, #tpu.memory_space<hbm>>
      %dma_wait3A_121 = arith.constant 0 : i32
      %dma_wait3A_122 = arith.constant 0 : i32
      %dma_wait3A_123 = tpu.memref_slice %arg2[%dma_wait3A_121, %dma_wait3A_122] : memref<10240x128xf32, #tpu.memory_space<hbm>> -> memref<64x128xf32, #tpu.memory_space<hbm>>
      tpu.wait_dma2 semaphore(%arg18 : memref<!tpu.dma_semaphore, #tpu.memory_space<semaphore_mem>>) src(%dma_wait3A_123 : memref<64x128xf32, #tpu.memory_space<hbm>>) dst(%arg11 : memref<64x128xf32, #tpu.memory_space<vmem>>)
      %dma_wait3A_124 = arith.constant 0 : i32
      %dma_wait3A_125 = arith.constant 0 : i32
      %dma_wait3A_126 = tpu.memref_slice %arg2[%dma_wait3A_124, %dma_wait3A_125] : memref<10240x128xf32, #tpu.memory_space<hbm>> -> memref<64x128xf32, #tpu.memory_space<hbm>>
      %dma_wait3A_127 = arith.constant 0 : i32
      %dma_wait3A_128 = arith.constant 0 : i32
      %dma_wait3A_129 = tpu.memref_slice %arg2[%dma_wait3A_127, %dma_wait3A_128] : memref<10240x128xf32, #tpu.memory_space<hbm>> -> memref<64x128xf32, #tpu.memory_space<hbm>>
      tpu.wait_dma2 semaphore(%arg18 : memref<!tpu.dma_semaphore, #tpu.memory_space<semaphore_mem>>) src(%dma_wait3A_129 : memref<64x128xf32, #tpu.memory_space<hbm>>) dst(%arg12 : memref<64x128xf32, #tpu.memory_space<vmem>>)
      %dma_wait3A_130 = arith.constant 0 : i32
      %dma_wait3A_131 = arith.constant 0 : i32
      %dma_wait3A_132 = tpu.memref_slice %arg3[%dma_wait3A_130, %dma_wait3A_131] : memref<5128x64xi32, #tpu.memory_space<hbm>> -> memref<4x64xi32, #tpu.memory_space<hbm>>
      %dma_wait3A_133 = arith.constant 0 : i32
      %dma_wait3A_134 = arith.constant 0 : i32
      %dma_wait3A_135 = tpu.memref_slice %arg3[%dma_wait3A_133, %dma_wait3A_134] : memref<5128x64xi32, #tpu.memory_space<hbm>> -> memref<4x64xi32, #tpu.memory_space<hbm>>
      tpu.wait_dma2 semaphore(%arg21 : memref<!tpu.dma_semaphore, #tpu.memory_space<semaphore_mem>>) src(%dma_wait3A_135 : memref<4x64xi32, #tpu.memory_space<hbm>>) dst(%arg9 : memref<4x64xi32, #tpu.memory_space<vmem>>)
      %dma_wait3A_136 = arith.constant 0 : i32
      %dma_wait3A_137 = arith.constant 0 : i32
      %dma_wait3A_138 = tpu.memref_slice %arg3[%dma_wait3A_136, %dma_wait3A_137] : memref<5128x64xi32, #tpu.memory_space<hbm>> -> memref<4x64xi32, #tpu.memory_space<hbm>>
      %dma_wait3A_139 = arith.constant 0 : i32
      %dma_wait3A_140 = arith.constant 0 : i32
      %dma_wait3A_141 = tpu.memref_slice %arg3[%dma_wait3A_139, %dma_wait3A_140] : memref<5128x64xi32, #tpu.memory_space<hbm>> -> memref<4x64xi32, #tpu.memory_space<hbm>>
      tpu.wait_dma2 semaphore(%arg21 : memref<!tpu.dma_semaphore, #tpu.memory_space<semaphore_mem>>) src(%dma_wait3A_141 : memref<4x64xi32, #tpu.memory_space<hbm>>) dst(%arg10 : memref<4x64xi32, #tpu.memory_space<vmem>>)
      %dma_start3A_142 = arith.constant 0 : i32
      %dma_start3A_143 = arith.constant 0 : i32
      %dma_start3A_144 = tpu.memref_slice %arg9[%dma_start3A_142, %dma_start3A_143] : memref<4x64xi32, #tpu.memory_space<vmem>> -> memref<1x64xi32, #tpu.memory_space<vmem>>
      %dma_start3A_145 = tpu.memref_squeeze %dma_start3A_144 : memref<1x64xi32, #tpu.memory_space<vmem>> -> memref<64xi32, #tpu.memory_space<vmem>>
      %dma_start3A_146 = arith.constant 0 : i32
      %dma_start3A_147 = arith.constant 0 : i32
      %dma_start3A_148 = tpu.memref_slice %arg2[%dma_start3A_146, %dma_start3A_147] : memref<10240x128xf32, #tpu.memory_space<hbm>> -> memref<10240x128xf32, #tpu.memory_space<hbm>>
      tpu.enqueue_indirect_dma source(%dma_start3A_148 : memref<10240x128xf32, #tpu.memory_space<hbm>>) target(%arg11 : memref<64x128xf32, #tpu.memory_space<vmem>>) offsets(%dma_start3A_145 : memref<64xi32, #tpu.memory_space<vmem>>) semaphore(%arg16 : memref<!tpu.dma_semaphore, #tpu.memory_space<semaphore_mem>>)
      %dma_start3A_149 = arith.constant 1 : i32
      %dma_start3A_150 = arith.constant 0 : i32
      %dma_start3A_151 = tpu.memref_slice %arg9[%dma_start3A_149, %dma_start3A_150] : memref<4x64xi32, #tpu.memory_space<vmem>> -> memref<1x64xi32, #tpu.memory_space<vmem>>
      %dma_start3A_152 = tpu.memref_squeeze %dma_start3A_151 : memref<1x64xi32, #tpu.memory_space<vmem>> -> memref<64xi32, #tpu.memory_space<vmem>>
      %dma_start3A_153 = arith.constant 0 : i32
      %dma_start3A_154 = arith.constant 0 : i32
      %dma_start3A_155 = tpu.memref_slice %arg2[%dma_start3A_153, %dma_start3A_154] : memref<10240x128xf32, #tpu.memory_space<hbm>> -> memref<10240x128xf32, #tpu.memory_space<hbm>>
      tpu.enqueue_indirect_dma source(%dma_start3A_155 : memref<10240x128xf32, #tpu.memory_space<hbm>>) target(%arg12 : memref<64x128xf32, #tpu.memory_space<vmem>>) offsets(%dma_start3A_152 : memref<64xi32, #tpu.memory_space<vmem>>) semaphore(%arg16 : memref<!tpu.dma_semaphore, #tpu.memory_space<semaphore_mem>>)
      %dma_wait3A_156 = arith.constant 0 : i32
      %dma_wait3A_157 = arith.constant 0 : i32
      %dma_wait3A_158 = tpu.memref_slice %arg2[%dma_wait3A_156, %dma_wait3A_157] : memref<10240x128xf32, #tpu.memory_space<hbm>> -> memref<64x128xf32, #tpu.memory_space<hbm>>
      %dma_wait3A_159 = arith.constant 0 : i32
      %dma_wait3A_160 = arith.constant 0 : i32
      %dma_wait3A_161 = tpu.memref_slice %arg2[%dma_wait3A_159, %dma_wait3A_160] : memref<10240x128xf32, #tpu.memory_space<hbm>> -> memref<64x128xf32, #tpu.memory_space<hbm>>
      tpu.wait_dma2 semaphore(%arg17 : memref<!tpu.dma_semaphore, #tpu.memory_space<semaphore_mem>>) src(%dma_wait3A_161 : memref<64x128xf32, #tpu.memory_space<hbm>>) dst(%arg13 : memref<64x128xf32, #tpu.memory_space<vmem>>)
      %dma_wait3A_162 = arith.constant 0 : i32
      %dma_wait3A_163 = arith.constant 0 : i32
      %dma_wait3A_164 = tpu.memref_slice %arg2[%dma_wait3A_162, %dma_wait3A_163] : memref<10240x128xf32, #tpu.memory_space<hbm>> -> memref<64x128xf32, #tpu.memory_space<hbm>>
      %dma_wait3A_165 = arith.constant 0 : i32
      %dma_wait3A_166 = arith.constant 0 : i32
      %dma_wait3A_167 = tpu.memref_slice %arg2[%dma_wait3A_165, %dma_wait3A_166] : memref<10240x128xf32, #tpu.memory_space<hbm>> -> memref<64x128xf32, #tpu.memory_space<hbm>>
      tpu.wait_dma2 semaphore(%arg17 : memref<!tpu.dma_semaphore, #tpu.memory_space<semaphore_mem>>) src(%dma_wait3A_167 : memref<64x128xf32, #tpu.memory_space<hbm>>) dst(%arg14 : memref<64x128xf32, #tpu.memory_space<vmem>>)
      %dma_start3A_168 = arith.constant 2 : i32
      %dma_start3A_169 = arith.constant 0 : i32
      %dma_start3A_170 = tpu.memref_slice %arg8[%dma_start3A_168, %dma_start3A_169] : memref<4x64xi32, #tpu.memory_space<vmem>> -> memref<1x64xi32, #tpu.memory_space<vmem>>
      %dma_start3A_171 = tpu.memref_squeeze %dma_start3A_170 : memref<1x64xi32, #tpu.memory_space<vmem>> -> memref<64xi32, #tpu.memory_space<vmem>>
      %dma_start3A_172 = arith.constant 0 : i32
      %dma_start3A_173 = arith.constant 0 : i32
      %dma_start3A_174 = tpu.memref_slice %arg15[%dma_start3A_172, %dma_start3A_173] : memref<10240x128xf32, #tpu.memory_space<vmem_shared>> -> memref<10240x128xf32, #tpu.memory_space<vmem_shared>>
      tpu.enqueue_indirect_dma source(%arg13 : memref<64x128xf32, #tpu.memory_space<vmem>>) target(%dma_start3A_174 : memref<10240x128xf32, #tpu.memory_space<vmem_shared>>) offsets(%dma_start3A_171 : memref<64xi32, #tpu.memory_space<vmem>>) semaphore(%arg19 : memref<!tpu.dma_semaphore, #tpu.memory_space<semaphore_mem>>) {add = true}
      %dma_start3A_175 = arith.constant 3 : i32
      %dma_start3A_176 = arith.constant 0 : i32
      %dma_start3A_177 = tpu.memref_slice %arg8[%dma_start3A_175, %dma_start3A_176] : memref<4x64xi32, #tpu.memory_space<vmem>> -> memref<1x64xi32, #tpu.memory_space<vmem>>
      %dma_start3A_178 = tpu.memref_squeeze %dma_start3A_177 : memref<1x64xi32, #tpu.memory_space<vmem>> -> memref<64xi32, #tpu.memory_space<vmem>>
      %dma_start3A_179 = arith.constant 0 : i32
      %dma_start3A_180 = arith.constant 0 : i32
      %dma_start3A_181 = tpu.memref_slice %arg15[%dma_start3A_179, %dma_start3A_180] : memref<10240x128xf32, #tpu.memory_space<vmem_shared>> -> memref<10240x128xf32, #tpu.memory_space<vmem_shared>>
      tpu.enqueue_indirect_dma source(%arg14 : memref<64x128xf32, #tpu.memory_space<vmem>>) target(%dma_start3A_181 : memref<10240x128xf32, #tpu.memory_space<vmem_shared>>) offsets(%dma_start3A_178 : memref<64xi32, #tpu.memory_space<vmem>>) semaphore(%arg19 : memref<!tpu.dma_semaphore, #tpu.memory_space<semaphore_mem>>) {add = true}
      %dma_wait3A_182 = arith.constant 0 : i32
      %dma_wait3A_183 = arith.constant 0 : i32
      %dma_wait3A_184 = tpu.memref_slice %arg2[%dma_wait3A_182, %dma_wait3A_183] : memref<10240x128xf32, #tpu.memory_space<hbm>> -> memref<64x128xf32, #tpu.memory_space<hbm>>
      %dma_wait3A_185 = arith.constant 0 : i32
      %dma_wait3A_186 = arith.constant 0 : i32
      %dma_wait3A_187 = tpu.memref_slice %arg2[%dma_wait3A_185, %dma_wait3A_186] : memref<10240x128xf32, #tpu.memory_space<hbm>> -> memref<64x128xf32, #tpu.memory_space<hbm>>
      tpu.wait_dma2 semaphore(%arg19 : memref<!tpu.dma_semaphore, #tpu.memory_space<semaphore_mem>>) src(%dma_wait3A_187 : memref<64x128xf32, #tpu.memory_space<hbm>>) dst(%arg13 : memref<64x128xf32, #tpu.memory_space<vmem>>)
      %dma_wait3A_188 = arith.constant 0 : i32
      %dma_wait3A_189 = arith.constant 0 : i32
      %dma_wait3A_190 = tpu.memref_slice %arg2[%dma_wait3A_188, %dma_wait3A_189] : memref<10240x128xf32, #tpu.memory_space<hbm>> -> memref<64x128xf32, #tpu.memory_space<hbm>>
      %dma_wait3A_191 = arith.constant 0 : i32
      %dma_wait3A_192 = arith.constant 0 : i32
      %dma_wait3A_193 = tpu.memref_slice %arg2[%dma_wait3A_191, %dma_wait3A_192] : memref<10240x128xf32, #tpu.memory_space<hbm>> -> memref<64x128xf32, #tpu.memory_space<hbm>>
      tpu.wait_dma2 semaphore(%arg19 : memref<!tpu.dma_semaphore, #tpu.memory_space<semaphore_mem>>) src(%dma_wait3A_193 : memref<64x128xf32, #tpu.memory_space<hbm>>) dst(%arg14 : memref<64x128xf32, #tpu.memory_space<vmem>>)
      %mul3A_194 = arith.constant 2 : i32
      %mul3A_195 = arith.muli %mul3A_194, %scan3A_90 : i32
      %add3A_196 = arith.constant 2 : i32
      %add3A_197 = arith.addi %mul3A_195, %add3A_196 : i32
      %mul3A_198 = arith.constant 4 : i32
      %mul3A_199 = arith.muli %mul3A_198, %add3A_197 : i32
      %add3A_200 = arith.addi %mul3A_2, %mul3A_199 : i32
      %dma_start3A_201 = arith.constant 0 : i32
      %dma_start3A_202 = tpu.memref_slice %arg3[%add3A_200, %dma_start3A_201] : memref<5128x64xi32, #tpu.memory_space<hbm>> -> memref<4x64xi32, #tpu.memory_space<hbm>>
      %dma_start3A_203 = arith.constant 0 : i32
      %dma_start3A_204 = tpu.memref_slice %arg3[%add3A_200, %dma_start3A_203] : memref<5128x64xi32, #tpu.memory_space<hbm>> -> memref<4x64xi32, #tpu.memory_space<hbm>>
      tpu.enqueue_dma source(%dma_start3A_204 : memref<4x64xi32, #tpu.memory_space<hbm>>) target(%arg7 : memref<4x64xi32, #tpu.memory_space<vmem>>) target_semaphore(%arg20 : memref<!tpu.dma_semaphore, #tpu.memory_space<semaphore_mem>>)
      %mul3A_205 = arith.constant 4 : i32
      %mul3A_206 = arith.muli %mul3A_205, %add3A_197 : i32
      %add3A_207 = arith.addi %mul3A_2, %mul3A_206 : i32
      %dma_start3A_208 = arith.constant 0 : i32
      %dma_start3A_209 = tpu.memref_slice %arg4[%add3A_207, %dma_start3A_208] : memref<5128x64xi32, #tpu.memory_space<hbm>> -> memref<4x64xi32, #tpu.memory_space<hbm>>
      %dma_start3A_210 = arith.constant 0 : i32
      %dma_start3A_211 = tpu.memref_slice %arg4[%add3A_207, %dma_start3A_210] : memref<5128x64xi32, #tpu.memory_space<hbm>> -> memref<4x64xi32, #tpu.memory_space<hbm>>
      tpu.enqueue_dma source(%dma_start3A_211 : memref<4x64xi32, #tpu.memory_space<hbm>>) target(%arg8 : memref<4x64xi32, #tpu.memory_space<vmem>>) target_semaphore(%arg20 : memref<!tpu.dma_semaphore, #tpu.memory_space<semaphore_mem>>)
      %dma_start3A_212 = arith.constant 2 : i32
      %dma_start3A_213 = arith.constant 0 : i32
      %dma_start3A_214 = tpu.memref_slice %arg9[%dma_start3A_212, %dma_start3A_213] : memref<4x64xi32, #tpu.memory_space<vmem>> -> memref<1x64xi32, #tpu.memory_space<vmem>>
      %dma_start3A_215 = tpu.memref_squeeze %dma_start3A_214 : memref<1x64xi32, #tpu.memory_space<vmem>> -> memref<64xi32, #tpu.memory_space<vmem>>
      %dma_start3A_216 = arith.constant 0 : i32
      %dma_start3A_217 = arith.constant 0 : i32
      %dma_start3A_218 = tpu.memref_slice %arg2[%dma_start3A_216, %dma_start3A_217] : memref<10240x128xf32, #tpu.memory_space<hbm>> -> memref<10240x128xf32, #tpu.memory_space<hbm>>
      tpu.enqueue_indirect_dma source(%dma_start3A_218 : memref<10240x128xf32, #tpu.memory_space<hbm>>) target(%arg13 : memref<64x128xf32, #tpu.memory_space<vmem>>) offsets(%dma_start3A_215 : memref<64xi32, #tpu.memory_space<vmem>>) semaphore(%arg17 : memref<!tpu.dma_semaphore, #tpu.memory_space<semaphore_mem>>)
      %dma_start3A_219 = arith.constant 3 : i32
      %dma_start3A_220 = arith.constant 0 : i32
      %dma_start3A_221 = tpu.memref_slice %arg9[%dma_start3A_219, %dma_start3A_220] : memref<4x64xi32, #tpu.memory_space<vmem>> -> memref<1x64xi32, #tpu.memory_space<vmem>>
      %dma_start3A_222 = tpu.memref_squeeze %dma_start3A_221 : memref<1x64xi32, #tpu.memory_space<vmem>> -> memref<64xi32, #tpu.memory_space<vmem>>
      %dma_start3A_223 = arith.constant 0 : i32
      %dma_start3A_224 = arith.constant 0 : i32
      %dma_start3A_225 = tpu.memref_slice %arg2[%dma_start3A_223, %dma_start3A_224] : memref<10240x128xf32, #tpu.memory_space<hbm>> -> memref<10240x128xf32, #tpu.memory_space<hbm>>
      tpu.enqueue_indirect_dma source(%dma_start3A_225 : memref<10240x128xf32, #tpu.memory_space<hbm>>) target(%arg14 : memref<64x128xf32, #tpu.memory_space<vmem>>) offsets(%dma_start3A_222 : memref<64xi32, #tpu.memory_space<vmem>>) semaphore(%arg17 : memref<!tpu.dma_semaphore, #tpu.memory_space<semaphore_mem>>)
      %dma_wait3A_226 = arith.constant 0 : i32
      %dma_wait3A_227 = arith.constant 0 : i32
      %dma_wait3A_228 = tpu.memref_slice %arg2[%dma_wait3A_226, %dma_wait3A_227] : memref<10240x128xf32, #tpu.memory_space<hbm>> -> memref<64x128xf32, #tpu.memory_space<hbm>>
      %dma_wait3A_229 = arith.constant 0 : i32
      %dma_wait3A_230 = arith.constant 0 : i32
      %dma_wait3A_231 = tpu.memref_slice %arg2[%dma_wait3A_229, %dma_wait3A_230] : memref<10240x128xf32, #tpu.memory_space<hbm>> -> memref<64x128xf32, #tpu.memory_space<hbm>>
      tpu.wait_dma2 semaphore(%arg16 : memref<!tpu.dma_semaphore, #tpu.memory_space<semaphore_mem>>) src(%dma_wait3A_231 : memref<64x128xf32, #tpu.memory_space<hbm>>) dst(%arg11 : memref<64x128xf32, #tpu.memory_space<vmem>>)
      %dma_wait3A_232 = arith.constant 0 : i32
      %dma_wait3A_233 = arith.constant 0 : i32
      %dma_wait3A_234 = tpu.memref_slice %arg2[%dma_wait3A_232, %dma_wait3A_233] : memref<10240x128xf32, #tpu.memory_space<hbm>> -> memref<64x128xf32, #tpu.memory_space<hbm>>
      %dma_wait3A_235 = arith.constant 0 : i32
      %dma_wait3A_236 = arith.constant 0 : i32
      %dma_wait3A_237 = tpu.memref_slice %arg2[%dma_wait3A_235, %dma_wait3A_236] : memref<10240x128xf32, #tpu.memory_space<hbm>> -> memref<64x128xf32, #tpu.memory_space<hbm>>
      tpu.wait_dma2 semaphore(%arg16 : memref<!tpu.dma_semaphore, #tpu.memory_space<semaphore_mem>>) src(%dma_wait3A_237 : memref<64x128xf32, #tpu.memory_space<hbm>>) dst(%arg12 : memref<64x128xf32, #tpu.memory_space<vmem>>)
      %dma_start3A_238 = arith.constant 0 : i32
      %dma_start3A_239 = arith.constant 0 : i32
      %dma_start3A_240 = tpu.memref_slice %arg10[%dma_start3A_238, %dma_start3A_239] : memref<4x64xi32, #tpu.memory_space<vmem>> -> memref<1x64xi32, #tpu.memory_space<vmem>>
      %dma_start3A_241 = tpu.memref_squeeze %dma_start3A_240 : memref<1x64xi32, #tpu.memory_space<vmem>> -> memref<64xi32, #tpu.memory_space<vmem>>
      %dma_start3A_242 = arith.constant 0 : i32
      %dma_start3A_243 = arith.constant 0 : i32
      %dma_start3A_244 = tpu.memref_slice %arg15[%dma_start3A_242, %dma_start3A_243] : memref<10240x128xf32, #tpu.memory_space<vmem_shared>> -> memref<10240x128xf32, #tpu.memory_space<vmem_shared>>
      tpu.enqueue_indirect_dma source(%arg11 : memref<64x128xf32, #tpu.memory_space<vmem>>) target(%dma_start3A_244 : memref<10240x128xf32, #tpu.memory_space<vmem_shared>>) offsets(%dma_start3A_241 : memref<64xi32, #tpu.memory_space<vmem>>) semaphore(%arg18 : memref<!tpu.dma_semaphore, #tpu.memory_space<semaphore_mem>>) {add = true}
      %dma_start3A_245 = arith.constant 1 : i32
      %dma_start3A_246 = arith.constant 0 : i32
      %dma_start3A_247 = tpu.memref_slice %arg10[%dma_start3A_245, %dma_start3A_246] : memref<4x64xi32, #tpu.memory_space<vmem>> -> memref<1x64xi32, #tpu.memory_space<vmem>>
      %dma_start3A_248 = tpu.memref_squeeze %dma_start3A_247 : memref<1x64xi32, #tpu.memory_space<vmem>> -> memref<64xi32, #tpu.memory_space<vmem>>
      %dma_start3A_249 = arith.constant 0 : i32
      %dma_start3A_250 = arith.constant 0 : i32
      %dma_start3A_251 = tpu.memref_slice %arg15[%dma_start3A_249, %dma_start3A_250] : memref<10240x128xf32, #tpu.memory_space<vmem_shared>> -> memref<10240x128xf32, #tpu.memory_space<vmem_shared>>
      tpu.enqueue_indirect_dma source(%arg12 : memref<64x128xf32, #tpu.memory_space<vmem>>) target(%dma_start3A_251 : memref<10240x128xf32, #tpu.memory_space<vmem_shared>>) offsets(%dma_start3A_248 : memref<64xi32, #tpu.memory_space<vmem>>) semaphore(%arg18 : memref<!tpu.dma_semaphore, #tpu.memory_space<semaphore_mem>>) {add = true}
      %dma_wait3A_252 = arith.constant 0 : i32
      %dma_wait3A_253 = arith.constant 0 : i32
      %dma_wait3A_254 = tpu.memref_slice %arg2[%dma_wait3A_252, %dma_wait3A_253] : memref<10240x128xf32, #tpu.memory_space<hbm>> -> memref<64x128xf32, #tpu.memory_space<hbm>>
      %dma_wait3A_255 = arith.constant 0 : i32
      %dma_wait3A_256 = arith.constant 0 : i32
      %dma_wait3A_257 = tpu.memref_slice %arg2[%dma_wait3A_255, %dma_wait3A_256] : memref<10240x128xf32, #tpu.memory_space<hbm>> -> memref<64x128xf32, #tpu.memory_space<hbm>>
      tpu.wait_dma2 semaphore(%arg18 : memref<!tpu.dma_semaphore, #tpu.memory_space<semaphore_mem>>) src(%dma_wait3A_257 : memref<64x128xf32, #tpu.memory_space<hbm>>) dst(%arg11 : memref<64x128xf32, #tpu.memory_space<vmem>>)
      %dma_wait3A_258 = arith.constant 0 : i32
      %dma_wait3A_259 = arith.constant 0 : i32
      %dma_wait3A_260 = tpu.memref_slice %arg2[%dma_wait3A_258, %dma_wait3A_259] : memref<10240x128xf32, #tpu.memory_space<hbm>> -> memref<64x128xf32, #tpu.memory_space<hbm>>
      %dma_wait3A_261 = arith.constant 0 : i32
      %dma_wait3A_262 = arith.constant 0 : i32
      %dma_wait3A_263 = tpu.memref_slice %arg2[%dma_wait3A_261, %dma_wait3A_262] : memref<10240x128xf32, #tpu.memory_space<hbm>> -> memref<64x128xf32, #tpu.memory_space<hbm>>
      tpu.wait_dma2 semaphore(%arg18 : memref<!tpu.dma_semaphore, #tpu.memory_space<semaphore_mem>>) src(%dma_wait3A_263 : memref<64x128xf32, #tpu.memory_space<hbm>>) dst(%arg12 : memref<64x128xf32, #tpu.memory_space<vmem>>)
      %dma_wait3A_264 = arith.constant 0 : i32
      %dma_wait3A_265 = arith.constant 0 : i32
      %dma_wait3A_266 = tpu.memref_slice %arg3[%dma_wait3A_264, %dma_wait3A_265] : memref<5128x64xi32, #tpu.memory_space<hbm>> -> memref<4x64xi32, #tpu.memory_space<hbm>>
      %dma_wait3A_267 = arith.constant 0 : i32
      %dma_wait3A_268 = arith.constant 0 : i32
      %dma_wait3A_269 = tpu.memref_slice %arg3[%dma_wait3A_267, %dma_wait3A_268] : memref<5128x64xi32, #tpu.memory_space<hbm>> -> memref<4x64xi32, #tpu.memory_space<hbm>>
      tpu.wait_dma2 semaphore(%arg20 : memref<!tpu.dma_semaphore, #tpu.memory_space<semaphore_mem>>) src(%dma_wait3A_269 : memref<4x64xi32, #tpu.memory_space<hbm>>) dst(%arg7 : memref<4x64xi32, #tpu.memory_space<vmem>>)
      %dma_wait3A_270 = arith.constant 0 : i32
      %dma_wait3A_271 = arith.constant 0 : i32
      %dma_wait3A_272 = tpu.memref_slice %arg3[%dma_wait3A_270, %dma_wait3A_271] : memref<5128x64xi32, #tpu.memory_space<hbm>> -> memref<4x64xi32, #tpu.memory_space<hbm>>
      %dma_wait3A_273 = arith.constant 0 : i32
      %dma_wait3A_274 = arith.constant 0 : i32
      %dma_wait3A_275 = tpu.memref_slice %arg3[%dma_wait3A_273, %dma_wait3A_274] : memref<5128x64xi32, #tpu.memory_space<hbm>> -> memref<4x64xi32, #tpu.memory_space<hbm>>
      tpu.wait_dma2 semaphore(%arg20 : memref<!tpu.dma_semaphore, #tpu.memory_space<semaphore_mem>>) src(%dma_wait3A_275 : memref<4x64xi32, #tpu.memory_space<hbm>>) dst(%arg8 : memref<4x64xi32, #tpu.memory_space<vmem>>)
      %dma_start3A_276 = arith.constant 0 : i32
      %dma_start3A_277 = arith.constant 0 : i32
      %dma_start3A_278 = tpu.memref_slice %arg7[%dma_start3A_276, %dma_start3A_277] : memref<4x64xi32, #tpu.memory_space<vmem>> -> memref<1x64xi32, #tpu.memory_space<vmem>>
      %dma_start3A_279 = tpu.memref_squeeze %dma_start3A_278 : memref<1x64xi32, #tpu.memory_space<vmem>> -> memref<64xi32, #tpu.memory_space<vmem>>
      %dma_start3A_280 = arith.constant 0 : i32
      %dma_start3A_281 = arith.constant 0 : i32
      %dma_start3A_282 = tpu.memref_slice %arg2[%dma_start3A_280, %dma_start3A_281] : memref<10240x128xf32, #tpu.memory_space<hbm>> -> memref<10240x128xf32, #tpu.memory_space<hbm>>
      tpu.enqueue_indirect_dma source(%dma_start3A_282 : memref<10240x128xf32, #tpu.memory_space<hbm>>) target(%arg11 : memref<64x128xf32, #tpu.memory_space<vmem>>) offsets(%dma_start3A_279 : memref<64xi32, #tpu.memory_space<vmem>>) semaphore(%arg16 : memref<!tpu.dma_semaphore, #tpu.memory_space<semaphore_mem>>)
      %dma_start3A_283 = arith.constant 1 : i32
      %dma_start3A_284 = arith.constant 0 : i32
      %dma_start3A_285 = tpu.memref_slice %arg7[%dma_start3A_283, %dma_start3A_284] : memref<4x64xi32, #tpu.memory_space<vmem>> -> memref<1x64xi32, #tpu.memory_space<vmem>>
      %dma_start3A_286 = tpu.memref_squeeze %dma_start3A_285 : memref<1x64xi32, #tpu.memory_space<vmem>> -> memref<64xi32, #tpu.memory_space<vmem>>
      %dma_start3A_287 = arith.constant 0 : i32
      %dma_start3A_288 = arith.constant 0 : i32
      %dma_start3A_289 = tpu.memref_slice %arg2[%dma_start3A_287, %dma_start3A_288] : memref<10240x128xf32, #tpu.memory_space<hbm>> -> memref<10240x128xf32, #tpu.memory_space<hbm>>
      tpu.enqueue_indirect_dma source(%dma_start3A_289 : memref<10240x128xf32, #tpu.memory_space<hbm>>) target(%arg12 : memref<64x128xf32, #tpu.memory_space<vmem>>) offsets(%dma_start3A_286 : memref<64xi32, #tpu.memory_space<vmem>>) semaphore(%arg16 : memref<!tpu.dma_semaphore, #tpu.memory_space<semaphore_mem>>)
      %dma_wait3A_290 = arith.constant 0 : i32
      %dma_wait3A_291 = arith.constant 0 : i32
      %dma_wait3A_292 = tpu.memref_slice %arg2[%dma_wait3A_290, %dma_wait3A_291] : memref<10240x128xf32, #tpu.memory_space<hbm>> -> memref<64x128xf32, #tpu.memory_space<hbm>>
      %dma_wait3A_293 = arith.constant 0 : i32
      %dma_wait3A_294 = arith.constant 0 : i32
      %dma_wait3A_295 = tpu.memref_slice %arg2[%dma_wait3A_293, %dma_wait3A_294] : memref<10240x128xf32, #tpu.memory_space<hbm>> -> memref<64x128xf32, #tpu.memory_space<hbm>>
      tpu.wait_dma2 semaphore(%arg17 : memref<!tpu.dma_semaphore, #tpu.memory_space<semaphore_mem>>) src(%dma_wait3A_295 : memref<64x128xf32, #tpu.memory_space<hbm>>) dst(%arg13 : memref<64x128xf32, #tpu.memory_space<vmem>>)
      %dma_wait3A_296 = arith.constant 0 : i32
      %dma_wait3A_297 = arith.constant 0 : i32
      %dma_wait3A_298 = tpu.memref_slice %arg2[%dma_wait3A_296, %dma_wait3A_297] : memref<10240x128xf32, #tpu.memory_space<hbm>> -> memref<64x128xf32, #tpu.memory_space<hbm>>
      %dma_wait3A_299 = arith.constant 0 : i32
      %dma_wait3A_300 = arith.constant 0 : i32
      %dma_wait3A_301 = tpu.memref_slice %arg2[%dma_wait3A_299, %dma_wait3A_300] : memref<10240x128xf32, #tpu.memory_space<hbm>> -> memref<64x128xf32, #tpu.memory_space<hbm>>
      tpu.wait_dma2 semaphore(%arg17 : memref<!tpu.dma_semaphore, #tpu.memory_space<semaphore_mem>>) src(%dma_wait3A_301 : memref<64x128xf32, #tpu.memory_space<hbm>>) dst(%arg14 : memref<64x128xf32, #tpu.memory_space<vmem>>)
      %dma_start3A_302 = arith.constant 2 : i32
      %dma_start3A_303 = arith.constant 0 : i32
      %dma_start3A_304 = tpu.memref_slice %arg10[%dma_start3A_302, %dma_start3A_303] : memref<4x64xi32, #tpu.memory_space<vmem>> -> memref<1x64xi32, #tpu.memory_space<vmem>>
      %dma_start3A_305 = tpu.memref_squeeze %dma_start3A_304 : memref<1x64xi32, #tpu.memory_space<vmem>> -> memref<64xi32, #tpu.memory_space<vmem>>
      %dma_start3A_306 = arith.constant 0 : i32
      %dma_start3A_307 = arith.constant 0 : i32
      %dma_start3A_308 = tpu.memref_slice %arg15[%dma_start3A_306, %dma_start3A_307] : memref<10240x128xf32, #tpu.memory_space<vmem_shared>> -> memref<10240x128xf32, #tpu.memory_space<vmem_shared>>
      tpu.enqueue_indirect_dma source(%arg13 : memref<64x128xf32, #tpu.memory_space<vmem>>) target(%dma_start3A_308 : memref<10240x128xf32, #tpu.memory_space<vmem_shared>>) offsets(%dma_start3A_305 : memref<64xi32, #tpu.memory_space<vmem>>) semaphore(%arg19 : memref<!tpu.dma_semaphore, #tpu.memory_space<semaphore_mem>>) {add = true}
      %dma_start3A_309 = arith.constant 3 : i32
      %dma_start3A_310 = arith.constant 0 : i32
      %dma_start3A_311 = tpu.memref_slice %arg10[%dma_start3A_309, %dma_start3A_310] : memref<4x64xi32, #tpu.memory_space<vmem>> -> memref<1x64xi32, #tpu.memory_space<vmem>>
      %dma_start3A_312 = tpu.memref_squeeze %dma_start3A_311 : memref<1x64xi32, #tpu.memory_space<vmem>> -> memref<64xi32, #tpu.memory_space<vmem>>
      %dma_start3A_313 = arith.constant 0 : i32
      %dma_start3A_314 = arith.constant 0 : i32
      %dma_start3A_315 = tpu.memref_slice %arg15[%dma_start3A_313, %dma_start3A_314] : memref<10240x128xf32, #tpu.memory_space<vmem_shared>> -> memref<10240x128xf32, #tpu.memory_space<vmem_shared>>
      tpu.enqueue_indirect_dma source(%arg14 : memref<64x128xf32, #tpu.memory_space<vmem>>) target(%dma_start3A_315 : memref<10240x128xf32, #tpu.memory_space<vmem_shared>>) offsets(%dma_start3A_312 : memref<64xi32, #tpu.memory_space<vmem>>) semaphore(%arg19 : memref<!tpu.dma_semaphore, #tpu.memory_space<semaphore_mem>>) {add = true}
      %dma_wait3A_316 = arith.constant 0 : i32
      %dma_wait3A_317 = arith.constant 0 : i32
      %dma_wait3A_318 = tpu.memref_slice %arg2[%dma_wait3A_316, %dma_wait3A_317] : memref<10240x128xf32, #tpu.memory_space<hbm>> -> memref<64x128xf32, #tpu.memory_space<hbm>>
      %dma_wait3A_319 = arith.constant 0 : i32
      %dma_wait3A_320 = arith.constant 0 : i32
      %dma_wait3A_321 = tpu.memref_slice %arg2[%dma_wait3A_319, %dma_wait3A_320] : memref<10240x128xf32, #tpu.memory_space<hbm>> -> memref<64x128xf32, #tpu.memory_space<hbm>>
      tpu.wait_dma2 semaphore(%arg19 : memref<!tpu.dma_semaphore, #tpu.memory_space<semaphore_mem>>) src(%dma_wait3A_321 : memref<64x128xf32, #tpu.memory_space<hbm>>) dst(%arg13 : memref<64x128xf32, #tpu.memory_space<vmem>>)
      %dma_wait3A_322 = arith.constant 0 : i32
      %dma_wait3A_323 = arith.constant 0 : i32
      %dma_wait3A_324 = tpu.memref_slice %arg2[%dma_wait3A_322, %dma_wait3A_323] : memref<10240x128xf32, #tpu.memory_space<hbm>> -> memref<64x128xf32, #tpu.memory_space<hbm>>
      %dma_wait3A_325 = arith.constant 0 : i32
      %dma_wait3A_326 = arith.constant 0 : i32
      %dma_wait3A_327 = tpu.memref_slice %arg2[%dma_wait3A_325, %dma_wait3A_326] : memref<10240x128xf32, #tpu.memory_space<hbm>> -> memref<64x128xf32, #tpu.memory_space<hbm>>
      tpu.wait_dma2 semaphore(%arg19 : memref<!tpu.dma_semaphore, #tpu.memory_space<semaphore_mem>>) src(%dma_wait3A_327 : memref<64x128xf32, #tpu.memory_space<hbm>>) dst(%arg14 : memref<64x128xf32, #tpu.memory_space<vmem>>)
      %mul3A_328 = arith.constant 2 : i32
      %mul3A_329 = arith.muli %mul3A_328, %scan3A_90 : i32
      %add3A_330 = arith.constant 3 : i32
      %add3A_331 = arith.addi %mul3A_329, %add3A_330 : i32
      %mul3A_332 = arith.constant 4 : i32
      %mul3A_333 = arith.muli %mul3A_332, %add3A_331 : i32
      %add3A_334 = arith.addi %mul3A_2, %mul3A_333 : i32
      %dma_start3A_335 = arith.constant 0 : i32
      %dma_start3A_336 = tpu.memref_slice %arg3[%add3A_334, %dma_start3A_335] : memref<5128x64xi32, #tpu.memory_space<hbm>> -> memref<4x64xi32, #tpu.memory_space<hbm>>
      %dma_start3A_337 = arith.constant 0 : i32
      %dma_start3A_338 = tpu.memref_slice %arg3[%add3A_334, %dma_start3A_337] : memref<5128x64xi32, #tpu.memory_space<hbm>> -> memref<4x64xi32, #tpu.memory_space<hbm>>
      tpu.enqueue_dma source(%dma_start3A_338 : memref<4x64xi32, #tpu.memory_space<hbm>>) target(%arg9 : memref<4x64xi32, #tpu.memory_space<vmem>>) target_semaphore(%arg21 : memref<!tpu.dma_semaphore, #tpu.memory_space<semaphore_mem>>)
      %mul3A_339 = arith.constant 4 : i32
      %mul3A_340 = arith.muli %mul3A_339, %add3A_331 : i32
      %add3A_341 = arith.addi %mul3A_2, %mul3A_340 : i32
      %dma_start3A_342 = arith.constant 0 : i32
      %dma_start3A_343 = tpu.memref_slice %arg4[%add3A_341, %dma_start3A_342] : memref<5128x64xi32, #tpu.memory_space<hbm>> -> memref<4x64xi32, #tpu.memory_space<hbm>>
      %dma_start3A_344 = arith.constant 0 : i32
      %dma_start3A_345 = tpu.memref_slice %arg4[%add3A_341, %dma_start3A_344] : memref<5128x64xi32, #tpu.memory_space<hbm>> -> memref<4x64xi32, #tpu.memory_space<hbm>>
      tpu.enqueue_dma source(%dma_start3A_345 : memref<4x64xi32, #tpu.memory_space<hbm>>) target(%arg10 : memref<4x64xi32, #tpu.memory_space<vmem>>) target_semaphore(%arg21 : memref<!tpu.dma_semaphore, #tpu.memory_space<semaphore_mem>>)
      %dma_start3A_346 = arith.constant 2 : i32
      %dma_start3A_347 = arith.constant 0 : i32
      %dma_start3A_348 = tpu.memref_slice %arg7[%dma_start3A_346, %dma_start3A_347] : memref<4x64xi32, #tpu.memory_space<vmem>> -> memref<1x64xi32, #tpu.memory_space<vmem>>
      %dma_start3A_349 = tpu.memref_squeeze %dma_start3A_348 : memref<1x64xi32, #tpu.memory_space<vmem>> -> memref<64xi32, #tpu.memory_space<vmem>>
      %dma_start3A_350 = arith.constant 0 : i32
      %dma_start3A_351 = arith.constant 0 : i32
      %dma_start3A_352 = tpu.memref_slice %arg2[%dma_start3A_350, %dma_start3A_351] : memref<10240x128xf32, #tpu.memory_space<hbm>> -> memref<10240x128xf32, #tpu.memory_space<hbm>>
      tpu.enqueue_indirect_dma source(%dma_start3A_352 : memref<10240x128xf32, #tpu.memory_space<hbm>>) target(%arg13 : memref<64x128xf32, #tpu.memory_space<vmem>>) offsets(%dma_start3A_349 : memref<64xi32, #tpu.memory_space<vmem>>) semaphore(%arg17 : memref<!tpu.dma_semaphore, #tpu.memory_space<semaphore_mem>>)
      %dma_start3A_353 = arith.constant 3 : i32
      %dma_start3A_354 = arith.constant 0 : i32
      %dma_start3A_355 = tpu.memref_slice %arg7[%dma_start3A_353, %dma_start3A_354] : memref<4x64xi32, #tpu.memory_space<vmem>> -> memref<1x64xi32, #tpu.memory_space<vmem>>
      %dma_start3A_356 = tpu.memref_squeeze %dma_start3A_355 : memref<1x64xi32, #tpu.memory_space<vmem>> -> memref<64xi32, #tpu.memory_space<vmem>>
      %dma_start3A_357 = arith.constant 0 : i32
      %dma_start3A_358 = arith.constant 0 : i32
      %dma_start3A_359 = tpu.memref_slice %arg2[%dma_start3A_357, %dma_start3A_358] : memref<10240x128xf32, #tpu.memory_space<hbm>> -> memref<10240x128xf32, #tpu.memory_space<hbm>>
      tpu.enqueue_indirect_dma source(%dma_start3A_359 : memref<10240x128xf32, #tpu.memory_space<hbm>>) target(%arg14 : memref<64x128xf32, #tpu.memory_space<vmem>>) offsets(%dma_start3A_356 : memref<64xi32, #tpu.memory_space<vmem>>) semaphore(%arg17 : memref<!tpu.dma_semaphore, #tpu.memory_space<semaphore_mem>>)
      %scan3A_360 = arith.constant 0 : i32
      scf.yield %scan3A_360 : i32
    }
    %scan3A_49 = arith.constant 20 : i32
    %dma_wait3A = arith.constant 0 : i32
    %dma_wait3A_50 = arith.constant 0 : i32
    %dma_wait3A_51 = tpu.memref_slice %arg2[%dma_wait3A, %dma_wait3A_50] : memref<10240x128xf32, #tpu.memory_space<hbm>> -> memref<64x128xf32, #tpu.memory_space<hbm>>
    %dma_wait3A_52 = arith.constant 0 : i32
    %dma_wait3A_53 = arith.constant 0 : i32
    %dma_wait3A_54 = tpu.memref_slice %arg2[%dma_wait3A_52, %dma_wait3A_53] : memref<10240x128xf32, #tpu.memory_space<hbm>> -> memref<64x128xf32, #tpu.memory_space<hbm>>
    tpu.wait_dma2 semaphore(%arg16 : memref<!tpu.dma_semaphore, #tpu.memory_space<semaphore_mem>>) src(%dma_wait3A_54 : memref<64x128xf32, #tpu.memory_space<hbm>>) dst(%arg11 : memref<64x128xf32, #tpu.memory_space<vmem>>)
    %dma_wait3A_55 = arith.constant 0 : i32
    %dma_wait3A_56 = arith.constant 0 : i32
    %dma_wait3A_57 = tpu.memref_slice %arg2[%dma_wait3A_55, %dma_wait3A_56] : memref<10240x128xf32, #tpu.memory_space<hbm>> -> memref<64x128xf32, #tpu.memory_space<hbm>>
    %dma_wait3A_58 = arith.constant 0 : i32
    %dma_wait3A_59 = arith.constant 0 : i32
    %dma_wait3A_60 = tpu.memref_slice %arg2[%dma_wait3A_58, %dma_wait3A_59] : memref<10240x128xf32, #tpu.memory_space<hbm>> -> memref<64x128xf32, #tpu.memory_space<hbm>>
    tpu.wait_dma2 semaphore(%arg16 : memref<!tpu.dma_semaphore, #tpu.memory_space<semaphore_mem>>) src(%dma_wait3A_60 : memref<64x128xf32, #tpu.memory_space<hbm>>) dst(%arg12 : memref<64x128xf32, #tpu.memory_space<vmem>>)
    %dma_wait3A_61 = arith.constant 0 : i32
    %dma_wait3A_62 = arith.constant 0 : i32
    %dma_wait3A_63 = tpu.memref_slice %arg2[%dma_wait3A_61, %dma_wait3A_62] : memref<10240x128xf32, #tpu.memory_space<hbm>> -> memref<64x128xf32, #tpu.memory_space<hbm>>
    %dma_wait3A_64 = arith.constant 0 : i32
    %dma_wait3A_65 = arith.constant 0 : i32
    %dma_wait3A_66 = tpu.memref_slice %arg2[%dma_wait3A_64, %dma_wait3A_65] : memref<10240x128xf32, #tpu.memory_space<hbm>> -> memref<64x128xf32, #tpu.memory_space<hbm>>
    tpu.wait_dma2 semaphore(%arg17 : memref<!tpu.dma_semaphore, #tpu.memory_space<semaphore_mem>>) src(%dma_wait3A_66 : memref<64x128xf32, #tpu.memory_space<hbm>>) dst(%arg13 : memref<64x128xf32, #tpu.memory_space<vmem>>)
    %dma_wait3A_67 = arith.constant 0 : i32
    %dma_wait3A_68 = arith.constant 0 : i32
    %dma_wait3A_69 = tpu.memref_slice %arg2[%dma_wait3A_67, %dma_wait3A_68] : memref<10240x128xf32, #tpu.memory_space<hbm>> -> memref<64x128xf32, #tpu.memory_space<hbm>>
    %dma_wait3A_70 = arith.constant 0 : i32
    %dma_wait3A_71 = arith.constant 0 : i32
    %dma_wait3A_72 = tpu.memref_slice %arg2[%dma_wait3A_70, %dma_wait3A_71] : memref<10240x128xf32, #tpu.memory_space<hbm>> -> memref<64x128xf32, #tpu.memory_space<hbm>>
    tpu.wait_dma2 semaphore(%arg17 : memref<!tpu.dma_semaphore, #tpu.memory_space<semaphore_mem>>) src(%dma_wait3A_72 : memref<64x128xf32, #tpu.memory_space<hbm>>) dst(%arg14 : memref<64x128xf32, #tpu.memory_space<vmem>>)
    %dma_wait3A_73 = arith.constant 0 : i32
    %dma_wait3A_74 = arith.constant 0 : i32
    %dma_wait3A_75 = tpu.memref_slice %arg3[%dma_wait3A_73, %dma_wait3A_74] : memref<5128x64xi32, #tpu.memory_space<hbm>> -> memref<4x64xi32, #tpu.memory_space<hbm>>
    %dma_wait3A_76 = arith.constant 0 : i32
    %dma_wait3A_77 = arith.constant 0 : i32
    %dma_wait3A_78 = tpu.memref_slice %arg3[%dma_wait3A_76, %dma_wait3A_77] : memref<5128x64xi32, #tpu.memory_space<hbm>> -> memref<4x64xi32, #tpu.memory_space<hbm>>
    tpu.wait_dma2 semaphore(%arg21 : memref<!tpu.dma_semaphore, #tpu.memory_space<semaphore_mem>>) src(%dma_wait3A_78 : memref<4x64xi32, #tpu.memory_space<hbm>>) dst(%arg9 : memref<4x64xi32, #tpu.memory_space<vmem>>)
    %dma_wait3A_79 = arith.constant 0 : i32
    %dma_wait3A_80 = arith.constant 0 : i32
    %dma_wait3A_81 = tpu.memref_slice %arg3[%dma_wait3A_79, %dma_wait3A_80] : memref<5128x64xi32, #tpu.memory_space<hbm>> -> memref<4x64xi32, #tpu.memory_space<hbm>>
    %dma_wait3A_82 = arith.constant 0 : i32
    %dma_wait3A_83 = arith.constant 0 : i32
    %dma_wait3A_84 = tpu.memref_slice %arg3[%dma_wait3A_82, %dma_wait3A_83] : memref<5128x64xi32, #tpu.memory_space<hbm>> -> memref<4x64xi32, #tpu.memory_space<hbm>>
    tpu.wait_dma2 semaphore(%arg21 : memref<!tpu.dma_semaphore, #tpu.memory_space<semaphore_mem>>) src(%dma_wait3A_84 : memref<4x64xi32, #tpu.memory_space<hbm>>) dst(%arg10 : memref<4x64xi32, #tpu.memory_space<vmem>>)
    %barrier3A_85 = arith.constant 0 : index
    tpu.barrier barrier_id(%barrier3A_85)
    %mul3A_86 = arith.constant 640 : i32
    %mul3A_87 = arith.muli %arg1, %mul3A_86 : i32
    %mul3A_88 = arith.constant 640 : i32
    %mul3A_89 = arith.muli %arg1, %mul3A_88 : i32
    "tpu.region"() ({
      %run_scoped3A = tpu.sem_alloc : memref<!tpu.dma_semaphore, #tpu.memory_space<semaphore_mem>>
      %dma_start3A_90 = arith.constant 0 : i32
      %dma_start3A_91 = tpu.memref_slice %arg6[%arg0, %mul3A_89, %dma_start3A_90] : memref<2x10240x128xf32, #tpu.memory_space<hbm>> -> memref<1x640x128xf32, #tpu.memory_space<hbm>>
      %dma_start3A_92 = tpu.memref_squeeze %dma_start3A_91 : memref<1x640x128xf32, #tpu.memory_space<hbm>> -> memref<640x128xf32, #tpu.memory_space<hbm>>
      %dma_start3A_93 = arith.constant 0 : i32
      %dma_start3A_94 = tpu.memref_slice %arg15[%mul3A_87, %dma_start3A_93] : memref<10240x128xf32, #tpu.memory_space<vmem_shared>> -> memref<640x128xf32, #tpu.memory_space<vmem_shared>>
      tpu.enqueue_dma source(%dma_start3A_94 : memref<640x128xf32, #tpu.memory_space<vmem_shared>>) target(%dma_start3A_92 : memref<640x128xf32, #tpu.memory_space<hbm>>) target_semaphore(%run_scoped3A : memref<!tpu.dma_semaphore, #tpu.memory_space<semaphore_mem>>)
      %dma_wait3A_95 = arith.constant 0 : i32
      %dma_wait3A_96 = tpu.memref_slice %arg6[%arg0, %mul3A_89, %dma_wait3A_95] : memref<2x10240x128xf32, #tpu.memory_space<hbm>> -> memref<1x640x128xf32, #tpu.memory_space<hbm>>
      %dma_wait3A_97 = tpu.memref_squeeze %dma_wait3A_96 : memref<1x640x128xf32, #tpu.memory_space<hbm>> -> memref<640x128xf32, #tpu.memory_space<hbm>>
      %dma_wait3A_98 = arith.constant 0 : i32
      %dma_wait3A_99 = tpu.memref_slice %arg15[%mul3A_87, %dma_wait3A_98] : memref<10240x128xf32, #tpu.memory_space<vmem_shared>> -> memref<640x128xf32, #tpu.memory_space<vmem_shared>>
      tpu.wait_dma2 semaphore(%run_scoped3A : memref<!tpu.dma_semaphore, #tpu.memory_space<semaphore_mem>>) src(%dma_wait3A_99 : memref<640x128xf32, #tpu.memory_space<vmem_shared>>) dst(%dma_wait3A_97 : memref<640x128xf32, #tpu.memory_space<hbm>>)
      tpu.yield
    }) : () -> ()
    return
  }
}

#map = affine_map<(d0, d1) -> (0, 0)>
#map1 = affine_map<(d0, d1) -> (0, 0, 0)>
module attributes {stable_mosaic.version = 14 : i64} {
  func.func @_prop_kernel(%arg0: i32, %arg1: i32, %arg2: memref<10240x128xf32, #tpu.memory_space<hbm>>, %arg3: memref<5128x64xi32, #tpu.memory_space<hbm>>, %arg4: memref<5128x64xi32, #tpu.memory_space<hbm>>, %arg5: memref<640x128xf32, #tpu.memory_space<hbm>>, %arg6: memref<2x10240x128xf32, #tpu.memory_space<hbm>>, %arg7: memref<4x64xi32, #tpu.memory_space<vmem>>, %arg8: memref<4x64xi32, #tpu.memory_space<vmem>>, %arg9: memref<4x64xi32, #tpu.memory_space<vmem>>, %arg10: memref<4x64xi32, #tpu.memory_space<vmem>>, %arg11: memref<64x128xf32, #tpu.memory_space<vmem>>, %arg12: memref<64x128xf32, #tpu.memory_space<vmem>>, %arg13: memref<64x128xf32, #tpu.memory_space<vmem>>, %arg14: memref<64x128xf32, #tpu.memory_space<vmem>>, %arg15: memref<10240x128xf32, #tpu.memory_space<vmem_shared>>, %arg16: memref<!tpu.dma_semaphore, #tpu.memory_space<semaphore_mem>>, %arg17: memref<!tpu.dma_semaphore, #tpu.memory_space<semaphore_mem>>, %arg18: memref<!tpu.dma_semaphore, #tpu.memory_space<semaphore_mem>>, %arg19: memref<!tpu.dma_semaphore, #tpu.memory_space<semaphore_mem>>, %arg20: memref<!tpu.dma_semaphore, #tpu.memory_space<semaphore_mem>>, %arg21: memref<!tpu.dma_semaphore, #tpu.memory_space<semaphore_mem>>) attributes {dimension_semantics = [#tpu.dimension_semantics<core_parallel>, #tpu.dimension_semantics<subcore_parallel>], iteration_bounds = array<i64: 2, 16>, scalar_prefetch = 0 : i64, scratch_operands = 15 : i64, tpu.core_type = #tpu.core_type<sc_vector_subcore>, window_params = [{transform_indices = #map}, {transform_indices = #map}, {transform_indices = #map}, {transform_indices = #map}, {transform_indices = #map1}]} {
    %mul3A = arith.constant 16 : i32
    %mul3A_0 = arith.muli %arg0, %mul3A : i32
    %add3A = arith.addi %mul3A_0, %arg1 : i32
    %mul3A_1 = arith.constant 160 : i32
    %mul3A_2 = arith.muli %add3A, %mul3A_1 : i32
    "tpu.region"() ({
      %run_scoped3A = tpu.sem_alloc : memref<!tpu.dma_semaphore, #tpu.memory_space<semaphore_mem>>
      %dma_start3A_90 = arith.constant 0 : i32
      %dma_start3A_91 = tpu.memref_slice %arg3[%mul3A_2, %dma_start3A_90] : memref<5128x64xi32, #tpu.memory_space<hbm>> -> memref<4x64xi32, #tpu.memory_space<hbm>>
      %dma_start3A_92 = arith.constant 0 : i32
      %dma_start3A_93 = tpu.memref_slice %arg3[%mul3A_2, %dma_start3A_92] : memref<5128x64xi32, #tpu.memory_space<hbm>> -> memref<4x64xi32, #tpu.memory_space<hbm>>
      tpu.enqueue_dma source(%dma_start3A_93 : memref<4x64xi32, #tpu.memory_space<hbm>>) target(%arg7 : memref<4x64xi32, #tpu.memory_space<vmem>>) target_semaphore(%run_scoped3A : memref<!tpu.dma_semaphore, #tpu.memory_space<semaphore_mem>>)
      %dma_wait3A_94 = arith.constant 0 : i32
      %dma_wait3A_95 = tpu.memref_slice %arg3[%mul3A_2, %dma_wait3A_94] : memref<5128x64xi32, #tpu.memory_space<hbm>> -> memref<4x64xi32, #tpu.memory_space<hbm>>
      %dma_wait3A_96 = arith.constant 0 : i32
      %dma_wait3A_97 = tpu.memref_slice %arg3[%mul3A_2, %dma_wait3A_96] : memref<5128x64xi32, #tpu.memory_space<hbm>> -> memref<4x64xi32, #tpu.memory_space<hbm>>
      tpu.wait_dma2 semaphore(%run_scoped3A : memref<!tpu.dma_semaphore, #tpu.memory_space<semaphore_mem>>) src(%dma_wait3A_97 : memref<4x64xi32, #tpu.memory_space<hbm>>) dst(%arg7 : memref<4x64xi32, #tpu.memory_space<vmem>>)
      tpu.yield
    }) : () -> ()
    "tpu.region"() ({
      %run_scoped3A = tpu.sem_alloc : memref<!tpu.dma_semaphore, #tpu.memory_space<semaphore_mem>>
      %dma_start3A_90 = arith.constant 0 : i32
      %dma_start3A_91 = tpu.memref_slice %arg4[%mul3A_2, %dma_start3A_90] : memref<5128x64xi32, #tpu.memory_space<hbm>> -> memref<4x64xi32, #tpu.memory_space<hbm>>
      %dma_start3A_92 = arith.constant 0 : i32
      %dma_start3A_93 = tpu.memref_slice %arg4[%mul3A_2, %dma_start3A_92] : memref<5128x64xi32, #tpu.memory_space<hbm>> -> memref<4x64xi32, #tpu.memory_space<hbm>>
      tpu.enqueue_dma source(%dma_start3A_93 : memref<4x64xi32, #tpu.memory_space<hbm>>) target(%arg8 : memref<4x64xi32, #tpu.memory_space<vmem>>) target_semaphore(%run_scoped3A : memref<!tpu.dma_semaphore, #tpu.memory_space<semaphore_mem>>)
      %dma_wait3A_94 = arith.constant 0 : i32
      %dma_wait3A_95 = tpu.memref_slice %arg4[%mul3A_2, %dma_wait3A_94] : memref<5128x64xi32, #tpu.memory_space<hbm>> -> memref<4x64xi32, #tpu.memory_space<hbm>>
      %dma_wait3A_96 = arith.constant 0 : i32
      %dma_wait3A_97 = tpu.memref_slice %arg4[%mul3A_2, %dma_wait3A_96] : memref<5128x64xi32, #tpu.memory_space<hbm>> -> memref<4x64xi32, #tpu.memory_space<hbm>>
      tpu.wait_dma2 semaphore(%run_scoped3A : memref<!tpu.dma_semaphore, #tpu.memory_space<semaphore_mem>>) src(%dma_wait3A_97 : memref<4x64xi32, #tpu.memory_space<hbm>>) dst(%arg8 : memref<4x64xi32, #tpu.memory_space<vmem>>)
      tpu.yield
    }) : () -> ()
    %add3A_3 = arith.constant 4 : i32
    %add3A_4 = arith.addi %mul3A_2, %add3A_3 : i32
    %dma_start3A = arith.constant 0 : i32
    %dma_start3A_5 = tpu.memref_slice %arg3[%add3A_4, %dma_start3A] : memref<5128x64xi32, #tpu.memory_space<hbm>> -> memref<4x64xi32, #tpu.memory_space<hbm>>
    %dma_start3A_6 = arith.constant 0 : i32
    %dma_start3A_7 = tpu.memref_slice %arg3[%add3A_4, %dma_start3A_6] : memref<5128x64xi32, #tpu.memory_space<hbm>> -> memref<4x64xi32, #tpu.memory_space<hbm>>
    tpu.enqueue_dma source(%dma_start3A_7 : memref<4x64xi32, #tpu.memory_space<hbm>>) target(%arg9 : memref<4x64xi32, #tpu.memory_space<vmem>>) target_semaphore(%arg21 : memref<!tpu.dma_semaphore, #tpu.memory_space<semaphore_mem>>)
    %add3A_8 = arith.constant 4 : i32
    %add3A_9 = arith.addi %mul3A_2, %add3A_8 : i32
    %dma_start3A_10 = arith.constant 0 : i32
    %dma_start3A_11 = tpu.memref_slice %arg4[%add3A_9, %dma_start3A_10] : memref<5128x64xi32, #tpu.memory_space<hbm>> -> memref<4x64xi32, #tpu.memory_space<hbm>>
    %dma_start3A_12 = arith.constant 0 : i32
    %dma_start3A_13 = tpu.memref_slice %arg4[%add3A_9, %dma_start3A_12] : memref<5128x64xi32, #tpu.memory_space<hbm>> -> memref<4x64xi32, #tpu.memory_space<hbm>>
    tpu.enqueue_dma source(%dma_start3A_13 : memref<4x64xi32, #tpu.memory_space<hbm>>) target(%arg10 : memref<4x64xi32, #tpu.memory_space<vmem>>) target_semaphore(%arg21 : memref<!tpu.dma_semaphore, #tpu.memory_space<semaphore_mem>>)
    %mul3A_14 = arith.constant 640 : i32
    %mul3A_15 = arith.muli %arg1, %mul3A_14 : i32
    "tpu.region"() ({
      %run_scoped3A = tpu.sem_alloc : memref<!tpu.dma_semaphore, #tpu.memory_space<semaphore_mem>>
      %dma_start3A_90 = arith.constant 0 : i32
      %dma_start3A_91 = tpu.memref_slice %arg15[%mul3A_15, %dma_start3A_90] : memref<10240x128xf32, #tpu.memory_space<vmem_shared>> -> memref<640x128xf32, #tpu.memory_space<vmem_shared>>
      tpu.enqueue_dma source(%arg5 : memref<640x128xf32, #tpu.memory_space<hbm>>) target(%dma_start3A_91 : memref<640x128xf32, #tpu.memory_space<vmem_shared>>) target_semaphore(%run_scoped3A : memref<!tpu.dma_semaphore, #tpu.memory_space<semaphore_mem>>)
      %dma_wait3A_92 = arith.constant 0 : i32
      %dma_wait3A_93 = tpu.memref_slice %arg15[%mul3A_15, %dma_wait3A_92] : memref<10240x128xf32, #tpu.memory_space<vmem_shared>> -> memref<640x128xf32, #tpu.memory_space<vmem_shared>>
      tpu.wait_dma2 semaphore(%run_scoped3A : memref<!tpu.dma_semaphore, #tpu.memory_space<semaphore_mem>>) src(%arg5 : memref<640x128xf32, #tpu.memory_space<hbm>>) dst(%dma_wait3A_93 : memref<640x128xf32, #tpu.memory_space<vmem_shared>>)
      tpu.yield
    }) : () -> ()
    %barrier3A = arith.constant 0 : index
    tpu.barrier barrier_id(%barrier3A)
    %dma_start3A_16 = arith.constant 0 : i32
    %dma_start3A_17 = arith.constant 0 : i32
    %dma_start3A_18 = tpu.memref_slice %arg7[%dma_start3A_16, %dma_start3A_17] : memref<4x64xi32, #tpu.memory_space<vmem>> -> memref<1x64xi32, #tpu.memory_space<vmem>>
    %dma_start3A_19 = tpu.memref_squeeze %dma_start3A_18 : memref<1x64xi32, #tpu.memory_space<vmem>> -> memref<64xi32, #tpu.memory_space<vmem>>
    %dma_start3A_20 = arith.constant 0 : i32
    %dma_start3A_21 = arith.constant 0 : i32
    %dma_start3A_22 = tpu.memref_slice %arg2[%dma_start3A_20, %dma_start3A_21] : memref<10240x128xf32, #tpu.memory_space<hbm>> -> memref<10240x128xf32, #tpu.memory_space<hbm>>
    tpu.enqueue_indirect_dma source(%dma_start3A_22 : memref<10240x128xf32, #tpu.memory_space<hbm>>) target(%arg11 : memref<64x128xf32, #tpu.memory_space<vmem>>) offsets(%dma_start3A_19 : memref<64xi32, #tpu.memory_space<vmem>>) semaphore(%arg16 : memref<!tpu.dma_semaphore, #tpu.memory_space<semaphore_mem>>)
    %dma_start3A_23 = arith.constant 1 : i32
    %dma_start3A_24 = arith.constant 0 : i32
    %dma_start3A_25 = tpu.memref_slice %arg7[%dma_start3A_23, %dma_start3A_24] : memref<4x64xi32, #tpu.memory_space<vmem>> -> memref<1x64xi32, #tpu.memory_space<vmem>>
    %dma_start3A_26 = tpu.memref_squeeze %dma_start3A_25 : memref<1x64xi32, #tpu.memory_space<vmem>> -> memref<64xi32, #tpu.memory_space<vmem>>
    %dma_start3A_27 = arith.constant 0 : i32
    %dma_start3A_28 = arith.constant 0 : i32
    %dma_start3A_29 = tpu.memref_slice %arg2[%dma_start3A_27, %dma_start3A_28] : memref<10240x128xf32, #tpu.memory_space<hbm>> -> memref<10240x128xf32, #tpu.memory_space<hbm>>
    tpu.enqueue_indirect_dma source(%dma_start3A_29 : memref<10240x128xf32, #tpu.memory_space<hbm>>) target(%arg12 : memref<64x128xf32, #tpu.memory_space<vmem>>) offsets(%dma_start3A_26 : memref<64xi32, #tpu.memory_space<vmem>>) semaphore(%arg16 : memref<!tpu.dma_semaphore, #tpu.memory_space<semaphore_mem>>)
    %dma_start3A_30 = arith.constant 2 : i32
    %dma_start3A_31 = arith.constant 0 : i32
    %dma_start3A_32 = tpu.memref_slice %arg7[%dma_start3A_30, %dma_start3A_31] : memref<4x64xi32, #tpu.memory_space<vmem>> -> memref<1x64xi32, #tpu.memory_space<vmem>>
    %dma_start3A_33 = tpu.memref_squeeze %dma_start3A_32 : memref<1x64xi32, #tpu.memory_space<vmem>> -> memref<64xi32, #tpu.memory_space<vmem>>
    %dma_start3A_34 = arith.constant 0 : i32
    %dma_start3A_35 = arith.constant 0 : i32
    %dma_start3A_36 = tpu.memref_slice %arg2[%dma_start3A_34, %dma_start3A_35] : memref<10240x128xf32, #tpu.memory_space<hbm>> -> memref<10240x128xf32, #tpu.memory_space<hbm>>
    tpu.enqueue_indirect_dma source(%dma_start3A_36 : memref<10240x128xf32, #tpu.memory_space<hbm>>) target(%arg13 : memref<64x128xf32, #tpu.memory_space<vmem>>) offsets(%dma_start3A_33 : memref<64xi32, #tpu.memory_space<vmem>>) semaphore(%arg17 : memref<!tpu.dma_semaphore, #tpu.memory_space<semaphore_mem>>)
    %dma_start3A_37 = arith.constant 3 : i32
    %dma_start3A_38 = arith.constant 0 : i32
    %dma_start3A_39 = tpu.memref_slice %arg7[%dma_start3A_37, %dma_start3A_38] : memref<4x64xi32, #tpu.memory_space<vmem>> -> memref<1x64xi32, #tpu.memory_space<vmem>>
    %dma_start3A_40 = tpu.memref_squeeze %dma_start3A_39 : memref<1x64xi32, #tpu.memory_space<vmem>> -> memref<64xi32, #tpu.memory_space<vmem>>
    %dma_start3A_41 = arith.constant 0 : i32
    %dma_start3A_42 = arith.constant 0 : i32
    %dma_start3A_43 = tpu.memref_slice %arg2[%dma_start3A_41, %dma_start3A_42] : memref<10240x128xf32, #tpu.memory_space<hbm>> -> memref<10240x128xf32, #tpu.memory_space<hbm>>
    tpu.enqueue_indirect_dma source(%dma_start3A_43 : memref<10240x128xf32, #tpu.memory_space<hbm>>) target(%arg14 : memref<64x128xf32, #tpu.memory_space<vmem>>) offsets(%dma_start3A_40 : memref<64xi32, #tpu.memory_space<vmem>>) semaphore(%arg17 : memref<!tpu.dma_semaphore, #tpu.memory_space<semaphore_mem>>)
    %scan3A = arith.constant 0 : i32
    %scan3A_44 = arith.constant 0 : i32
    %scan3A_45 = arith.constant 20 : i32
    %scan3A_46 = arith.addi %scan3A_44, %scan3A_45 : i32
    %scan3A_47 = arith.constant 1 : i32
    %scan3A_48 = scf.for %scan3A_90 = %scan3A_44 to %scan3A_46 step %scan3A_47 iter_args(%scan3A_91 = %scan3A) -> (i32)  : i32 {
      %dma_wait3A_92 = arith.constant 0 : i32
      %dma_wait3A_93 = arith.constant 0 : i32
      %dma_wait3A_94 = tpu.memref_slice %arg2[%dma_wait3A_92, %dma_wait3A_93] : memref<10240x128xf32, #tpu.memory_space<hbm>> -> memref<64x128xf32, #tpu.memory_space<hbm>>
      %dma_wait3A_95 = arith.constant 0 : i32
      %dma_wait3A_96 = arith.constant 0 : i32
      %dma_wait3A_97 = tpu.memref_slice %arg2[%dma_wait3A_95, %dma_wait3A_96] : memref<10240x128xf32, #tpu.memory_space<hbm>> -> memref<64x128xf32, #tpu.memory_space<hbm>>
      tpu.wait_dma2 semaphore(%arg16 : memref<!tpu.dma_semaphore, #tpu.memory_space<semaphore_mem>>) src(%dma_wait3A_97 : memref<64x128xf32, #tpu.memory_space<hbm>>) dst(%arg11 : memref<64x128xf32, #tpu.memory_space<vmem>>)
      %dma_wait3A_98 = arith.constant 0 : i32
      %dma_wait3A_99 = arith.constant 0 : i32
      %dma_wait3A_100 = tpu.memref_slice %arg2[%dma_wait3A_98, %dma_wait3A_99] : memref<10240x128xf32, #tpu.memory_space<hbm>> -> memref<64x128xf32, #tpu.memory_space<hbm>>
      %dma_wait3A_101 = arith.constant 0 : i32
      %dma_wait3A_102 = arith.constant 0 : i32
      %dma_wait3A_103 = tpu.memref_slice %arg2[%dma_wait3A_101, %dma_wait3A_102] : memref<10240x128xf32, #tpu.memory_space<hbm>> -> memref<64x128xf32, #tpu.memory_space<hbm>>
      tpu.wait_dma2 semaphore(%arg16 : memref<!tpu.dma_semaphore, #tpu.memory_space<semaphore_mem>>) src(%dma_wait3A_103 : memref<64x128xf32, #tpu.memory_space<hbm>>) dst(%arg12 : memref<64x128xf32, #tpu.memory_space<vmem>>)
      %dma_start3A_104 = arith.constant 0 : i32
      %dma_start3A_105 = arith.constant 0 : i32
      %dma_start3A_106 = tpu.memref_slice %arg8[%dma_start3A_104, %dma_start3A_105] : memref<4x64xi32, #tpu.memory_space<vmem>> -> memref<1x64xi32, #tpu.memory_space<vmem>>
      %dma_start3A_107 = tpu.memref_squeeze %dma_start3A_106 : memref<1x64xi32, #tpu.memory_space<vmem>> -> memref<64xi32, #tpu.memory_space<vmem>>
      %dma_start3A_108 = arith.constant 0 : i32
      %dma_start3A_109 = arith.constant 0 : i32
      %dma_start3A_110 = tpu.memref_slice %arg15[%dma_start3A_108, %dma_start3A_109] : memref<10240x128xf32, #tpu.memory_space<vmem_shared>> -> memref<10240x128xf32, #tpu.memory_space<vmem_shared>>
      tpu.enqueue_indirect_dma source(%arg11 : memref<64x128xf32, #tpu.memory_space<vmem>>) target(%dma_start3A_110 : memref<10240x128xf32, #tpu.memory_space<vmem_shared>>) offsets(%dma_start3A_107 : memref<64xi32, #tpu.memory_space<vmem>>) semaphore(%arg18 : memref<!tpu.dma_semaphore, #tpu.memory_space<semaphore_mem>>) {add = true}
      %dma_start3A_111 = arith.constant 1 : i32
      %dma_start3A_112 = arith.constant 0 : i32
      %dma_start3A_113 = tpu.memref_slice %arg8[%dma_start3A_111, %dma_start3A_112] : memref<4x64xi32, #tpu.memory_space<vmem>> -> memref<1x64xi32, #tpu.memory_space<vmem>>
      %dma_start3A_114 = tpu.memref_squeeze %dma_start3A_113 : memref<1x64xi32, #tpu.memory_space<vmem>> -> memref<64xi32, #tpu.memory_space<vmem>>
      %dma_start3A_115 = arith.constant 0 : i32
      %dma_start3A_116 = arith.constant 0 : i32
      %dma_start3A_117 = tpu.memref_slice %arg15[%dma_start3A_115, %dma_start3A_116] : memref<10240x128xf32, #tpu.memory_space<vmem_shared>> -> memref<10240x128xf32, #tpu.memory_space<vmem_shared>>
      tpu.enqueue_indirect_dma source(%arg12 : memref<64x128xf32, #tpu.memory_space<vmem>>) target(%dma_start3A_117 : memref<10240x128xf32, #tpu.memory_space<vmem_shared>>) offsets(%dma_start3A_114 : memref<64xi32, #tpu.memory_space<vmem>>) semaphore(%arg18 : memref<!tpu.dma_semaphore, #tpu.memory_space<semaphore_mem>>) {add = true}
      %dma_wait3A_118 = arith.constant 0 : i32
      %dma_wait3A_119 = arith.constant 0 : i32
      %dma_wait3A_120 = tpu.memref_slice %arg2[%dma_wait3A_118, %dma_wait3A_119] : memref<10240x128xf32, #tpu.memory_space<hbm>> -> memref<64x128xf32, #tpu.memory_space<hbm>>
      %dma_wait3A_121 = arith.constant 0 : i32
      %dma_wait3A_122 = arith.constant 0 : i32
      %dma_wait3A_123 = tpu.memref_slice %arg2[%dma_wait3A_121, %dma_wait3A_122] : memref<10240x128xf32, #tpu.memory_space<hbm>> -> memref<64x128xf32, #tpu.memory_space<hbm>>
      tpu.wait_dma2 semaphore(%arg18 : memref<!tpu.dma_semaphore, #tpu.memory_space<semaphore_mem>>) src(%dma_wait3A_123 : memref<64x128xf32, #tpu.memory_space<hbm>>) dst(%arg11 : memref<64x128xf32, #tpu.memory_space<vmem>>)
      %dma_wait3A_124 = arith.constant 0 : i32
      %dma_wait3A_125 = arith.constant 0 : i32
      %dma_wait3A_126 = tpu.memref_slice %arg2[%dma_wait3A_124, %dma_wait3A_125] : memref<10240x128xf32, #tpu.memory_space<hbm>> -> memref<64x128xf32, #tpu.memory_space<hbm>>
      %dma_wait3A_127 = arith.constant 0 : i32
      %dma_wait3A_128 = arith.constant 0 : i32
      %dma_wait3A_129 = tpu.memref_slice %arg2[%dma_wait3A_127, %dma_wait3A_128] : memref<10240x128xf32, #tpu.memory_space<hbm>> -> memref<64x128xf32, #tpu.memory_space<hbm>>
      tpu.wait_dma2 semaphore(%arg18 : memref<!tpu.dma_semaphore, #tpu.memory_space<semaphore_mem>>) src(%dma_wait3A_129 : memref<64x128xf32, #tpu.memory_space<hbm>>) dst(%arg12 : memref<64x128xf32, #tpu.memory_space<vmem>>)
      %dma_wait3A_130 = arith.constant 0 : i32
      %dma_wait3A_131 = arith.constant 0 : i32
      %dma_wait3A_132 = tpu.memref_slice %arg3[%dma_wait3A_130, %dma_wait3A_131] : memref<5128x64xi32, #tpu.memory_space<hbm>> -> memref<4x64xi32, #tpu.memory_space<hbm>>
      %dma_wait3A_133 = arith.constant 0 : i32
      %dma_wait3A_134 = arith.constant 0 : i32
      %dma_wait3A_135 = tpu.memref_slice %arg3[%dma_wait3A_133, %dma_wait3A_134] : memref<5128x64xi32, #tpu.memory_space<hbm>> -> memref<4x64xi32, #tpu.memory_space<hbm>>
      tpu.wait_dma2 semaphore(%arg21 : memref<!tpu.dma_semaphore, #tpu.memory_space<semaphore_mem>>) src(%dma_wait3A_135 : memref<4x64xi32, #tpu.memory_space<hbm>>) dst(%arg9 : memref<4x64xi32, #tpu.memory_space<vmem>>)
      %dma_wait3A_136 = arith.constant 0 : i32
      %dma_wait3A_137 = arith.constant 0 : i32
      %dma_wait3A_138 = tpu.memref_slice %arg3[%dma_wait3A_136, %dma_wait3A_137] : memref<5128x64xi32, #tpu.memory_space<hbm>> -> memref<4x64xi32, #tpu.memory_space<hbm>>
      %dma_wait3A_139 = arith.constant 0 : i32
      %dma_wait3A_140 = arith.constant 0 : i32
      %dma_wait3A_141 = tpu.memref_slice %arg3[%dma_wait3A_139, %dma_wait3A_140] : memref<5128x64xi32, #tpu.memory_space<hbm>> -> memref<4x64xi32, #tpu.memory_space<hbm>>
      tpu.wait_dma2 semaphore(%arg21 : memref<!tpu.dma_semaphore, #tpu.memory_space<semaphore_mem>>) src(%dma_wait3A_141 : memref<4x64xi32, #tpu.memory_space<hbm>>) dst(%arg10 : memref<4x64xi32, #tpu.memory_space<vmem>>)
      %dma_start3A_142 = arith.constant 0 : i32
      %dma_start3A_143 = arith.constant 0 : i32
      %dma_start3A_144 = tpu.memref_slice %arg9[%dma_start3A_142, %dma_start3A_143] : memref<4x64xi32, #tpu.memory_space<vmem>> -> memref<1x64xi32, #tpu.memory_space<vmem>>
      %dma_start3A_145 = tpu.memref_squeeze %dma_start3A_144 : memref<1x64xi32, #tpu.memory_space<vmem>> -> memref<64xi32, #tpu.memory_space<vmem>>
      %dma_start3A_146 = arith.constant 0 : i32
      %dma_start3A_147 = arith.constant 0 : i32
      %dma_start3A_148 = tpu.memref_slice %arg2[%dma_start3A_146, %dma_start3A_147] : memref<10240x128xf32, #tpu.memory_space<hbm>> -> memref<10240x128xf32, #tpu.memory_space<hbm>>
      tpu.enqueue_indirect_dma source(%dma_start3A_148 : memref<10240x128xf32, #tpu.memory_space<hbm>>) target(%arg11 : memref<64x128xf32, #tpu.memory_space<vmem>>) offsets(%dma_start3A_145 : memref<64xi32, #tpu.memory_space<vmem>>) semaphore(%arg16 : memref<!tpu.dma_semaphore, #tpu.memory_space<semaphore_mem>>)
      %dma_start3A_149 = arith.constant 1 : i32
      %dma_start3A_150 = arith.constant 0 : i32
      %dma_start3A_151 = tpu.memref_slice %arg9[%dma_start3A_149, %dma_start3A_150] : memref<4x64xi32, #tpu.memory_space<vmem>> -> memref<1x64xi32, #tpu.memory_space<vmem>>
      %dma_start3A_152 = tpu.memref_squeeze %dma_start3A_151 : memref<1x64xi32, #tpu.memory_space<vmem>> -> memref<64xi32, #tpu.memory_space<vmem>>
      %dma_start3A_153 = arith.constant 0 : i32
      %dma_start3A_154 = arith.constant 0 : i32
      %dma_start3A_155 = tpu.memref_slice %arg2[%dma_start3A_153, %dma_start3A_154] : memref<10240x128xf32, #tpu.memory_space<hbm>> -> memref<10240x128xf32, #tpu.memory_space<hbm>>
      tpu.enqueue_indirect_dma source(%dma_start3A_155 : memref<10240x128xf32, #tpu.memory_space<hbm>>) target(%arg12 : memref<64x128xf32, #tpu.memory_space<vmem>>) offsets(%dma_start3A_152 : memref<64xi32, #tpu.memory_space<vmem>>) semaphore(%arg16 : memref<!tpu.dma_semaphore, #tpu.memory_space<semaphore_mem>>)
      %dma_wait3A_156 = arith.constant 0 : i32
      %dma_wait3A_157 = arith.constant 0 : i32
      %dma_wait3A_158 = tpu.memref_slice %arg2[%dma_wait3A_156, %dma_wait3A_157] : memref<10240x128xf32, #tpu.memory_space<hbm>> -> memref<64x128xf32, #tpu.memory_space<hbm>>
      %dma_wait3A_159 = arith.constant 0 : i32
      %dma_wait3A_160 = arith.constant 0 : i32
      %dma_wait3A_161 = tpu.memref_slice %arg2[%dma_wait3A_159, %dma_wait3A_160] : memref<10240x128xf32, #tpu.memory_space<hbm>> -> memref<64x128xf32, #tpu.memory_space<hbm>>
      tpu.wait_dma2 semaphore(%arg17 : memref<!tpu.dma_semaphore, #tpu.memory_space<semaphore_mem>>) src(%dma_wait3A_161 : memref<64x128xf32, #tpu.memory_space<hbm>>) dst(%arg13 : memref<64x128xf32, #tpu.memory_space<vmem>>)
      %dma_wait3A_162 = arith.constant 0 : i32
      %dma_wait3A_163 = arith.constant 0 : i32
      %dma_wait3A_164 = tpu.memref_slice %arg2[%dma_wait3A_162, %dma_wait3A_163] : memref<10240x128xf32, #tpu.memory_space<hbm>> -> memref<64x128xf32, #tpu.memory_space<hbm>>
      %dma_wait3A_165 = arith.constant 0 : i32
      %dma_wait3A_166 = arith.constant 0 : i32
      %dma_wait3A_167 = tpu.memref_slice %arg2[%dma_wait3A_165, %dma_wait3A_166] : memref<10240x128xf32, #tpu.memory_space<hbm>> -> memref<64x128xf32, #tpu.memory_space<hbm>>
      tpu.wait_dma2 semaphore(%arg17 : memref<!tpu.dma_semaphore, #tpu.memory_space<semaphore_mem>>) src(%dma_wait3A_167 : memref<64x128xf32, #tpu.memory_space<hbm>>) dst(%arg14 : memref<64x128xf32, #tpu.memory_space<vmem>>)
      %dma_start3A_168 = arith.constant 2 : i32
      %dma_start3A_169 = arith.constant 0 : i32
      %dma_start3A_170 = tpu.memref_slice %arg8[%dma_start3A_168, %dma_start3A_169] : memref<4x64xi32, #tpu.memory_space<vmem>> -> memref<1x64xi32, #tpu.memory_space<vmem>>
      %dma_start3A_171 = tpu.memref_squeeze %dma_start3A_170 : memref<1x64xi32, #tpu.memory_space<vmem>> -> memref<64xi32, #tpu.memory_space<vmem>>
      %dma_start3A_172 = arith.constant 0 : i32
      %dma_start3A_173 = arith.constant 0 : i32
      %dma_start3A_174 = tpu.memref_slice %arg15[%dma_start3A_172, %dma_start3A_173] : memref<10240x128xf32, #tpu.memory_space<vmem_shared>> -> memref<10240x128xf32, #tpu.memory_space<vmem_shared>>
      tpu.enqueue_indirect_dma source(%arg13 : memref<64x128xf32, #tpu.memory_space<vmem>>) target(%dma_start3A_174 : memref<10240x128xf32, #tpu.memory_space<vmem_shared>>) offsets(%dma_start3A_171 : memref<64xi32, #tpu.memory_space<vmem>>) semaphore(%arg19 : memref<!tpu.dma_semaphore, #tpu.memory_space<semaphore_mem>>) {add = true}
      %dma_start3A_175 = arith.constant 3 : i32
      %dma_start3A_176 = arith.constant 0 : i32
      %dma_start3A_177 = tpu.memref_slice %arg8[%dma_start3A_175, %dma_start3A_176] : memref<4x64xi32, #tpu.memory_space<vmem>> -> memref<1x64xi32, #tpu.memory_space<vmem>>
      %dma_start3A_178 = tpu.memref_squeeze %dma_start3A_177 : memref<1x64xi32, #tpu.memory_space<vmem>> -> memref<64xi32, #tpu.memory_space<vmem>>
      %dma_start3A_179 = arith.constant 0 : i32
      %dma_start3A_180 = arith.constant 0 : i32
      %dma_start3A_181 = tpu.memref_slice %arg15[%dma_start3A_179, %dma_start3A_180] : memref<10240x128xf32, #tpu.memory_space<vmem_shared>> -> memref<10240x128xf32, #tpu.memory_space<vmem_shared>>
      tpu.enqueue_indirect_dma source(%arg14 : memref<64x128xf32, #tpu.memory_space<vmem>>) target(%dma_start3A_181 : memref<10240x128xf32, #tpu.memory_space<vmem_shared>>) offsets(%dma_start3A_178 : memref<64xi32, #tpu.memory_space<vmem>>) semaphore(%arg19 : memref<!tpu.dma_semaphore, #tpu.memory_space<semaphore_mem>>) {add = true}
      %dma_wait3A_182 = arith.constant 0 : i32
      %dma_wait3A_183 = arith.constant 0 : i32
      %dma_wait3A_184 = tpu.memref_slice %arg2[%dma_wait3A_182, %dma_wait3A_183] : memref<10240x128xf32, #tpu.memory_space<hbm>> -> memref<64x128xf32, #tpu.memory_space<hbm>>
      %dma_wait3A_185 = arith.constant 0 : i32
      %dma_wait3A_186 = arith.constant 0 : i32
      %dma_wait3A_187 = tpu.memref_slice %arg2[%dma_wait3A_185, %dma_wait3A_186] : memref<10240x128xf32, #tpu.memory_space<hbm>> -> memref<64x128xf32, #tpu.memory_space<hbm>>
      tpu.wait_dma2 semaphore(%arg19 : memref<!tpu.dma_semaphore, #tpu.memory_space<semaphore_mem>>) src(%dma_wait3A_187 : memref<64x128xf32, #tpu.memory_space<hbm>>) dst(%arg13 : memref<64x128xf32, #tpu.memory_space<vmem>>)
      %dma_wait3A_188 = arith.constant 0 : i32
      %dma_wait3A_189 = arith.constant 0 : i32
      %dma_wait3A_190 = tpu.memref_slice %arg2[%dma_wait3A_188, %dma_wait3A_189] : memref<10240x128xf32, #tpu.memory_space<hbm>> -> memref<64x128xf32, #tpu.memory_space<hbm>>
      %dma_wait3A_191 = arith.constant 0 : i32
      %dma_wait3A_192 = arith.constant 0 : i32
      %dma_wait3A_193 = tpu.memref_slice %arg2[%dma_wait3A_191, %dma_wait3A_192] : memref<10240x128xf32, #tpu.memory_space<hbm>> -> memref<64x128xf32, #tpu.memory_space<hbm>>
      tpu.wait_dma2 semaphore(%arg19 : memref<!tpu.dma_semaphore, #tpu.memory_space<semaphore_mem>>) src(%dma_wait3A_193 : memref<64x128xf32, #tpu.memory_space<hbm>>) dst(%arg14 : memref<64x128xf32, #tpu.memory_space<vmem>>)
      %mul3A_194 = arith.constant 2 : i32
      %mul3A_195 = arith.muli %mul3A_194, %scan3A_90 : i32
      %add3A_196 = arith.constant 2 : i32
      %add3A_197 = arith.addi %mul3A_195, %add3A_196 : i32
      %mul3A_198 = arith.constant 4 : i32
      %mul3A_199 = arith.muli %mul3A_198, %add3A_197 : i32
      %add3A_200 = arith.addi %mul3A_2, %mul3A_199 : i32
      %dma_start3A_201 = arith.constant 0 : i32
      %dma_start3A_202 = tpu.memref_slice %arg3[%add3A_200, %dma_start3A_201] : memref<5128x64xi32, #tpu.memory_space<hbm>> -> memref<4x64xi32, #tpu.memory_space<hbm>>
      %dma_start3A_203 = arith.constant 0 : i32
      %dma_start3A_204 = tpu.memref_slice %arg3[%add3A_200, %dma_start3A_203] : memref<5128x64xi32, #tpu.memory_space<hbm>> -> memref<4x64xi32, #tpu.memory_space<hbm>>
      tpu.enqueue_dma source(%dma_start3A_204 : memref<4x64xi32, #tpu.memory_space<hbm>>) target(%arg7 : memref<4x64xi32, #tpu.memory_space<vmem>>) target_semaphore(%arg20 : memref<!tpu.dma_semaphore, #tpu.memory_space<semaphore_mem>>)
      %mul3A_205 = arith.constant 4 : i32
      %mul3A_206 = arith.muli %mul3A_205, %add3A_197 : i32
      %add3A_207 = arith.addi %mul3A_2, %mul3A_206 : i32
      %dma_start3A_208 = arith.constant 0 : i32
      %dma_start3A_209 = tpu.memref_slice %arg4[%add3A_207, %dma_start3A_208] : memref<5128x64xi32, #tpu.memory_space<hbm>> -> memref<4x64xi32, #tpu.memory_space<hbm>>
      %dma_start3A_210 = arith.constant 0 : i32
      %dma_start3A_211 = tpu.memref_slice %arg4[%add3A_207, %dma_start3A_210] : memref<5128x64xi32, #tpu.memory_space<hbm>> -> memref<4x64xi32, #tpu.memory_space<hbm>>
      tpu.enqueue_dma source(%dma_start3A_211 : memref<4x64xi32, #tpu.memory_space<hbm>>) target(%arg8 : memref<4x64xi32, #tpu.memory_space<vmem>>) target_semaphore(%arg20 : memref<!tpu.dma_semaphore, #tpu.memory_space<semaphore_mem>>)
      %dma_start3A_212 = arith.constant 2 : i32
      %dma_start3A_213 = arith.constant 0 : i32
      %dma_start3A_214 = tpu.memref_slice %arg9[%dma_start3A_212, %dma_start3A_213] : memref<4x64xi32, #tpu.memory_space<vmem>> -> memref<1x64xi32, #tpu.memory_space<vmem>>
      %dma_start3A_215 = tpu.memref_squeeze %dma_start3A_214 : memref<1x64xi32, #tpu.memory_space<vmem>> -> memref<64xi32, #tpu.memory_space<vmem>>
      %dma_start3A_216 = arith.constant 0 : i32
      %dma_start3A_217 = arith.constant 0 : i32
      %dma_start3A_218 = tpu.memref_slice %arg2[%dma_start3A_216, %dma_start3A_217] : memref<10240x128xf32, #tpu.memory_space<hbm>> -> memref<10240x128xf32, #tpu.memory_space<hbm>>
      tpu.enqueue_indirect_dma source(%dma_start3A_218 : memref<10240x128xf32, #tpu.memory_space<hbm>>) target(%arg13 : memref<64x128xf32, #tpu.memory_space<vmem>>) offsets(%dma_start3A_215 : memref<64xi32, #tpu.memory_space<vmem>>) semaphore(%arg17 : memref<!tpu.dma_semaphore, #tpu.memory_space<semaphore_mem>>)
      %dma_start3A_219 = arith.constant 3 : i32
      %dma_start3A_220 = arith.constant 0 : i32
      %dma_start3A_221 = tpu.memref_slice %arg9[%dma_start3A_219, %dma_start3A_220] : memref<4x64xi32, #tpu.memory_space<vmem>> -> memref<1x64xi32, #tpu.memory_space<vmem>>
      %dma_start3A_222 = tpu.memref_squeeze %dma_start3A_221 : memref<1x64xi32, #tpu.memory_space<vmem>> -> memref<64xi32, #tpu.memory_space<vmem>>
      %dma_start3A_223 = arith.constant 0 : i32
      %dma_start3A_224 = arith.constant 0 : i32
      %dma_start3A_225 = tpu.memref_slice %arg2[%dma_start3A_223, %dma_start3A_224] : memref<10240x128xf32, #tpu.memory_space<hbm>> -> memref<10240x128xf32, #tpu.memory_space<hbm>>
      tpu.enqueue_indirect_dma source(%dma_start3A_225 : memref<10240x128xf32, #tpu.memory_space<hbm>>) target(%arg14 : memref<64x128xf32, #tpu.memory_space<vmem>>) offsets(%dma_start3A_222 : memref<64xi32, #tpu.memory_space<vmem>>) semaphore(%arg17 : memref<!tpu.dma_semaphore, #tpu.memory_space<semaphore_mem>>)
      %dma_wait3A_226 = arith.constant 0 : i32
      %dma_wait3A_227 = arith.constant 0 : i32
      %dma_wait3A_228 = tpu.memref_slice %arg2[%dma_wait3A_226, %dma_wait3A_227] : memref<10240x128xf32, #tpu.memory_space<hbm>> -> memref<64x128xf32, #tpu.memory_space<hbm>>
      %dma_wait3A_229 = arith.constant 0 : i32
      %dma_wait3A_230 = arith.constant 0 : i32
      %dma_wait3A_231 = tpu.memref_slice %arg2[%dma_wait3A_229, %dma_wait3A_230] : memref<10240x128xf32, #tpu.memory_space<hbm>> -> memref<64x128xf32, #tpu.memory_space<hbm>>
      tpu.wait_dma2 semaphore(%arg16 : memref<!tpu.dma_semaphore, #tpu.memory_space<semaphore_mem>>) src(%dma_wait3A_231 : memref<64x128xf32, #tpu.memory_space<hbm>>) dst(%arg11 : memref<64x128xf32, #tpu.memory_space<vmem>>)
      %dma_wait3A_232 = arith.constant 0 : i32
      %dma_wait3A_233 = arith.constant 0 : i32
      %dma_wait3A_234 = tpu.memref_slice %arg2[%dma_wait3A_232, %dma_wait3A_233] : memref<10240x128xf32, #tpu.memory_space<hbm>> -> memref<64x128xf32, #tpu.memory_space<hbm>>
      %dma_wait3A_235 = arith.constant 0 : i32
      %dma_wait3A_236 = arith.constant 0 : i32
      %dma_wait3A_237 = tpu.memref_slice %arg2[%dma_wait3A_235, %dma_wait3A_236] : memref<10240x128xf32, #tpu.memory_space<hbm>> -> memref<64x128xf32, #tpu.memory_space<hbm>>
      tpu.wait_dma2 semaphore(%arg16 : memref<!tpu.dma_semaphore, #tpu.memory_space<semaphore_mem>>) src(%dma_wait3A_237 : memref<64x128xf32, #tpu.memory_space<hbm>>) dst(%arg12 : memref<64x128xf32, #tpu.memory_space<vmem>>)
      %dma_start3A_238 = arith.constant 0 : i32
      %dma_start3A_239 = arith.constant 0 : i32
      %dma_start3A_240 = tpu.memref_slice %arg10[%dma_start3A_238, %dma_start3A_239] : memref<4x64xi32, #tpu.memory_space<vmem>> -> memref<1x64xi32, #tpu.memory_space<vmem>>
      %dma_start3A_241 = tpu.memref_squeeze %dma_start3A_240 : memref<1x64xi32, #tpu.memory_space<vmem>> -> memref<64xi32, #tpu.memory_space<vmem>>
      %dma_start3A_242 = arith.constant 0 : i32
      %dma_start3A_243 = arith.constant 0 : i32
      %dma_start3A_244 = tpu.memref_slice %arg15[%dma_start3A_242, %dma_start3A_243] : memref<10240x128xf32, #tpu.memory_space<vmem_shared>> -> memref<10240x128xf32, #tpu.memory_space<vmem_shared>>
      tpu.enqueue_indirect_dma source(%arg11 : memref<64x128xf32, #tpu.memory_space<vmem>>) target(%dma_start3A_244 : memref<10240x128xf32, #tpu.memory_space<vmem_shared>>) offsets(%dma_start3A_241 : memref<64xi32, #tpu.memory_space<vmem>>) semaphore(%arg18 : memref<!tpu.dma_semaphore, #tpu.memory_space<semaphore_mem>>) {add = true}
      %dma_start3A_245 = arith.constant 1 : i32
      %dma_start3A_246 = arith.constant 0 : i32
      %dma_start3A_247 = tpu.memref_slice %arg10[%dma_start3A_245, %dma_start3A_246] : memref<4x64xi32, #tpu.memory_space<vmem>> -> memref<1x64xi32, #tpu.memory_space<vmem>>
      %dma_start3A_248 = tpu.memref_squeeze %dma_start3A_247 : memref<1x64xi32, #tpu.memory_space<vmem>> -> memref<64xi32, #tpu.memory_space<vmem>>
      %dma_start3A_249 = arith.constant 0 : i32
      %dma_start3A_250 = arith.constant 0 : i32
      %dma_start3A_251 = tpu.memref_slice %arg15[%dma_start3A_249, %dma_start3A_250] : memref<10240x128xf32, #tpu.memory_space<vmem_shared>> -> memref<10240x128xf32, #tpu.memory_space<vmem_shared>>
      tpu.enqueue_indirect_dma source(%arg12 : memref<64x128xf32, #tpu.memory_space<vmem>>) target(%dma_start3A_251 : memref<10240x128xf32, #tpu.memory_space<vmem_shared>>) offsets(%dma_start3A_248 : memref<64xi32, #tpu.memory_space<vmem>>) semaphore(%arg18 : memref<!tpu.dma_semaphore, #tpu.memory_space<semaphore_mem>>) {add = true}
      %dma_wait3A_252 = arith.constant 0 : i32
      %dma_wait3A_253 = arith.constant 0 : i32
      %dma_wait3A_254 = tpu.memref_slice %arg2[%dma_wait3A_252, %dma_wait3A_253] : memref<10240x128xf32, #tpu.memory_space<hbm>> -> memref<64x128xf32, #tpu.memory_space<hbm>>
      %dma_wait3A_255 = arith.constant 0 : i32
      %dma_wait3A_256 = arith.constant 0 : i32
      %dma_wait3A_257 = tpu.memref_slice %arg2[%dma_wait3A_255, %dma_wait3A_256] : memref<10240x128xf32, #tpu.memory_space<hbm>> -> memref<64x128xf32, #tpu.memory_space<hbm>>
      tpu.wait_dma2 semaphore(%arg18 : memref<!tpu.dma_semaphore, #tpu.memory_space<semaphore_mem>>) src(%dma_wait3A_257 : memref<64x128xf32, #tpu.memory_space<hbm>>) dst(%arg11 : memref<64x128xf32, #tpu.memory_space<vmem>>)
      %dma_wait3A_258 = arith.constant 0 : i32
      %dma_wait3A_259 = arith.constant 0 : i32
      %dma_wait3A_260 = tpu.memref_slice %arg2[%dma_wait3A_258, %dma_wait3A_259] : memref<10240x128xf32, #tpu.memory_space<hbm>> -> memref<64x128xf32, #tpu.memory_space<hbm>>
      %dma_wait3A_261 = arith.constant 0 : i32
      %dma_wait3A_262 = arith.constant 0 : i32
      %dma_wait3A_263 = tpu.memref_slice %arg2[%dma_wait3A_261, %dma_wait3A_262] : memref<10240x128xf32, #tpu.memory_space<hbm>> -> memref<64x128xf32, #tpu.memory_space<hbm>>
      tpu.wait_dma2 semaphore(%arg18 : memref<!tpu.dma_semaphore, #tpu.memory_space<semaphore_mem>>) src(%dma_wait3A_263 : memref<64x128xf32, #tpu.memory_space<hbm>>) dst(%arg12 : memref<64x128xf32, #tpu.memory_space<vmem>>)
      %dma_wait3A_264 = arith.constant 0 : i32
      %dma_wait3A_265 = arith.constant 0 : i32
      %dma_wait3A_266 = tpu.memref_slice %arg3[%dma_wait3A_264, %dma_wait3A_265] : memref<5128x64xi32, #tpu.memory_space<hbm>> -> memref<4x64xi32, #tpu.memory_space<hbm>>
      %dma_wait3A_267 = arith.constant 0 : i32
      %dma_wait3A_268 = arith.constant 0 : i32
      %dma_wait3A_269 = tpu.memref_slice %arg3[%dma_wait3A_267, %dma_wait3A_268] : memref<5128x64xi32, #tpu.memory_space<hbm>> -> memref<4x64xi32, #tpu.memory_space<hbm>>
      tpu.wait_dma2 semaphore(%arg20 : memref<!tpu.dma_semaphore, #tpu.memory_space<semaphore_mem>>) src(%dma_wait3A_269 : memref<4x64xi32, #tpu.memory_space<hbm>>) dst(%arg7 : memref<4x64xi32, #tpu.memory_space<vmem>>)
      %dma_wait3A_270 = arith.constant 0 : i32
      %dma_wait3A_271 = arith.constant 0 : i32
      %dma_wait3A_272 = tpu.memref_slice %arg3[%dma_wait3A_270, %dma_wait3A_271] : memref<5128x64xi32, #tpu.memory_space<hbm>> -> memref<4x64xi32, #tpu.memory_space<hbm>>
      %dma_wait3A_273 = arith.constant 0 : i32
      %dma_wait3A_274 = arith.constant 0 : i32
      %dma_wait3A_275 = tpu.memref_slice %arg3[%dma_wait3A_273, %dma_wait3A_274] : memref<5128x64xi32, #tpu.memory_space<hbm>> -> memref<4x64xi32, #tpu.memory_space<hbm>>
      tpu.wait_dma2 semaphore(%arg20 : memref<!tpu.dma_semaphore, #tpu.memory_space<semaphore_mem>>) src(%dma_wait3A_275 : memref<4x64xi32, #tpu.memory_space<hbm>>) dst(%arg8 : memref<4x64xi32, #tpu.memory_space<vmem>>)
      %dma_start3A_276 = arith.constant 0 : i32
      %dma_start3A_277 = arith.constant 0 : i32
      %dma_start3A_278 = tpu.memref_slice %arg7[%dma_start3A_276, %dma_start3A_277] : memref<4x64xi32, #tpu.memory_space<vmem>> -> memref<1x64xi32, #tpu.memory_space<vmem>>
      %dma_start3A_279 = tpu.memref_squeeze %dma_start3A_278 : memref<1x64xi32, #tpu.memory_space<vmem>> -> memref<64xi32, #tpu.memory_space<vmem>>
      %dma_start3A_280 = arith.constant 0 : i32
      %dma_start3A_281 = arith.constant 0 : i32
      %dma_start3A_282 = tpu.memref_slice %arg2[%dma_start3A_280, %dma_start3A_281] : memref<10240x128xf32, #tpu.memory_space<hbm>> -> memref<10240x128xf32, #tpu.memory_space<hbm>>
      tpu.enqueue_indirect_dma source(%dma_start3A_282 : memref<10240x128xf32, #tpu.memory_space<hbm>>) target(%arg11 : memref<64x128xf32, #tpu.memory_space<vmem>>) offsets(%dma_start3A_279 : memref<64xi32, #tpu.memory_space<vmem>>) semaphore(%arg16 : memref<!tpu.dma_semaphore, #tpu.memory_space<semaphore_mem>>)
      %dma_start3A_283 = arith.constant 1 : i32
      %dma_start3A_284 = arith.constant 0 : i32
      %dma_start3A_285 = tpu.memref_slice %arg7[%dma_start3A_283, %dma_start3A_284] : memref<4x64xi32, #tpu.memory_space<vmem>> -> memref<1x64xi32, #tpu.memory_space<vmem>>
      %dma_start3A_286 = tpu.memref_squeeze %dma_start3A_285 : memref<1x64xi32, #tpu.memory_space<vmem>> -> memref<64xi32, #tpu.memory_space<vmem>>
      %dma_start3A_287 = arith.constant 0 : i32
      %dma_start3A_288 = arith.constant 0 : i32
      %dma_start3A_289 = tpu.memref_slice %arg2[%dma_start3A_287, %dma_start3A_288] : memref<10240x128xf32, #tpu.memory_space<hbm>> -> memref<10240x128xf32, #tpu.memory_space<hbm>>
      tpu.enqueue_indirect_dma source(%dma_start3A_289 : memref<10240x128xf32, #tpu.memory_space<hbm>>) target(%arg12 : memref<64x128xf32, #tpu.memory_space<vmem>>) offsets(%dma_start3A_286 : memref<64xi32, #tpu.memory_space<vmem>>) semaphore(%arg16 : memref<!tpu.dma_semaphore, #tpu.memory_space<semaphore_mem>>)
      %dma_wait3A_290 = arith.constant 0 : i32
      %dma_wait3A_291 = arith.constant 0 : i32
      %dma_wait3A_292 = tpu.memref_slice %arg2[%dma_wait3A_290, %dma_wait3A_291] : memref<10240x128xf32, #tpu.memory_space<hbm>> -> memref<64x128xf32, #tpu.memory_space<hbm>>
      %dma_wait3A_293 = arith.constant 0 : i32
      %dma_wait3A_294 = arith.constant 0 : i32
      %dma_wait3A_295 = tpu.memref_slice %arg2[%dma_wait3A_293, %dma_wait3A_294] : memref<10240x128xf32, #tpu.memory_space<hbm>> -> memref<64x128xf32, #tpu.memory_space<hbm>>
      tpu.wait_dma2 semaphore(%arg17 : memref<!tpu.dma_semaphore, #tpu.memory_space<semaphore_mem>>) src(%dma_wait3A_295 : memref<64x128xf32, #tpu.memory_space<hbm>>) dst(%arg13 : memref<64x128xf32, #tpu.memory_space<vmem>>)
      %dma_wait3A_296 = arith.constant 0 : i32
      %dma_wait3A_297 = arith.constant 0 : i32
      %dma_wait3A_298 = tpu.memref_slice %arg2[%dma_wait3A_296, %dma_wait3A_297] : memref<10240x128xf32, #tpu.memory_space<hbm>> -> memref<64x128xf32, #tpu.memory_space<hbm>>
      %dma_wait3A_299 = arith.constant 0 : i32
      %dma_wait3A_300 = arith.constant 0 : i32
      %dma_wait3A_301 = tpu.memref_slice %arg2[%dma_wait3A_299, %dma_wait3A_300] : memref<10240x128xf32, #tpu.memory_space<hbm>> -> memref<64x128xf32, #tpu.memory_space<hbm>>
      tpu.wait_dma2 semaphore(%arg17 : memref<!tpu.dma_semaphore, #tpu.memory_space<semaphore_mem>>) src(%dma_wait3A_301 : memref<64x128xf32, #tpu.memory_space<hbm>>) dst(%arg14 : memref<64x128xf32, #tpu.memory_space<vmem>>)
      %dma_start3A_302 = arith.constant 2 : i32
      %dma_start3A_303 = arith.constant 0 : i32
      %dma_start3A_304 = tpu.memref_slice %arg10[%dma_start3A_302, %dma_start3A_303] : memref<4x64xi32, #tpu.memory_space<vmem>> -> memref<1x64xi32, #tpu.memory_space<vmem>>
      %dma_start3A_305 = tpu.memref_squeeze %dma_start3A_304 : memref<1x64xi32, #tpu.memory_space<vmem>> -> memref<64xi32, #tpu.memory_space<vmem>>
      %dma_start3A_306 = arith.constant 0 : i32
      %dma_start3A_307 = arith.constant 0 : i32
      %dma_start3A_308 = tpu.memref_slice %arg15[%dma_start3A_306, %dma_start3A_307] : memref<10240x128xf32, #tpu.memory_space<vmem_shared>> -> memref<10240x128xf32, #tpu.memory_space<vmem_shared>>
      tpu.enqueue_indirect_dma source(%arg13 : memref<64x128xf32, #tpu.memory_space<vmem>>) target(%dma_start3A_308 : memref<10240x128xf32, #tpu.memory_space<vmem_shared>>) offsets(%dma_start3A_305 : memref<64xi32, #tpu.memory_space<vmem>>) semaphore(%arg19 : memref<!tpu.dma_semaphore, #tpu.memory_space<semaphore_mem>>) {add = true}
      %dma_start3A_309 = arith.constant 3 : i32
      %dma_start3A_310 = arith.constant 0 : i32
      %dma_start3A_311 = tpu.memref_slice %arg10[%dma_start3A_309, %dma_start3A_310] : memref<4x64xi32, #tpu.memory_space<vmem>> -> memref<1x64xi32, #tpu.memory_space<vmem>>
      %dma_start3A_312 = tpu.memref_squeeze %dma_start3A_311 : memref<1x64xi32, #tpu.memory_space<vmem>> -> memref<64xi32, #tpu.memory_space<vmem>>
      %dma_start3A_313 = arith.constant 0 : i32
      %dma_start3A_314 = arith.constant 0 : i32
      %dma_start3A_315 = tpu.memref_slice %arg15[%dma_start3A_313, %dma_start3A_314] : memref<10240x128xf32, #tpu.memory_space<vmem_shared>> -> memref<10240x128xf32, #tpu.memory_space<vmem_shared>>
      tpu.enqueue_indirect_dma source(%arg14 : memref<64x128xf32, #tpu.memory_space<vmem>>) target(%dma_start3A_315 : memref<10240x128xf32, #tpu.memory_space<vmem_shared>>) offsets(%dma_start3A_312 : memref<64xi32, #tpu.memory_space<vmem>>) semaphore(%arg19 : memref<!tpu.dma_semaphore, #tpu.memory_space<semaphore_mem>>) {add = true}
      %dma_wait3A_316 = arith.constant 0 : i32
      %dma_wait3A_317 = arith.constant 0 : i32
      %dma_wait3A_318 = tpu.memref_slice %arg2[%dma_wait3A_316, %dma_wait3A_317] : memref<10240x128xf32, #tpu.memory_space<hbm>> -> memref<64x128xf32, #tpu.memory_space<hbm>>
      %dma_wait3A_319 = arith.constant 0 : i32
      %dma_wait3A_320 = arith.constant 0 : i32
      %dma_wait3A_321 = tpu.memref_slice %arg2[%dma_wait3A_319, %dma_wait3A_320] : memref<10240x128xf32, #tpu.memory_space<hbm>> -> memref<64x128xf32, #tpu.memory_space<hbm>>
      tpu.wait_dma2 semaphore(%arg19 : memref<!tpu.dma_semaphore, #tpu.memory_space<semaphore_mem>>) src(%dma_wait3A_321 : memref<64x128xf32, #tpu.memory_space<hbm>>) dst(%arg13 : memref<64x128xf32, #tpu.memory_space<vmem>>)
      %dma_wait3A_322 = arith.constant 0 : i32
      %dma_wait3A_323 = arith.constant 0 : i32
      %dma_wait3A_324 = tpu.memref_slice %arg2[%dma_wait3A_322, %dma_wait3A_323] : memref<10240x128xf32, #tpu.memory_space<hbm>> -> memref<64x128xf32, #tpu.memory_space<hbm>>
      %dma_wait3A_325 = arith.constant 0 : i32
      %dma_wait3A_326 = arith.constant 0 : i32
      %dma_wait3A_327 = tpu.memref_slice %arg2[%dma_wait3A_325, %dma_wait3A_326] : memref<10240x128xf32, #tpu.memory_space<hbm>> -> memref<64x128xf32, #tpu.memory_space<hbm>>
      tpu.wait_dma2 semaphore(%arg19 : memref<!tpu.dma_semaphore, #tpu.memory_space<semaphore_mem>>) src(%dma_wait3A_327 : memref<64x128xf32, #tpu.memory_space<hbm>>) dst(%arg14 : memref<64x128xf32, #tpu.memory_space<vmem>>)
      %mul3A_328 = arith.constant 2 : i32
      %mul3A_329 = arith.muli %mul3A_328, %scan3A_90 : i32
      %add3A_330 = arith.constant 3 : i32
      %add3A_331 = arith.addi %mul3A_329, %add3A_330 : i32
      %mul3A_332 = arith.constant 4 : i32
      %mul3A_333 = arith.muli %mul3A_332, %add3A_331 : i32
      %add3A_334 = arith.addi %mul3A_2, %mul3A_333 : i32
      %dma_start3A_335 = arith.constant 0 : i32
      %dma_start3A_336 = tpu.memref_slice %arg3[%add3A_334, %dma_start3A_335] : memref<5128x64xi32, #tpu.memory_space<hbm>> -> memref<4x64xi32, #tpu.memory_space<hbm>>
      %dma_start3A_337 = arith.constant 0 : i32
      %dma_start3A_338 = tpu.memref_slice %arg3[%add3A_334, %dma_start3A_337] : memref<5128x64xi32, #tpu.memory_space<hbm>> -> memref<4x64xi32, #tpu.memory_space<hbm>>
      tpu.enqueue_dma source(%dma_start3A_338 : memref<4x64xi32, #tpu.memory_space<hbm>>) target(%arg9 : memref<4x64xi32, #tpu.memory_space<vmem>>) target_semaphore(%arg21 : memref<!tpu.dma_semaphore, #tpu.memory_space<semaphore_mem>>)
      %mul3A_339 = arith.constant 4 : i32
      %mul3A_340 = arith.muli %mul3A_339, %add3A_331 : i32
      %add3A_341 = arith.addi %mul3A_2, %mul3A_340 : i32
      %dma_start3A_342 = arith.constant 0 : i32
      %dma_start3A_343 = tpu.memref_slice %arg4[%add3A_341, %dma_start3A_342] : memref<5128x64xi32, #tpu.memory_space<hbm>> -> memref<4x64xi32, #tpu.memory_space<hbm>>
      %dma_start3A_344 = arith.constant 0 : i32
      %dma_start3A_345 = tpu.memref_slice %arg4[%add3A_341, %dma_start3A_344] : memref<5128x64xi32, #tpu.memory_space<hbm>> -> memref<4x64xi32, #tpu.memory_space<hbm>>
      tpu.enqueue_dma source(%dma_start3A_345 : memref<4x64xi32, #tpu.memory_space<hbm>>) target(%arg10 : memref<4x64xi32, #tpu.memory_space<vmem>>) target_semaphore(%arg21 : memref<!tpu.dma_semaphore, #tpu.memory_space<semaphore_mem>>)
      %dma_start3A_346 = arith.constant 2 : i32
      %dma_start3A_347 = arith.constant 0 : i32
      %dma_start3A_348 = tpu.memref_slice %arg7[%dma_start3A_346, %dma_start3A_347] : memref<4x64xi32, #tpu.memory_space<vmem>> -> memref<1x64xi32, #tpu.memory_space<vmem>>
      %dma_start3A_349 = tpu.memref_squeeze %dma_start3A_348 : memref<1x64xi32, #tpu.memory_space<vmem>> -> memref<64xi32, #tpu.memory_space<vmem>>
      %dma_start3A_350 = arith.constant 0 : i32
      %dma_start3A_351 = arith.constant 0 : i32
      %dma_start3A_352 = tpu.memref_slice %arg2[%dma_start3A_350, %dma_start3A_351] : memref<10240x128xf32, #tpu.memory_space<hbm>> -> memref<10240x128xf32, #tpu.memory_space<hbm>>
      tpu.enqueue_indirect_dma source(%dma_start3A_352 : memref<10240x128xf32, #tpu.memory_space<hbm>>) target(%arg13 : memref<64x128xf32, #tpu.memory_space<vmem>>) offsets(%dma_start3A_349 : memref<64xi32, #tpu.memory_space<vmem>>) semaphore(%arg17 : memref<!tpu.dma_semaphore, #tpu.memory_space<semaphore_mem>>)
      %dma_start3A_353 = arith.constant 3 : i32
      %dma_start3A_354 = arith.constant 0 : i32
      %dma_start3A_355 = tpu.memref_slice %arg7[%dma_start3A_353, %dma_start3A_354] : memref<4x64xi32, #tpu.memory_space<vmem>> -> memref<1x64xi32, #tpu.memory_space<vmem>>
      %dma_start3A_356 = tpu.memref_squeeze %dma_start3A_355 : memref<1x64xi32, #tpu.memory_space<vmem>> -> memref<64xi32, #tpu.memory_space<vmem>>
      %dma_start3A_357 = arith.constant 0 : i32
      %dma_start3A_358 = arith.constant 0 : i32
      %dma_start3A_359 = tpu.memref_slice %arg2[%dma_start3A_357, %dma_start3A_358] : memref<10240x128xf32, #tpu.memory_space<hbm>> -> memref<10240x128xf32, #tpu.memory_space<hbm>>
      tpu.enqueue_indirect_dma source(%dma_start3A_359 : memref<10240x128xf32, #tpu.memory_space<hbm>>) target(%arg14 : memref<64x128xf32, #tpu.memory_space<vmem>>) offsets(%dma_start3A_356 : memref<64xi32, #tpu.memory_space<vmem>>) semaphore(%arg17 : memref<!tpu.dma_semaphore, #tpu.memory_space<semaphore_mem>>)
      %scan3A_360 = arith.constant 0 : i32
      scf.yield %scan3A_360 : i32
    }
    %scan3A_49 = arith.constant 20 : i32
    %dma_wait3A = arith.constant 0 : i32
    %dma_wait3A_50 = arith.constant 0 : i32
    %dma_wait3A_51 = tpu.memref_slice %arg2[%dma_wait3A, %dma_wait3A_50] : memref<10240x128xf32, #tpu.memory_space<hbm>> -> memref<64x128xf32, #tpu.memory_space<hbm>>
    %dma_wait3A_52 = arith.constant 0 : i32
    %dma_wait3A_53 = arith.constant 0 : i32
    %dma_wait3A_54 = tpu.memref_slice %arg2[%dma_wait3A_52, %dma_wait3A_53] : memref<10240x128xf32, #tpu.memory_space<hbm>> -> memref<64x128xf32, #tpu.memory_space<hbm>>
    tpu.wait_dma2 semaphore(%arg16 : memref<!tpu.dma_semaphore, #tpu.memory_space<semaphore_mem>>) src(%dma_wait3A_54 : memref<64x128xf32, #tpu.memory_space<hbm>>) dst(%arg11 : memref<64x128xf32, #tpu.memory_space<vmem>>)
    %dma_wait3A_55 = arith.constant 0 : i32
    %dma_wait3A_56 = arith.constant 0 : i32
    %dma_wait3A_57 = tpu.memref_slice %arg2[%dma_wait3A_55, %dma_wait3A_56] : memref<10240x128xf32, #tpu.memory_space<hbm>> -> memref<64x128xf32, #tpu.memory_space<hbm>>
    %dma_wait3A_58 = arith.constant 0 : i32
    %dma_wait3A_59 = arith.constant 0 : i32
    %dma_wait3A_60 = tpu.memref_slice %arg2[%dma_wait3A_58, %dma_wait3A_59] : memref<10240x128xf32, #tpu.memory_space<hbm>> -> memref<64x128xf32, #tpu.memory_space<hbm>>
    tpu.wait_dma2 semaphore(%arg16 : memref<!tpu.dma_semaphore, #tpu.memory_space<semaphore_mem>>) src(%dma_wait3A_60 : memref<64x128xf32, #tpu.memory_space<hbm>>) dst(%arg12 : memref<64x128xf32, #tpu.memory_space<vmem>>)
    %dma_wait3A_61 = arith.constant 0 : i32
    %dma_wait3A_62 = arith.constant 0 : i32
    %dma_wait3A_63 = tpu.memref_slice %arg2[%dma_wait3A_61, %dma_wait3A_62] : memref<10240x128xf32, #tpu.memory_space<hbm>> -> memref<64x128xf32, #tpu.memory_space<hbm>>
    %dma_wait3A_64 = arith.constant 0 : i32
    %dma_wait3A_65 = arith.constant 0 : i32
    %dma_wait3A_66 = tpu.memref_slice %arg2[%dma_wait3A_64, %dma_wait3A_65] : memref<10240x128xf32, #tpu.memory_space<hbm>> -> memref<64x128xf32, #tpu.memory_space<hbm>>
    tpu.wait_dma2 semaphore(%arg17 : memref<!tpu.dma_semaphore, #tpu.memory_space<semaphore_mem>>) src(%dma_wait3A_66 : memref<64x128xf32, #tpu.memory_space<hbm>>) dst(%arg13 : memref<64x128xf32, #tpu.memory_space<vmem>>)
    %dma_wait3A_67 = arith.constant 0 : i32
    %dma_wait3A_68 = arith.constant 0 : i32
    %dma_wait3A_69 = tpu.memref_slice %arg2[%dma_wait3A_67, %dma_wait3A_68] : memref<10240x128xf32, #tpu.memory_space<hbm>> -> memref<64x128xf32, #tpu.memory_space<hbm>>
    %dma_wait3A_70 = arith.constant 0 : i32
    %dma_wait3A_71 = arith.constant 0 : i32
    %dma_wait3A_72 = tpu.memref_slice %arg2[%dma_wait3A_70, %dma_wait3A_71] : memref<10240x128xf32, #tpu.memory_space<hbm>> -> memref<64x128xf32, #tpu.memory_space<hbm>>
    tpu.wait_dma2 semaphore(%arg17 : memref<!tpu.dma_semaphore, #tpu.memory_space<semaphore_mem>>) src(%dma_wait3A_72 : memref<64x128xf32, #tpu.memory_space<hbm>>) dst(%arg14 : memref<64x128xf32, #tpu.memory_space<vmem>>)
    %dma_wait3A_73 = arith.constant 0 : i32
    %dma_wait3A_74 = arith.constant 0 : i32
    %dma_wait3A_75 = tpu.memref_slice %arg3[%dma_wait3A_73, %dma_wait3A_74] : memref<5128x64xi32, #tpu.memory_space<hbm>> -> memref<4x64xi32, #tpu.memory_space<hbm>>
    %dma_wait3A_76 = arith.constant 0 : i32
    %dma_wait3A_77 = arith.constant 0 : i32
    %dma_wait3A_78 = tpu.memref_slice %arg3[%dma_wait3A_76, %dma_wait3A_77] : memref<5128x64xi32, #tpu.memory_space<hbm>> -> memref<4x64xi32, #tpu.memory_space<hbm>>
    tpu.wait_dma2 semaphore(%arg21 : memref<!tpu.dma_semaphore, #tpu.memory_space<semaphore_mem>>) src(%dma_wait3A_78 : memref<4x64xi32, #tpu.memory_space<hbm>>) dst(%arg9 : memref<4x64xi32, #tpu.memory_space<vmem>>)
    %dma_wait3A_79 = arith.constant 0 : i32
    %dma_wait3A_80 = arith.constant 0 : i32
    %dma_wait3A_81 = tpu.memref_slice %arg3[%dma_wait3A_79, %dma_wait3A_80] : memref<5128x64xi32, #tpu.memory_space<hbm>> -> memref<4x64xi32, #tpu.memory_space<hbm>>
    %dma_wait3A_82 = arith.constant 0 : i32
    %dma_wait3A_83 = arith.constant 0 : i32
    %dma_wait3A_84 = tpu.memref_slice %arg3[%dma_wait3A_82, %dma_wait3A_83] : memref<5128x64xi32, #tpu.memory_space<hbm>> -> memref<4x64xi32, #tpu.memory_space<hbm>>
    tpu.wait_dma2 semaphore(%arg21 : memref<!tpu.dma_semaphore, #tpu.memory_space<semaphore_mem>>) src(%dma_wait3A_84 : memref<4x64xi32, #tpu.memory_space<hbm>>) dst(%arg10 : memref<4x64xi32, #tpu.memory_space<vmem>>)
    %barrier3A_85 = arith.constant 0 : index
    tpu.barrier barrier_id(%barrier3A_85)
    %mul3A_86 = arith.constant 640 : i32
    %mul3A_87 = arith.muli %arg1, %mul3A_86 : i32
    %mul3A_88 = arith.constant 640 : i32
    %mul3A_89 = arith.muli %arg1, %mul3A_88 : i32
    "tpu.region"() ({
      %run_scoped3A = tpu.sem_alloc : memref<!tpu.dma_semaphore, #tpu.memory_space<semaphore_mem>>
      %dma_start3A_90 = arith.constant 0 : i32
      %dma_start3A_91 = tpu.memref_slice %arg6[%arg0, %mul3A_89, %dma_start3A_90] : memref<2x10240x128xf32, #tpu.memory_space<hbm>> -> memref<1x640x128xf32, #tpu.memory_space<hbm>>
      %dma_start3A_92 = tpu.memref_squeeze %dma_start3A_91 : memref<1x640x128xf32, #tpu.memory_space<hbm>> -> memref<640x128xf32, #tpu.memory_space<hbm>>
      %dma_start3A_93 = arith.constant 0 : i32
      %dma_start3A_94 = tpu.memref_slice %arg15[%mul3A_87, %dma_start3A_93] : memref<10240x128xf32, #tpu.memory_space<vmem_shared>> -> memref<640x128xf32, #tpu.memory_space<vmem_shared>>
      tpu.enqueue_dma source(%dma_start3A_94 : memref<640x128xf32, #tpu.memory_space<vmem_shared>>) target(%dma_start3A_92 : memref<640x128xf32, #tpu.memory_space<hbm>>) target_semaphore(%run_scoped3A : memref<!tpu.dma_semaphore, #tpu.memory_space<semaphore_mem>>)
      %dma_wait3A_95 = arith.constant 0 : i32
      %dma_wait3A_96 = tpu.memref_slice %arg6[%arg0, %mul3A_89, %dma_wait3A_95] : memref<2x10240x128xf32, #tpu.memory_space<hbm>> -> memref<1x640x128xf32, #tpu.memory_space<hbm>>
      %dma_wait3A_97 = tpu.memref_squeeze %dma_wait3A_96 : memref<1x640x128xf32, #tpu.memory_space<hbm>> -> memref<640x128xf32, #tpu.memory_space<hbm>>
      %dma_wait3A_98 = arith.constant 0 : i32
      %dma_wait3A_99 = tpu.memref_slice %arg15[%mul3A_87, %dma_wait3A_98] : memref<10240x128xf32, #tpu.memory_space<vmem_shared>> -> memref<640x128xf32, #tpu.memory_space<vmem_shared>>
      tpu.wait_dma2 semaphore(%run_scoped3A : memref<!tpu.dma_semaphore, #tpu.memory_space<semaphore_mem>>) src(%dma_wait3A_99 : memref<640x128xf32, #tpu.memory_space<vmem_shared>>) dst(%dma_wait3A_97 : memref<640x128xf32, #tpu.memory_space<hbm>>)
      tpu.yield
    }) : () -> ()
    return
  }
}

module attributes {stable_mosaic.version = 14 : i64} {
  func.func @_scale_body(%arg0: i32, %arg1: memref<32x1024xf32, #tpu.memory_space<vmem>>, %arg2: memref<1024x128xf32, #tpu.memory_space<vmem>>, %arg3: memref<1024x128xf32, #tpu.memory_space<vmem>>, %arg4: memref<1024x128xf32, #tpu.memory_space<vmem>>) attributes {dimension_semantics = [#tpu.dimension_semantics<arbitrary>], iteration_bounds = array<i64: 10>, scalar_prefetch = 0 : i64, scratch_operands = 0 : i64, tpu.core_type = #tpu.core_type<tc>, window_params = [{transform_indices = @transform_0, window_bounds = array<i64: 32, 1024>}, {transform_indices = @transform_1, window_bounds = array<i64: 1024, 128>}, {transform_indices = @transform_2, window_bounds = array<i64: 1024, 128>}, {transform_indices = @transform_3, window_bounds = array<i64: 1024, 128>}]} {
    %get3A = arith.constant 0 : index
    %get3A_0 = arith.constant 0 : index
    %get3A_1 = vector.load %arg1[%get3A, %get3A_0] : memref<32x1024xf32, #tpu.memory_space<vmem>>, vector<32x1024xf32>
    %broadcast_in_dim3A = arith.constant 1.000000e+00 : f32
    %broadcast_in_dim3A_2 = vector.broadcast %broadcast_in_dim3A : f32 to vector<32x128xf32>
    %dot_general3A = arith.constant dense<0.000000e+00> : vector<1024x128xf32>
    %dot_general3A_3 = tpu.matmul %get3A_1, %broadcast_in_dim3A_2, %dot_general3A {dimension_numbers = #tpu.dot_dimension_numbers<[0], [0], [1], [1], [0, 1, 1, 1], [], []>, transpose_lhs_hint = false} : vector<32x1024xf32>, vector<32x128xf32>, vector<1024x128xf32> -> vector<1024x128xf32>
    %add3A = arith.constant 1.000000e+00 : f32
    %add3A_4 = vector.broadcast %add3A : f32 to vector<1024x128xf32>
    %add3A_5 = arith.addf %dot_general3A_3, %add3A_4 : vector<1024x128xf32>
    %rsqrt3A = math.rsqrt %add3A_5 : vector<1024x128xf32>
    %swap3A = arith.constant 0 : index
    %swap3A_6 = arith.constant 0 : index
    %swap3A_7 = vector.load %arg4[%swap3A, %swap3A_6] : memref<1024x128xf32, #tpu.memory_space<vmem>>, vector<1024x128xf32>
    tpu.vector_store %arg4[%swap3A, %swap3A_6], %rsqrt3A {strides = array<i32>} : memref<1024x128xf32, #tpu.memory_space<vmem>>, vector<1024x128xf32>,
    %get3A_8 = arith.constant 0 : index
    %get3A_9 = arith.constant 0 : index
    %get3A_10 = vector.load %arg2[%get3A_8, %get3A_9] : memref<1024x128xf32, #tpu.memory_space<vmem>>, vector<1024x128xf32>
    %mul3A = arith.mulf %get3A_10, %rsqrt3A : vector<1024x128xf32>
    %swap3A_11 = arith.constant 0 : index
    %swap3A_12 = arith.constant 0 : index
    %swap3A_13 = vector.load %arg3[%swap3A_11, %swap3A_12] : memref<1024x128xf32, #tpu.memory_space<vmem>>, vector<1024x128xf32>
    tpu.vector_store %arg3[%swap3A_11, %swap3A_12], %mul3A {strides = array<i32>} : memref<1024x128xf32, #tpu.memory_space<vmem>>, vector<1024x128xf32>,
    return
  }
  func.func @transform_0(%arg0: i32) -> (i32, i32) {
    %c0_i32 = arith.constant 0 : i32
    %c0_i32_0 = arith.constant 0 : i32
    return %c0_i32, %arg0 : i32, i32
  }
  func.func @transform_1(%arg0: i32) -> (i32, i32) {
    %c0_i32 = arith.constant 0 : i32
    %c0_i32_0 = arith.constant 0 : i32
    return %arg0, %c0_i32 : i32, i32
  }
  func.func @transform_2(%arg0: i32) -> (i32, i32) {
    %c0_i32 = arith.constant 0 : i32
    %c0_i32_0 = arith.constant 0 : i32
    return %arg0, %c0_i32 : i32, i32
  }
  func.func @transform_3(%arg0: i32) -> (i32, i32) {
    %c0_i32 = arith.constant 0 : i32
    %c0_i32_0 = arith.constant 0 : i32
    return %arg0, %c0_i32 : i32, i32
  }
}

module attributes {stable_mosaic.version = 14 : i64} {
  func.func @_l1_body(%arg0: i32, %arg1: memref<2x1024x128xf32, #tpu.memory_space<vmem>>, %arg2: memref<1024x128xf32, #tpu.memory_space<vmem>>, %arg3: memref<1024x128xf32, #tpu.memory_space<vmem>>, %arg4: memref<128x256xf32, #tpu.memory_space<vmem>>, %arg5: memref<1x256xf32, #tpu.memory_space<vmem>>, %arg6: memref<256x128xf32, #tpu.memory_space<vmem>>, %arg7: memref<1024x128xf32, #tpu.memory_space<vmem>>, %arg8: memref<1024x128xf32, #tpu.memory_space<vmem>>) attributes {dimension_semantics = [#tpu.dimension_semantics<arbitrary>], iteration_bounds = array<i64: 10>, scalar_prefetch = 0 : i64, scratch_operands = 0 : i64, tpu.core_type = #tpu.core_type<tc>, window_params = [{transform_indices = @transform_0, window_bounds = array<i64: 2, 1024, 128>}, {transform_indices = @transform_1, window_bounds = array<i64: 1024, 128>}, {transform_indices = @transform_2, window_bounds = array<i64: 1024, 128>}, {pipeline_mode = #tpu.pipeline_mode<synchronous>, transform_indices = @transform_3, window_bounds = array<i64: 128, 256>}, {pipeline_mode = #tpu.pipeline_mode<synchronous>, transform_indices = @transform_4, window_bounds = array<i64: 1, 256>}, {pipeline_mode = #tpu.pipeline_mode<synchronous>, transform_indices = @transform_5, window_bounds = array<i64: 256, 128>}, {transform_indices = @transform_6, window_bounds = array<i64: 1024, 128>}, {transform_indices = @transform_7, window_bounds = array<i64: 1024, 128>}]} {
    %get3A = arith.constant 0 : index
    %get3A_0 = arith.constant 0 : index
    %get3A_1 = arith.constant 0 : index
    %get3A_2 = vector.load %arg1[%get3A, %get3A_0, %get3A_1] : memref<2x1024x128xf32, #tpu.memory_space<vmem>>, vector<2x1024x128xf32>
    %get3A_3 = arith.constant 0 : index
    %get3A_4 = arith.constant 0 : index
    %get3A_5 = vector.load %arg3[%get3A_3, %get3A_4] : memref<1024x128xf32, #tpu.memory_space<vmem>>, vector<1024x128xf32>
    %slice3A = vector.extract_strided_slice %get3A_2 {offsets = [0, 0, 0], sizes = [1, 1024, 128], strides = [1, 1, 1]} : vector<2x1024x128xf32> to vector<1x1024x128xf32>
    %squeeze3A = vector.shape_cast %slice3A : vector<1x1024x128xf32> to vector<1024x128xf32>
    %slice3A_6 = vector.extract_strided_slice %get3A_2 {offsets = [1, 0, 0], sizes = [1, 1024, 128], strides = [1, 1, 1]} : vector<2x1024x128xf32> to vector<1x1024x128xf32>
    %squeeze3A_7 = vector.shape_cast %slice3A_6 : vector<1x1024x128xf32> to vector<1024x128xf32>
    %add3A = arith.addf %squeeze3A, %squeeze3A_7 : vector<1024x128xf32>
    %mul3A = arith.mulf %get3A_5, %add3A : vector<1024x128xf32>
    %mul3A_8 = arith.mulf %get3A_5, %get3A_5 : vector<1024x128xf32>
    %get3A_9 = arith.constant 0 : index
    %get3A_10 = arith.constant 0 : index
    %get3A_11 = vector.load %arg2[%get3A_9, %get3A_10] : memref<1024x128xf32, #tpu.memory_space<vmem>>, vector<1024x128xf32>
    %mul3A_12 = arith.mulf %mul3A_8, %get3A_11 : vector<1024x128xf32>
    %add3A_13 = arith.addf %mul3A, %mul3A_12 : vector<1024x128xf32>
    %get3A_14 = arith.constant 0 : index
    %get3A_15 = arith.constant 0 : index
    %get3A_16 = vector.load %arg4[%get3A_14, %get3A_15] : memref<128x256xf32, #tpu.memory_space<vmem>>, vector<128x256xf32>
    %dot_general3A = arith.constant dense<0.000000e+00> : vector<1024x256xf32>
    %dot_general3A_17 = tpu.matmul %add3A_13, %get3A_16, %dot_general3A {dimension_numbers = #tpu.dot_dimension_numbers<[1], [0], [0], [1], [0, 0, 1, 1], [], []>, transpose_lhs_hint = false} : vector<1024x128xf32>, vector<128x256xf32>, vector<1024x256xf32> -> vector<1024x256xf32>
    %get3A_18 = arith.constant 0 : index
    %get3A_19 = arith.constant 0 : index
    %get3A_20 = vector.load %arg5[%get3A_18, %get3A_19] : memref<1x256xf32, #tpu.memory_space<vmem>>, vector<1x256xf32>
    %add3A_21 = vector.broadcast %get3A_20 : vector<1x256xf32> to vector<1024x256xf32>
    %add3A_22 = arith.addf %dot_general3A_17, %add3A_21 : vector<1024x256xf32>
    %max3A = arith.constant 0.000000e+00 : f32
    %max3A_23 = vector.broadcast %max3A : f32 to vector<1024x256xf32>
    %max3A_24 = arith.maximumf %add3A_22, %max3A_23 : vector<1024x256xf32>
    %get3A_25 = arith.constant 0 : index
    %get3A_26 = arith.constant 0 : index
    %get3A_27 = vector.load %arg6[%get3A_25, %get3A_26] : memref<256x128xf32, #tpu.memory_space<vmem>>, vector<256x128xf32>
    %dot_general3A_28 = arith.constant dense<0.000000e+00> : vector<1024x128xf32>
    %dot_general3A_29 = tpu.matmul %max3A_24, %get3A_27, %dot_general3A_28 {dimension_numbers = #tpu.dot_dimension_numbers<[1], [0], [0], [1], [0, 0, 1, 1], [], []>, transpose_lhs_hint = false} : vector<1024x256xf32>, vector<256x128xf32>, vector<1024x128xf32> -> vector<1024x128xf32>
    %swap3A = arith.constant 0 : index
    %swap3A_30 = arith.constant 0 : index
    %swap3A_31 = vector.load %arg7[%swap3A, %swap3A_30] : memref<1024x128xf32, #tpu.memory_space<vmem>>, vector<1024x128xf32>
    tpu.vector_store %arg7[%swap3A, %swap3A_30], %dot_general3A_29 {strides = array<i32>} : memref<1024x128xf32, #tpu.memory_space<vmem>>, vector<1024x128xf32>,
    %mul3A_32 = arith.mulf %get3A_5, %dot_general3A_29 : vector<1024x128xf32>
    %swap3A_33 = arith.constant 0 : index
    %swap3A_34 = arith.constant 0 : index
    %swap3A_35 = vector.load %arg8[%swap3A_33, %swap3A_34] : memref<1024x128xf32, #tpu.memory_space<vmem>>, vector<1024x128xf32>
    tpu.vector_store %arg8[%swap3A_33, %swap3A_34], %mul3A_32 {strides = array<i32>} : memref<1024x128xf32, #tpu.memory_space<vmem>>, vector<1024x128xf32>,
    return
  }
  func.func @transform_0(%arg0: i32) -> (i32, i32, i32) {
    %c0_i32 = arith.constant 0 : i32
    %c0_i32_0 = arith.constant 0 : i32
    %c0_i32_1 = arith.constant 0 : i32
    return %c0_i32, %arg0, %c0_i32_0 : i32, i32, i32
  }
  func.func @transform_1(%arg0: i32) -> (i32, i32) {
    %c0_i32 = arith.constant 0 : i32
    %c0_i32_0 = arith.constant 0 : i32
    return %arg0, %c0_i32 : i32, i32
  }
  func.func @transform_2(%arg0: i32) -> (i32, i32) {
    %c0_i32 = arith.constant 0 : i32
    %c0_i32_0 = arith.constant 0 : i32
    return %arg0, %c0_i32 : i32, i32
  }
  func.func @transform_3(%arg0: i32) -> (i32, i32) {
    %c0_i32 = arith.constant 0 : i32
    %c0_i32_0 = arith.constant 0 : i32
    %c0_i32_1 = arith.constant 0 : i32
    return %c0_i32, %c0_i32_0 : i32, i32
  }
  func.func @transform_4(%arg0: i32) -> (i32, i32) {
    %c0_i32 = arith.constant 0 : i32
    %c0_i32_0 = arith.constant 0 : i32
    %c0_i32_1 = arith.constant 0 : i32
    return %c0_i32, %c0_i32_0 : i32, i32
  }
  func.func @transform_5(%arg0: i32) -> (i32, i32) {
    %c0_i32 = arith.constant 0 : i32
    %c0_i32_0 = arith.constant 0 : i32
    %c0_i32_1 = arith.constant 0 : i32
    return %c0_i32, %c0_i32_0 : i32, i32
  }
  func.func @transform_6(%arg0: i32) -> (i32, i32) {
    %c0_i32 = arith.constant 0 : i32
    %c0_i32_0 = arith.constant 0 : i32
    return %arg0, %c0_i32 : i32, i32
  }
  func.func @transform_7(%arg0: i32) -> (i32, i32) {
    %c0_i32 = arith.constant 0 : i32
    %c0_i32_0 = arith.constant 0 : i32
    return %arg0, %c0_i32 : i32, i32
  }
}

module attributes {stable_mosaic.version = 14 : i64} {
  func.func @_l2_body(%arg0: i32, %arg1: memref<2x1000x128xf32, #tpu.memory_space<vmem>>, %arg2: memref<1000x128xf32, #tpu.memory_space<vmem>>, %arg3: memref<1000x128xf32, #tpu.memory_space<vmem>>, %arg4: memref<1x128xf32, #tpu.memory_space<vmem>>, %arg5: memref<1000x128xf32, #tpu.memory_space<vmem>>) attributes {dimension_semantics = [#tpu.dimension_semantics<arbitrary>], iteration_bounds = array<i64: 10>, scalar_prefetch = 0 : i64, scratch_operands = 0 : i64, tpu.core_type = #tpu.core_type<tc>, window_params = [{transform_indices = @transform_0, window_bounds = array<i64: 2, 1000, 128>}, {transform_indices = @transform_1, window_bounds = array<i64: 1000, 128>}, {transform_indices = @transform_2, window_bounds = array<i64: 1000, 128>}, {pipeline_mode = #tpu.pipeline_mode<synchronous>, transform_indices = @transform_3, window_bounds = array<i64: 1, 128>}, {transform_indices = @transform_4, window_bounds = array<i64: 1000, 128>}]} {
    %get3A = arith.constant 0 : index
    %get3A_0 = arith.constant 0 : index
    %get3A_1 = arith.constant 0 : index
    %get3A_2 = vector.load %arg1[%get3A, %get3A_0, %get3A_1] : memref<2x1000x128xf32, #tpu.memory_space<vmem>>, vector<2x1000x128xf32>
    %get3A_3 = arith.constant 0 : index
    %get3A_4 = arith.constant 0 : index
    %get3A_5 = vector.load %arg3[%get3A_3, %get3A_4] : memref<1000x128xf32, #tpu.memory_space<vmem>>, vector<1000x128xf32>
    %slice3A = vector.extract_strided_slice %get3A_2 {offsets = [0, 0, 0], sizes = [1, 1000, 128], strides = [1, 1, 1]} : vector<2x1000x128xf32> to vector<1x1000x128xf32>
    %squeeze3A = vector.shape_cast %slice3A : vector<1x1000x128xf32> to vector<1000x128xf32>
    %slice3A_6 = vector.extract_strided_slice %get3A_2 {offsets = [1, 0, 0], sizes = [1, 1000, 128], strides = [1, 1, 1]} : vector<2x1000x128xf32> to vector<1x1000x128xf32>
    %squeeze3A_7 = vector.shape_cast %slice3A_6 : vector<1x1000x128xf32> to vector<1000x128xf32>
    %add3A = arith.addf %squeeze3A, %squeeze3A_7 : vector<1000x128xf32>
    %mul3A = arith.mulf %get3A_5, %add3A : vector<1000x128xf32>
    %mul3A_8 = arith.mulf %get3A_5, %get3A_5 : vector<1000x128xf32>
    %get3A_9 = arith.constant 0 : index
    %get3A_10 = arith.constant 0 : index
    %get3A_11 = vector.load %arg2[%get3A_9, %get3A_10] : memref<1000x128xf32, #tpu.memory_space<vmem>>, vector<1000x128xf32>
    %mul3A_12 = arith.mulf %mul3A_8, %get3A_11 : vector<1000x128xf32>
    %add3A_13 = arith.addf %mul3A, %mul3A_12 : vector<1000x128xf32>
    %get3A_14 = arith.constant 0 : index
    %get3A_15 = arith.constant 0 : index
    %get3A_16 = vector.load %arg4[%get3A_14, %get3A_15] : memref<1x128xf32, #tpu.memory_space<vmem>>, vector<1x128xf32>
    %add3A_17 = vector.broadcast %get3A_16 : vector<1x128xf32> to vector<1000x128xf32>
    %add3A_18 = arith.addf %add3A_13, %add3A_17 : vector<1000x128xf32>
    %max3A = arith.constant 0.000000e+00 : f32
    %max3A_19 = vector.broadcast %max3A : f32 to vector<1000x128xf32>
    %max3A_20 = arith.maximumf %add3A_18, %max3A_19 : vector<1000x128xf32>
    %swap3A = arith.constant 0 : index
    %swap3A_21 = arith.constant 0 : index
    %swap3A_22 = vector.load %arg5[%swap3A, %swap3A_21] : memref<1000x128xf32, #tpu.memory_space<vmem>>, vector<1000x128xf32>
    tpu.vector_store %arg5[%swap3A, %swap3A_21], %max3A_20 {strides = array<i32>} : memref<1000x128xf32, #tpu.memory_space<vmem>>, vector<1000x128xf32>,
    return
  }
  func.func @transform_0(%arg0: i32) -> (i32, i32, i32) {
    %c0_i32 = arith.constant 0 : i32
    %c0_i32_0 = arith.constant 0 : i32
    %c0_i32_1 = arith.constant 0 : i32
    return %c0_i32, %arg0, %c0_i32_0 : i32, i32, i32
  }
  func.func @transform_1(%arg0: i32) -> (i32, i32) {
    %c0_i32 = arith.constant 0 : i32
    %c0_i32_0 = arith.constant 0 : i32
    return %arg0, %c0_i32 : i32, i32
  }
  func.func @transform_2(%arg0: i32) -> (i32, i32) {
    %c0_i32 = arith.constant 0 : i32
    %c0_i32_0 = arith.constant 0 : i32
    return %arg0, %c0_i32 : i32, i32
  }
  func.func @transform_3(%arg0: i32) -> (i32, i32) {
    %c0_i32 = arith.constant 0 : i32
    %c0_i32_0 = arith.constant 0 : i32
    %c0_i32_1 = arith.constant 0 : i32
    return %c0_i32, %c0_i32_0 : i32, i32
  }
  func.func @transform_4(%arg0: i32) -> (i32, i32) {
    %c0_i32 = arith.constant 0 : i32
    %c0_i32_0 = arith.constant 0 : i32
    return %arg0, %c0_i32 : i32, i32
  }
}

</mosaic_0001>

<sc_bundles>
// kernel: kernel.11.cloned.1.call-start
scs
__scs_entry_jumppad:
0x0: {  	(pc) =	sbr.rel $0x88, $3  }
0x1: {  	(tag) =	ssettag $0x0;
	lr =	simm.s32 $0x1  }
0x2: {  	[smem:$0x3F9B] =	sst lr;
	_ =	strace $0xD0000000  }
0x3: {  	_ = 	snop  }
0x4: {  	_ = 	snop  }
0x5: {  	_ = 	snop  }
0x6: {  	_ = 	snop  }
0x7: {  	_ = 	snop  }
__scs_overlays_trampoline_lowered:
0x8: {  	[smem:$0x3FAA] =	sst s0  }
0x9: {  	[smem:$0x3FAB] =	sst s1  }
0xa: {  	[smem:$0x3FAC] =	sst s2  }
0xb: {  	[smem:$0x3FAD] =	sst s3  }
0xc: {  	[smem:$0x3FAE] =	sst s4  }
0xd: {  	[smem:$0x3FAF] =	sst s5  }
0xe: {  	[smem:$0x3FB0] =	sst s6  }
0xf: {  	[smem:$0x3FB1] =	sst s7  }
0x10: {  	[smem:$0x3FB2] =	sst s8  }
0x11: {  	[smem:$0x3FB3] =	sst s9;
	s0 =	simm.s32 @!p0 $0x0  }
0x12: {  	s1 =	sld [smem:$0x3F99];
	s0 =	simm.s32 @p0 $0x1  }
0x13: {  	[smem:$0x3FB4] =	sst s0;
	s0 =	simm.s32 @!p1 $0x0  }
0x14: {  	s2 =	sld [smem:$0x3F98];
	s0 =	simm.s32 @p1 $0x1  }
0x15: {  	[smem:$0x3FB5] =	sst s0;
	s0 =	simm.s32 @!p2 $0x0  }
0x16: {  	s3 =	sld [smem:$0x3FDB];
	s0 =	simm.s32 @p2 $0x1  }
0x17: {  	s4 =	simm.s32 $0x1BF5;
	[smem:$0x3FB7] =	sst s0  }
0x18: {  	s0 =	sld [smem:$0x3F9A];
	_ =	swait.ge [sflag:s4], $0x0  }
0x19: {  	s7 =	sld [smem:$0x3F9B]  }
0x1a: {  	s8 =	sadd.s32 $0xFFFFE003, lr  }
0x1b: {  	s9 =	sadd.s32 $0xFFFFFEF7, lr;
	s5 =	simm.s32 $0xFFFFFFFF;
	p2 =	slt.u32 s8, $0xFFFFF086  }
0x1c: {  	p1 =	slt.u32 s9, $0xF7A;
	s5 =	simm.s32 @!p2 $0x0  }
0x1d: {  	s5 =	simm.s32 @p1 $0x1;
	p0 =	seq.s32 s7, s2  }
0x1e: {  	s7 =	smul.u32 @!p0 $0xF7A, s2;
	p2 =	seq.s32 @!p0 s5, $0x0  }
0x1f: {  	s9 =	smul.u32 $0xF7A, s1;
	s8 =	simm.s32 @!p0 $0x1BF5;
	p2 =	por !p2, p0  }
0x20: {  	[sflag:s8] =	ssyncset.s32 @!p0 $0xFFFFF086;
	s6 =	sadd.s32 @!p0 s3, s7;
	s7 =	simm.s32 @!p0 $0x108  }
0x21: {  	s3 =	sadd.s32 s3, s9;
	s6 =	sadd.s32 @!p0 $0x88, s6;
	s7 =	simm.s32 @p2 $0x1082  }
0x22: {  	[simem:s7], [sflag:s8] =	dma.local @!p0 [hbm:s6], $0xF7A  }
0x23: {  	s9 =	sor.u32 $0xD0000000, s2;
	s6 =	simm.s32 $0x108;
	_ =	swait.ge @!p0 [sflag:s8], $0x0  }
0x24: {  	s3 =	sadd.s32 $0x88, s3;
	s6 =	simm.s32 @!p1 $0x1082;
	[sflag:s4] =	ssyncset.s32 $0xFFFFF086  }
0x25: {  	[simem:s6], [sflag:s4] =	dma.local [hbm:s3], $0xF7A  }
0x26: {  	[smem:$0x3F9B] =	sst s1;
	(tag) =	ssettag s2;
	_ =	strace s9  }
0x27: {  	s1 =	sld [smem:$0x3FAB]  }
0x28: {  	s2 =	sld [smem:$0x3FAC]  }
0x29: {  	s4 =	sld [smem:$0x3FAE]  }
0x2a: {  	p0 =	seq.s32 s5, $0x0;
	s5 =	sld [smem:$0x3FAF]  }
0x2b: {  	s6 =	sld [smem:$0x3FB0]  }
0x2c: {  	s7 =	sld [smem:$0x3FB1]  }
0x2d: {  	s3 =	simm.s32 $0x108;
	s8 =	sld [smem:$0x3FB2]  }
0x2e: {  	s3 =	simm.s32 @!p0 $0x1082;
	s9 =	sld [smem:$0x3FB3]  }
0x2f: {  	lr =	sadd.s32 s0, s3;
	s0 =	sld [smem:$0x3FAA]  }
0x30: {  	s3 =	sld [smem:$0x3FAD]  }
0x31: {  	[smem:$0x3FB6] =	sst s10  }
0x32: {  	s10 =	sld [smem:$0x3FB4];
	_ =	sdelay $0x3  }
0x33: {  	p0 =	seq.s32 s10, $0x1;
	s10 =	sld [smem:$0x3FB6];
	_ =	sdelay $0x3  }
0x34: {  	[smem:$0x3FB6] =	sst s10  }
0x35: {  	s10 =	sld [smem:$0x3FB5];
	_ =	sdelay $0x3  }
0x36: {  	p1 =	seq.s32 s10, $0x1;
	s10 =	sld [smem:$0x3FB6];
	_ =	sdelay $0x3  }
0x37: {  	[smem:$0x3FB6] =	sst s10  }
0x38: {  	s10 =	sld [smem:$0x3FB7]  }
0x39: {  	_ = 	snop;
	(pc) =	sbr.ind lr, $3  }
0x3a: {  	_ = 	snop  }
0x3b: {  	_ = 	snop  }
0x3c: {  	p2 =	seq.s32 s10, $0x1;
	s10 =	sld [smem:$0x3FB6]  }
0x3d: {  	_ =	shalt  }
0x3e: {  	_ =	shalt  }
0x3f: {  	_ =	shalt  }
0x40: {  	_ =	shalt  }
0x41: {  	_ =	shalt  }
0x42: {  	_ =	shalt  }
0x43: {  	_ =	shalt  }
0x44: {  	_ =	shalt  }
0x45: {  	_ =	shalt  }
0x46: {  	_ =	shalt  }
0x47: {  	_ =	shalt  }
0x48: {  	_ =	shalt  }
0x49: {  	_ =	shalt  }
0x4a: {  	_ =	shalt  }
0x4b: {  	_ =	shalt  }
0x4c: {  	_ =	shalt  }
0x4d: {  	_ =	shalt  }
0x4e: {  	_ =	shalt  }
0x4f: {  	_ =	shalt  }
0x50: {  	_ =	shalt  }
0x51: {  	_ =	shalt  }
0x52: {  	_ =	shalt  }
0x53: {  	_ =	shalt  }
0x54: {  	_ =	shalt  }
0x55: {  	_ =	shalt  }
0x56: {  	_ =	shalt  }
0x57: {  	_ =	shalt  }
0x58: {  	_ =	shalt  }
0x59: {  	_ =	shalt  }
0x5a: {  	_ =	shalt  }
0x5b: {  	_ =	shalt  }
0x5c: {  	_ =	shalt  }
0x5d: {  	_ =	shalt  }
0x5e: {  	_ =	shalt  }
0x5f: {  	_ =	shalt  }
0x60: {  	_ =	shalt  }
0x61: {  	_ =	shalt  }
0x62: {  	_ =	shalt  }
0x63: {  	_ =	shalt  }
0x64: {  	_ =	shalt  }
0x65: {  	_ =	shalt  }
0x66: {  	_ =	shalt  }
0x67: {  	_ =	shalt  }
0x68: {  	_ =	shalt  }
0x69: {  	_ =	shalt  }
0x6a: {  	_ =	shalt  }
0x6b: {  	_ =	shalt  }
0x6c: {  	_ =	shalt  }
0x6d: {  	_ =	shalt  }
0x6e: {  	_ =	shalt  }
0x6f: {  	_ =	shalt  }
0x70: {  	_ =	shalt  }
0x71: {  	_ =	shalt  }
0x72: {  	_ =	shalt  }
0x73: {  	_ =	shalt  }
0x74: {  	_ =	shalt  }
0x75: {  	_ =	shalt  }
0x76: {  	_ =	shalt  }
0x77: {  	_ =	shalt  }
0x78: {  	_ =	shalt  }
0x79: {  	_ =	shalt  }
0x7a: {  	_ =	shalt  }
0x7b: {  	_ =	shalt  }
0x7c: {  	_ =	shalt  }
0x7d: {  	_ =	shalt  }
0x7e: {  	_ =	shalt  }
0x7f: {  	_ =	shalt  }
0x80: {  	_ =	shalt  }
0x81: {  	_ =	shalt  }
0x82: {  	_ =	shalt  }
0x83: {  	_ =	shalt  }
0x84: {  	_ =	shalt  }
0x85: {  	_ =	shalt  }
0x86: {  	_ =	shalt  }
0x87: {  	_ =	shalt  }
.Lfunc_end0:
.L_simem_size_0:
called_computation.1_lowered:
.L_overlay_start_0:
0x88: {  	s2 =	sld [smem:$0x3FD9]  }
0x89: {  	s3 =	sld [smem:$0x3FFE];
	_ =	sdelay $0x1  }
0x8a: {  	s1 =	srdreg.scid  }
0x8b: {  	s0 =	sand.u32 $0x1, s1  }
0x8c: {  	s17 =	sshll.u32 s0, $0xA;
	s2 =	sadd.s32 s3, s2  }
0x8d: {  	s2 =	sadd.s32 s2, s17  }
0x8e: {  	[smem:$0x3FC2] =	sst s2  }
0x8f: {  	_ = 	snop  }
0x90: {  	s2 =	sld [smem:$0x3FD0];
	(tm) =	ssettm $0x1  }
0x91: {  	s18 =	sld [smem:$0x3FFB];
	_ =	sdelay $0x3  }
0x92: {  	_ =	strace s18  }
0x93: {  	s3 =	sld [smem:$0x3FFC];
	_ =	sdelay $0x3  }
0x94: {  	_ =	strace s3  }
0x95: {  	s3 =	sld [smem:$0x3FFD];
	_ =	sdelay $0x3  }
0x96: {  	_ =	strace s3  }
0x97: {  	_ =	strace $0x8FFFFFFF  }
0x98: {  	s19 =	sld [smem:$0x3FDB];
	_ =	sdelay $0x1  }
0x99: {  	s4 =	simm.s32 $_scs_section_size  }
0x9a: {  	s5 =	simm.s32 $_size__tile_overlayer_lowered;
	s6 =	simm.s32 $_tile_overlayer_lowered  }
0x9b: {  	s22 =	simm.s32 $0x1BFF;
	s21 =	sshll.u32 s6, $0x1;
	s3 =	sadd.s32 s4, s19  }
0x9c: {  	s7 =	simm.s32 $0x0;
	s20 =	sshll.u32 s5, $0x1;
	s5 =	sadd.s32 s21, s3  }
0x9d: {  	[timem:s7], [sflag:s22] =	dma.local [hbm:s5], s20  }
0x9e: {  	_ =	swait.ge [sflag:s22], s20  }
0x9f: {  	s4 =	ssub.s32 $0x0, s20;
	[sflag:s22] =	ssyncset.done $0x0  }
0xa0: {  	[sflag:s22] =	ssyncadd.s32 s4;
	_ =	sdelay $0x1  }
0xa1: {  	s23 =	simm.s32 $0x1B8B  }
0xa2: {  	_ =	swait.ge [sflag:s23], $0x1  }
0xa3: {  	[sflag:s23] =	ssyncset.done $0x0  }
0xa4: {  	s25 =	simm.s32 $0x1B8E;
	s24 =	sld [smem:$0x3FFE];
	[sflag:s23] =	ssyncadd.s32 $0xFFFFFFFF  }
0xa5: {  	s26 =	simm.s32 $execute0_lowered;
	[smem:$0x3FD2] =	sst s25  }
0xa6: {  	s5 =	sshll.u32 s26, $0x1;
	_ =	strace $0x80000049;
	[dreg:$0x1] =	wrdreg $0xFFFFFFFF  }
0xa7: {  	s28 =	simm.s32 $_size_execute0_lowered;
	s3 =	sadd.s32 s3, s5;
	[dreg:$0x0] =	wrdreg $0x0  }
0xa8: {  	s5 =	sshll.u32 s28, $0x1;
	[dreg:$0x2] =	wrdreg s3  }
0xa9: {  	[dreg:$0x3] =	wrdreg s5  }
0xaa: {  	[dreg:$0x4] =	wrdreg $0xC0  }
0xab: {  	_ =	task [dreg:s7], $0x5FFFF  }
0xac: {  	[dreg:$0x1] =	wrdreg $0xFFFFFFFF  }
0xad: {  	[dreg:$0x0] =	wrdreg $0x60  }
0xae: {  	[dreg:$0x2] =	wrdreg s24  }
0xaf: {  	[dreg:$0x3] =	wrdreg s2  }
0xb0: {  	[dreg:$0x4] =	wrdreg $0x88000  }
0xb1: {  	[dreg:$0x5] =	wrdreg $0x9  }
0xb2: {  	_ =	task.clear_ibuf [dreg:s7], $0x6FFFF;
	_ =	strace $0x90000049  }
0xb3: {  	s29 =	simm.s32 $0x9;
	_ =	strace $0x8000004B  }
0xb4: {  	_ =	swait.ge [sflag:s29], $0x1  }
0xb5: {  	[sflag:s29] =	ssyncadd.s32 $0xFFFFFFFF  }
0xb6: {  	_ =	strace $0x9000004B  }
0xb7: {  	_ =	sfence  }
0xb8: {  	s30 =	sld [smem:$0x0];
	_ =	sdelay $0x2  }
0xb9: {  	s31 =	sshll.u32 s1, $0xD;
	s1 =	sshrl.u32 s1, $0x2  }
0xba: {  	s3 =	sand.u32 $0x4000, s31;
	s1 =	sadd.s32 s1, s30  }
0xbb: {  	s0 =	sor.u32 s3, s0;
	s1 =	sshll.u32 s1, $0x11  }
0xbc: {  	s0 =	sor.u32 s1, s0  }
0xbd: {  	s0 =	sadd.s32 $0x8F2B, s0  }
0xbe: {  	[sflag:s0] =	ssyncadd.remote.s32 $0x1  }
0xbf: {  	_ =	sfence.sel $0xFFFF  }
0xc0: {  	[dreg:$0x0] =	wrdreg $0xFFFFFFFF;
	(pc) =	sbr.abs _section_cstart, $3  }
0xc1: {  	[dreg:$0x1] =	wrdreg $0xFFFFFFFF  }
0xc2: {  	_ =	task.clear_ibuf [dreg:s7], $0x2FFFF;
	_ =	strace $0x9FFFFFFF  }
0xc3: {  	(tm) =	ssettm $0x7FFFFFFF  }
tec
execute0_lowered:
.L_overlay_start_1:
0x0: {  	(tag) =	ssettag $0x1  }
0x1: {  	s0 =	rddreg [dreg:$0x0]  }
0x2: {  	s2 =	rddreg [dreg:$0x1]  }
0x3: {  	s1 =	rddreg [dreg:$0x2]  }
0x4: {  	s3 =	simm.s32 $0x0;
	s4 =	srdreg.scid;
	s12 =	stileid.u32  }
0x5: {  	s23 =	simm.s32 $0x280;
	s24 =	simm.s32 $0x480;
	s28 =	simm.s32 $0x6  }
0x6: {  	s29 =	simm.s32 $0x2;
	s30 =	simm.s32 $0x4;
	s31 =	simm.s32 $0x500  }
0x7: {  	[smem:$0x7FF] =	sst s3;
	s5 =	sand.u32 $0x1, s4;
	s7 =	smul.u32 $0x14000, s12  }
0x8: {  	s9 =	sadd.s32 $0x16200, s0;
	s11 =	smul.u32 $0xA0, s12;
	s13 =	sadd.s32 $0x2200, s0  }
0x9: {  	s14 =	smul.u32 $0x50000, s12;
	_ =	strace $0x8000004A;
	[dreg:$0xc] =	wrdreg s13  }
0xa: {  	s6 =	smul.u32 $0x140000, s5;
	s4 =	sshll.u32 s5, $0x4;
	[dreg:$0x8] =	wrdreg s23  }
0xb: {  	s25 =	ssub.s32 $0x2, s5;
	s5 =	smul.u32 $0xA00, s5;
	[dreg:$0x9] =	wrdreg s24  }
0xc: {  	s23 =	simm.s32 $0x180;
	s24 =	simm.s32 $0x6800;
	s8 =	sor.u32 s12, s4  }
0xd: {  	s4 =	sadd.s32 $0x2A400, s0;
	s10 =	sshrl.u32 s25, $0x1;
	s8 =	smul.u32 $0xA00, s8  }
0xe: {  	s6 =	sadd.s32 s7, s6;
	s26 =	ssub.s32 s25, s10;
	s5 =	sadd.s32 s11, s5  }
0xf: {  	s7 =	sshrl.u32 s14, $0x2;
	s14 =	simm.s32 $0x200;
	s25 =	simm.s32 $0x300  }
0x10: {  	s6 =	sshrl.u32 s6, $0x3;
	s5 =	sshll.u32 s5, $0x4;
	s7 =	sadd.s32 s7, s1  }
0x11: {  	s21 =	smax.u32 s26, $0x1;
	[dreg:$0xa] =	wrdreg s25;
	s26 =	simm.s32 $0x380  }
0x12: {  	s25 =	simm.s32 $0x1;
	s0 =	sadd.s32 s6, s0;
	[dreg:$0x11] =	wrdreg s7  }
0x13: {  	s13 =	sadd.s32 s2, s8;
	s15 =	sadd.s32 s9, s8;
	[dreg:$0x13] =	wrdreg s21  }
0x14: {  	s8 =	sor.u32 $0x40, s8;
	s17 =	sor.u32 $0xC0, s5;
	[dreg:$0xb] =	wrdreg s26  }
0x15: {  	s5 =	sor.u32 $0x80, s5;
	s21 =	simm.s32 $0x100;
	[dreg:$0xd] =	wrdreg s13  }
0x16: {  	s26 =	simm.s32 $0x3;
	[dreg:$0xe] =	wrdreg s15;
	s16 =	sadd.s32 s2, s8  }
0x17: {  	s6 =	simm.s32 $0x700;
	s8 =	sadd.s32 s9, s8;
	[dreg:$0xf] =	wrdreg s16  }
0x18: {  	s7 =	simm.s32 $0x780;
	s18 =	sadd.s32 s17, s2;
	[dreg:$0x10] =	wrdreg s8  }
0x19: {  	s19 =	sadd.s32 s17, s9;
	s0 =	sadd.s32 $0x52400, s0;
	[dreg:$0x4] =	wrdreg s18  }
0x1a: {  	s20 =	sadd.s32 s5, s2;
	s22 =	sadd.s32 s5, s9;
	[dreg:$0x12] =	wrdreg s0  }
0x1b: {  	s13 =	simm.s32 $0x7;
	s15 =	simm.s32 $0x400;
	[dreg:$0x5] =	wrdreg s19  }
0x1c: {  	s17 =	simm.s32 $0x40;
	s2 =	simm.s32 $0x680;
	[dreg:$0x6] =	wrdreg s20  }
0x1d: {  	s5 =	simm.s32 $0x5;
	[dreg:$0x7] =	wrdreg s22;
	s16 =	simm.s32 $0x600  }
0x1e: {  	s18 =	simm.s32 $0x800;
	s19 =	simm.s32 $0x80;
	s20 =	simm.s32 $0x2800  }
0x1f: {  	s22 =	simm.s32 $0x4800;
	s0 =	simm.s32 $0x580;
	s8 =	simm.s32 $0x0  }
.LBB2_1:
0x20: {  	s9 =	rddreg [dreg:$0xd]  }
0x21: {  	[tilespmem:s3], [sflag:$0x7] =	stream.linear.gather [hbm4b:s9+s3], $0x200, $0x38;
	[tilespmem:$0x1C800] =	vst v63  }
0x22: {  	_ =	swait.ge [sflag:s13], $0x200  }
0x23: {  	[sflag:s13] =	ssyncset.done $0x0  }
0x24: {  	s10 =	rddreg [dreg:$0xe];
	[sflag:s13] =	ssyncadd.s32 $0xFFFFFE00  }
0x25: {  	[tilespmem:s14], [sflag:$0x7] =	stream.linear.gather [hbm4b:s10+s3], $0x200, $0x38;
	[tilespmem:$0x1C800] =	vst v63  }
0x26: {  	s10 =	stileid.u32;
	_ =	swait.ge [sflag:s13], $0x200  }
0x27: {  	s9 =	sshll.u32 s10, $0x6;
	s11 =	rddreg [dreg:$0xf]  }
0x28: {  	[sflag:s13] =	ssyncset.done $0x0;
	s12 =	rddreg [dreg:$0x10];
	s10 =	sor.u32 $0x1C07, s9  }
0x29: {  	[sflag:s13] =	ssyncadd.s32 $0xFFFFFE00;
	[dreg:$0x14] =	wrdreg s10  }
0x2a: {  	[tilespmem:s15], [sflag:$0x6] =	stream.linear.gather [hbm4b:s11+s3], $0x200, $0x38;
	[tilespmem:$0x1C800] =	vst v63  }
0x2b: {  	s11 =	rddreg [dreg:$0x11]  }
0x2c: {  	[tilespmem:s16], [sflag:$0x6] =	stream.linear.gather [hbm4b:s12+s3], $0x200, $0x38;
	[tilespmem:$0x1C800] =	vst v63  }
0x2d: {  	s11 =	sshrl.u32 s11, $0x3;
	s12 =	rddreg [dreg:$0xc]  }
0x2e: {  	[dreg:$0x15] =	wrdreg s11  }
0x2f: {  	[spmem:s11], [sflag:s10] =	dma.local [hbm:s12], $0x2800  }
0x30: {  	_ =	swait.ge [sflag:s13], $0x2800  }
0x31: {  	[sflag:s13] =	ssyncset.done $0x0  }
0x32: {  	[sflag:s13] =	ssyncadd.s32 $0xFFFFD800  }
0x33: {  	[bflag:$0x0] =	sbarrier.arrive $0xFFFF  }
0x34: {  	[tilespmem:s18], [sflag:$0x1] =	stream.indirect.gather [hbm4b:s4+s17], $0x80, s3, s17, $0xb8;
	[tilespmem:$0x1C800] =	vst v63  }
0x35: {  	_ = 	snop  }
0x36: {  	[tilespmem:s20], [sflag:$0x1] =	stream.indirect.gather [hbm4b:s4+s17], $0x80, s19, s17, $0xb8;
	[tilespmem:$0x1C800] =	vst v63  }
0x37: {  	_ = 	snop  }
0x38: {  	[tilespmem:s22], [sflag:$0x2] =	stream.indirect.gather [hbm4b:s4+s17], $0x80, s21, s17, $0xb8;
	[tilespmem:$0x1C800] =	vst v63  }
0x39: {  	_ = 	snop  }
0x3a: {  	[tilespmem:s24], [sflag:$0x2] =	stream.indirect.gather [hbm4b:s4+s17], $0x80, s23, s17, $0xb8;
	[tilespmem:$0x1C800] =	vst v63  }
0x3b: {  	_ =	swait.ge [sflag:s25], $0x2000  }
0x3c: {  	[sflag:s25] =	ssyncset.done $0x0  }
0x3d: {  	[sflag:s25] =	ssyncadd.s32 $0xFFFFE000  }
0x3e: {  	_ =	swait.ge [sflag:s25], $0x2000  }
0x3f: {  	[sflag:s25] =	ssyncset.done $0x0  }
0x40: {  	[sflag:s25] =	ssyncadd.s32 $0xFFFFE000  }
0x41: {  	[spmem:s1] =	stream.indirect.scatter.add.f32 [tilespmem:s18], [sflag:$0x3], $0x80, s14, s17, $0xb8;
	[tilespmem:$0x1C800] =	vst v63  }
0x42: {  	s12 =	rddreg [dreg:$0x8]  }
0x43: {  	[spmem:s1] =	stream.indirect.scatter.add.f32 [tilespmem:s20], [sflag:$0x3], $0x80, s12, s17, $0xb8;
	[tilespmem:$0x1C800] =	vst v63  }
0x44: {  	_ =	swait.ge [sflag:s26], $0x2000  }
0x45: {  	[sflag:s26] =	ssyncset.done $0x0  }
0x46: {  	[sflag:s26] =	ssyncadd.s32 $0xFFFFE000  }
0x47: {  	_ =	swait.ge [sflag:s26], $0x2000  }
0x48: {  	[sflag:s26] =	ssyncset.done $0x0  }
0x49: {  	[sflag:s26] =	ssyncadd.s32 $0xFFFFE000  }
0x4a: {  	_ =	swait.ge [sflag:s28], $0x200  }
0x4b: {  	[sflag:s28] =	ssyncset.done $0x0  }
0x4c: {  	[sflag:s28] =	ssyncadd.s32 $0xFFFFFE00  }
0x4d: {  	_ =	swait.ge [sflag:s28], $0x200  }
0x4e: {  	[sflag:s28] =	ssyncset.done $0x0  }
0x4f: {  	[sflag:s28] =	ssyncadd.s32 $0xFFFFFE00  }
0x50: {  	[tilespmem:s18], [sflag:$0x1] =	stream.indirect.gather [hbm4b:s4+s17], $0x80, s15, s17, $0xb8;
	[tilespmem:$0x1C800] =	vst v63  }
0x51: {  	s9 =	rddreg [dreg:$0x9]  }
0x52: {  	[tilespmem:s20], [sflag:$0x1] =	stream.indirect.gather [hbm4b:s4+s17], $0x80, s9, s17, $0xb8;
	[tilespmem:$0x1C800] =	vst v63  }
0x53: {  	_ =	swait.ge [sflag:s29], $0x2000  }
0x54: {  	[sflag:s29] =	ssyncset.done $0x0  }
0x55: {  	[sflag:s29] =	ssyncadd.s32 $0xFFFFE000  }
0x56: {  	_ =	swait.ge [sflag:s29], $0x2000  }
0x57: {  	[sflag:s29] =	ssyncset.done $0x0  }
0x58: {  	s10 =	rddreg [dreg:$0xa];
	[sflag:s29] =	ssyncadd.s32 $0xFFFFE000  }
0x59: {  	[spmem:s1] =	stream.indirect.scatter.add.f32 [tilespmem:s22], [sflag:$0x4], $0x80, s10, s17, $0xb8;
	[tilespmem:$0x1C800] =	vst v63  }
0x5a: {  	s12 =	rddreg [dreg:$0xb]  }
0x5b: {  	[spmem:s1] =	stream.indirect.scatter.add.f32 [tilespmem:s24], [sflag:$0x4], $0x80, s12, s17, $0xb8;
	[tilespmem:$0x1C800] =	vst v63  }
0x5c: {  	_ =	swait.ge [sflag:s30], $0x2000  }
0x5d: {  	[sflag:s30] =	ssyncset.done $0x0  }
0x5e: {  	[sflag:s30] =	ssyncadd.s32 $0xFFFFE000  }
0x5f: {  	_ =	swait.ge [sflag:s30], $0x2000  }
0x60: {  	s9 =	rddreg [dreg:$0x6];
	[sflag:s30] =	ssyncset.done $0x0  }
0x61: {  	s10 =	rddreg [dreg:$0x7];
	[sflag:s30] =	ssyncadd.s32 $0xFFFFE000;
	s11 =	sadd.s32 $0x0, s9  }
0x62: {  	[tilespmem:s3], [sflag:$0x5] =	stream.linear.gather [hbm4b:s11+s3], $0x200, $0x38;
	[tilespmem:$0x1C800] =	vst v63  }
0x63: {  	s12 =	sadd.s32 $0x0, s10  }
0x64: {  	[tilespmem:s14], [sflag:$0x5] =	stream.linear.gather [hbm4b:s12+s3], $0x200, $0x38;
	[tilespmem:$0x1C800] =	vst v63  }
0x65: {  	_ = 	snop  }
0x66: {  	[tilespmem:s22], [sflag:$0x2] =	stream.indirect.gather [hbm4b:s4+s17], $0x80, s31, s17, $0xb8;
	[tilespmem:$0x1C800] =	vst v63  }
0x67: {  	_ = 	snop  }
0x68: {  	[tilespmem:s24], [sflag:$0x2] =	stream.indirect.gather [hbm4b:s4+s17], $0x80, s0, s17, $0xb8;
	[tilespmem:$0x1C800] =	vst v63  }
0x69: {  	_ =	swait.ge [sflag:s25], $0x2000  }
0x6a: {  	[sflag:s25] =	ssyncset.done $0x0  }
0x6b: {  	[sflag:s25] =	ssyncadd.s32 $0xFFFFE000  }
0x6c: {  	_ =	swait.ge [sflag:s25], $0x2000  }
0x6d: {  	[sflag:s25] =	ssyncset.done $0x0  }
0x6e: {  	[sflag:s25] =	ssyncadd.s32 $0xFFFFE000  }
0x6f: {  	[spmem:s1] =	stream.indirect.scatter.add.f32 [tilespmem:s18], [sflag:$0x3], $0x80, s16, s17, $0xb8;
	[tilespmem:$0x1C800] =	vst v63  }
0x70: {  	_ = 	snop  }
0x71: {  	[spmem:s1] =	stream.indirect.scatter.add.f32 [tilespmem:s20], [sflag:$0x3], $0x80, s2, s17, $0xb8;
	[tilespmem:$0x1C800] =	vst v63  }
0x72: {  	_ =	swait.ge [sflag:s26], $0x2000  }
0x73: {  	[sflag:s26] =	ssyncset.done $0x0  }
0x74: {  	[sflag:s26] =	ssyncadd.s32 $0xFFFFE000  }
0x75: {  	_ =	swait.ge [sflag:s26], $0x2000  }
0x76: {  	[sflag:s26] =	ssyncset.done $0x0  }
0x77: {  	[sflag:s26] =	ssyncadd.s32 $0xFFFFE000  }
0x78: {  	_ =	swait.ge [sflag:s5], $0x200  }
0x79: {  	[sflag:s5] =	ssyncset.done $0x0  }
0x7a: {  	[sflag:s5] =	ssyncadd.s32 $0xFFFFFE00  }
0x7b: {  	_ =	swait.ge [sflag:s5], $0x200  }
0x7c: {  	[sflag:s5] =	ssyncset.done $0x0  }
0x7d: {  	[sflag:s5] =	ssyncadd.s32 $0xFFFFFE00  }
0x7e: {  	[tilespmem:s18], [sflag:$0x1] =	stream.indirect.gather [hbm4b:s4+s17], $0x80, s3, s17, $0xb8;
	[tilespmem:$0x1C800] =	vst v63  }
0x7f: {  	_ = 	snop  }
0x80: {  	[tilespmem:s20], [sflag:$0x1] =	stream.indirect.gather [hbm4b:s4+s17], $0x80, s19, s17, $0xb8;
	[tilespmem:$0x1C800] =	vst v63  }
0x81: {  	_ =	swait.ge [sflag:s29], $0x2000  }
0x82: {  	[sflag:s29] =	ssyncset.done $0x0  }
0x83: {  	[sflag:s29] =	ssyncadd.s32 $0xFFFFE000  }
0x84: {  	_ =	swait.ge [sflag:s29], $0x2000  }
0x85: {  	[sflag:s29] =	ssyncset.done $0x0  }
0x86: {  	[sflag:s29] =	ssyncadd.s32 $0xFFFFE000  }
0x87: {  	[spmem:s1] =	stream.indirect.scatter.add.f32 [tilespmem:s22], [sflag:$0x4], $0x80, s6, s17, $0xb8;
	[tilespmem:$0x1C800] =	vst v63  }
0x88: {  	_ = 	snop  }
0x89: {  	[spmem:s1] =	stream.indirect.scatter.add.f32 [tilespmem:s24], [sflag:$0x4], $0x80, s7, s17, $0xb8;
	[tilespmem:$0x1C800] =	vst v63  }
0x8a: {  	_ =	swait.ge [sflag:s30], $0x2000  }
0x8b: {  	[sflag:s30] =	ssyncset.done $0x0  }
0x8c: {  	[sflag:s30] =	ssyncadd.s32 $0xFFFFE000  }
0x8d: {  	_ =	swait.ge [sflag:s30], $0x2000  }
0x8e: {  	s9 =	rddreg [dreg:$0x4];
	[sflag:s30] =	ssyncset.done $0x0  }
0x8f: {  	s10 =	rddreg [dreg:$0x5];
	[sflag:s30] =	ssyncadd.s32 $0xFFFFE000;
	s11 =	sadd.s32 $0x0, s9  }
0x90: {  	[tilespmem:s15], [sflag:$0x6] =	stream.linear.gather [hbm4b:s11+s3], $0x200, $0x38;
	[tilespmem:$0x1C800] =	vst v63  }
0x91: {  	s12 =	sadd.s32 $0x0, s10  }
0x92: {  	[tilespmem:s16], [sflag:$0x6] =	stream.linear.gather [hbm4b:s12+s3], $0x200, $0x38;
	[tilespmem:$0x1C800] =	vst v63  }
0x93: {  	s11 =	simm.s32 $0x80  }
0x94: {  	[tilespmem:s22], [sflag:$0x2] =	stream.indirect.gather [hbm4b:s4+s17], $0x80, s21, s17, $0xb8;
	[tilespmem:$0x1C800] =	vst v63  }
.LBB2_2:
0x95: {  	[tilespmem:s24], [sflag:$0x2] =	stream.indirect.gather [hbm4b:s4+s17], $0x80, s23, s17, $0xb8;
	[tilespmem:$0x1C800] =	vst v63  }
0x96: {  	_ =	swait.ge [sflag:s25], $0x2000  }
0x97: {  	[sflag:s25] =	ssyncset.done $0x0  }
0x98: {  	[sflag:s25] =	ssyncadd.s32 $0xFFFFE000  }
0x99: {  	_ =	swait.ge [sflag:s25], $0x2000  }
0x9a: {  	[sflag:s25] =	ssyncset.done $0x0  }
0x9b: {  	[sflag:s25] =	ssyncadd.s32 $0xFFFFE000  }
0x9c: {  	[spmem:s1] =	stream.indirect.scatter.add.f32 [tilespmem:s18], [sflag:$0x3], $0x80, s14, s17, $0xb8;
	[tilespmem:$0x1C800] =	vst v63  }
0x9d: {  	s9 =	rddreg [dreg:$0x8]  }
0x9e: {  	[spmem:s1] =	stream.indirect.scatter.add.f32 [tilespmem:s20], [sflag:$0x3], $0x80, s9, s17, $0xb8;
	[tilespmem:$0x1C800] =	vst v63  }
0x9f: {  	_ =	swait.ge [sflag:s26], $0x2000  }
0xa0: {  	[sflag:s26] =	ssyncset.done $0x0  }
0xa1: {  	[sflag:s26] =	ssyncadd.s32 $0xFFFFE000  }
0xa2: {  	_ =	swait.ge [sflag:s26], $0x2000  }
0xa3: {  	[sflag:s26] =	ssyncset.done $0x0  }
0xa4: {  	[sflag:s26] =	ssyncadd.s32 $0xFFFFE000  }
0xa5: {  	_ =	swait.ge [sflag:s28], $0x200  }
0xa6: {  	[sflag:s28] =	ssyncset.done $0x0  }
0xa7: {  	[sflag:s28] =	ssyncadd.s32 $0xFFFFFE00  }
0xa8: {  	_ =	swait.ge [sflag:s28], $0x200  }
0xa9: {  	[sflag:s28] =	ssyncset.done $0x0  }
0xaa: {  	[sflag:s28] =	ssyncadd.s32 $0xFFFFFE00  }
0xab: {  	[tilespmem:s18], [sflag:$0x1] =	stream.indirect.gather [hbm4b:s4+s17], $0x80, s15, s17, $0xb8;
	[tilespmem:$0x1C800] =	vst v63  }
0xac: {  	s10 =	rddreg [dreg:$0x9]  }
0xad: {  	[tilespmem:s20], [sflag:$0x1] =	stream.indirect.gather [hbm4b:s4+s17], $0x80, s10, s17, $0xb8;
	[tilespmem:$0x1C800] =	vst v63  }
0xae: {  	_ =	swait.ge [sflag:s29], $0x2000  }
0xaf: {  	[sflag:s29] =	ssyncset.done $0x0  }
0xb0: {  	[sflag:s29] =	ssyncadd.s32 $0xFFFFE000  }
0xb1: {  	_ =	swait.ge [sflag:s29], $0x2000  }
0xb2: {  	[sflag:s29] =	ssyncset.done $0x0  }
0xb3: {  	s9 =	rddreg [dreg:$0xa];
	[sflag:s29] =	ssyncadd.s32 $0xFFFFE000  }
0xb4: {  	[spmem:s1] =	stream.indirect.scatter.add.f32 [tilespmem:s22], [sflag:$0x4], $0x80, s9, s17, $0xb8;
	[tilespmem:$0x1C800] =	vst v63  }
0xb5: {  	s10 =	rddreg [dreg:$0xb]  }
0xb6: {  	[spmem:s1] =	stream.indirect.scatter.add.f32 [tilespmem:s24], [sflag:$0x4], $0x80, s10, s17, $0xb8;
	[tilespmem:$0x1C800] =	vst v63  }
0xb7: {  	_ =	swait.ge [sflag:s30], $0x2000  }
0xb8: {  	[sflag:s30] =	ssyncset.done $0x0  }
0xb9: {  	[sflag:s30] =	ssyncadd.s32 $0xFFFFE000  }
0xba: {  	_ =	swait.ge [sflag:s30], $0x2000  }
0xbb: {  	s12 =	smov.u32 s11;
	s9 =	rddreg [dreg:$0x6];
	[sflag:s30] =	ssyncset.done $0x0  }
0xbc: {  	s10 =	rddreg [dreg:$0x7];
	[sflag:s30] =	ssyncadd.s32 $0xFFFFE000;
	s9 =	sadd.s32 s12, s9  }
0xbd: {  	[tilespmem:s3], [sflag:$0x5] =	stream.linear.gather [hbm4b:s9+s3], $0x200, $0x38;
	[tilespmem:$0x1C800] =	vst v63  }
0xbe: {  	s10 =	sadd.s32 s12, s10  }
0xbf: {  	[tilespmem:s14], [sflag:$0x5] =	stream.linear.gather [hbm4b:s10+s3], $0x200, $0x38;
	[tilespmem:$0x1C800] =	vst v63  }
0xc0: {  	_ = 	snop  }
0xc1: {  	[tilespmem:s22], [sflag:$0x2] =	stream.indirect.gather [hbm4b:s4+s17], $0x80, s31, s17, $0xb8;
	[tilespmem:$0x1C800] =	vst v63  }
0xc2: {  	_ = 	snop  }
0xc3: {  	[tilespmem:s24], [sflag:$0x2] =	stream.indirect.gather [hbm4b:s4+s17], $0x80, s0, s17, $0xb8;
	[tilespmem:$0x1C800] =	vst v63  }
0xc4: {  	_ =	swait.ge [sflag:s25], $0x2000  }
0xc5: {  	[sflag:s25] =	ssyncset.done $0x0  }
0xc6: {  	[sflag:s25] =	ssyncadd.s32 $0xFFFFE000  }
0xc7: {  	_ =	swait.ge [sflag:s25], $0x2000  }
0xc8: {  	[sflag:s25] =	ssyncset.done $0x0  }
0xc9: {  	[sflag:s25] =	ssyncadd.s32 $0xFFFFE000  }
0xca: {  	[spmem:s1] =	stream.indirect.scatter.add.f32 [tilespmem:s18], [sflag:$0x3], $0x80, s16, s17, $0xb8;
	[tilespmem:$0x1C800] =	vst v63  }
0xcb: {  	_ = 	snop  }
0xcc: {  	[spmem:s1] =	stream.indirect.scatter.add.f32 [tilespmem:s20], [sflag:$0x3], $0x80, s2, s17, $0xb8;
	[tilespmem:$0x1C800] =	vst v63  }
0xcd: {  	_ =	swait.ge [sflag:s26], $0x2000  }
0xce: {  	[sflag:s26] =	ssyncset.done $0x0  }
0xcf: {  	[sflag:s26] =	ssyncadd.s32 $0xFFFFE000  }
0xd0: {  	_ =	swait.ge [sflag:s26], $0x2000  }
0xd1: {  	[sflag:s26] =	ssyncset.done $0x0  }
0xd2: {  	[sflag:s26] =	ssyncadd.s32 $0xFFFFE000  }
0xd3: {  	_ =	swait.ge [sflag:s5], $0x200  }
0xd4: {  	[sflag:s5] =	ssyncset.done $0x0  }
0xd5: {  	[sflag:s5] =	ssyncadd.s32 $0xFFFFFE00  }
0xd6: {  	_ =	swait.ge [sflag:s5], $0x200  }
0xd7: {  	[sflag:s5] =	ssyncset.done $0x0  }
0xd8: {  	[sflag:s5] =	ssyncadd.s32 $0xFFFFFE00  }
0xd9: {  	[tilespmem:s18], [sflag:$0x1] =	stream.indirect.gather [hbm4b:s4+s17], $0x80, s3, s17, $0xb8;
	[tilespmem:$0x1C800] =	vst v63  }
0xda: {  	_ = 	snop  }
0xdb: {  	[tilespmem:s20], [sflag:$0x1] =	stream.indirect.gather [hbm4b:s4+s17], $0x80, s19, s17, $0xb8;
	[tilespmem:$0x1C800] =	vst v63  }
0xdc: {  	_ =	swait.ge [sflag:s29], $0x2000  }
0xdd: {  	[sflag:s29] =	ssyncset.done $0x0  }
0xde: {  	[sflag:s29] =	ssyncadd.s32 $0xFFFFE000  }
0xdf: {  	_ =	swait.ge [sflag:s29], $0x2000  }
0xe0: {  	[sflag:s29] =	ssyncset.done $0x0  }
0xe1: {  	[sflag:s29] =	ssyncadd.s32 $0xFFFFE000  }
0xe2: {  	[spmem:s1] =	stream.indirect.scatter.add.f32 [tilespmem:s22], [sflag:$0x4], $0x80, s6, s17, $0xb8;
	[tilespmem:$0x1C800] =	vst v63  }
0xe3: {  	_ = 	snop  }
0xe4: {  	[spmem:s1] =	stream.indirect.scatter.add.f32 [tilespmem:s24], [sflag:$0x4], $0x80, s7, s17, $0xb8;
	[tilespmem:$0x1C800] =	vst v63  }
0xe5: {  	_ =	swait.ge [sflag:s30], $0x2000  }
0xe6: {  	[sflag:s30] =	ssyncset.done $0x0  }
0xe7: {  	[sflag:s30] =	ssyncadd.s32 $0xFFFFE000  }
0xe8: {  	_ =	swait.ge [sflag:s30], $0x2000  }
0xe9: {  	s9 =	rddreg [dreg:$0x4];
	[sflag:s30] =	ssyncset.done $0x0  }
0xea: {  	p0 =	sne.s32 s11, $0x980;
	[sflag:s30] =	ssyncadd.s32 $0xFFFFE000;
	s9 =	sadd.s32 s12, s9  }
0xeb: {  	[tilespmem:s15], [sflag:$0x6] =	stream.linear.gather [hbm4b:s9+s3], $0x200, $0x38;
	[tilespmem:$0x1C800] =	vst v63  }
.Ltmp0:
0xec: {  	s10 =	rddreg [dreg:$0x5];
	(pc) =	sbr.rel @p0 .LBB2_2-.Ltmp0, $4  }
0xed: {  	s12 =	sadd.s32 s12, s10  }
0xee: {  	[tilespmem:s16], [sflag:$0x6] =	stream.linear.gather [hbm4b:s12+s3], $0x200, $0x38;
	[tilespmem:$0x1C800] =	vst v63  }
0xef: {  	s11 =	sadd.s32 $0x80, s11  }
0xf0: {  	[tilespmem:s22], [sflag:$0x2] =	stream.indirect.gather [hbm4b:s4+s17], $0x80, s21, s17, $0xb8;
	[tilespmem:$0x1C800] =	vst v63  }
0xf1: {  	[tilespmem:s24], [sflag:$0x2] =	stream.indirect.gather [hbm4b:s4+s17], $0x80, s23, s17, $0xb8;
	[tilespmem:$0x1C800] =	vst v63  }
0xf2: {  	_ =	swait.ge [sflag:s25], $0x2000  }
0xf3: {  	[sflag:s25] =	ssyncset.done $0x0  }
0xf4: {  	[sflag:s25] =	ssyncadd.s32 $0xFFFFE000  }
0xf5: {  	_ =	swait.ge [sflag:s25], $0x2000  }
0xf6: {  	[sflag:s25] =	ssyncset.done $0x0  }
0xf7: {  	[sflag:s25] =	ssyncadd.s32 $0xFFFFE000  }
0xf8: {  	_ =	swait.ge [sflag:s29], $0x2000  }
0xf9: {  	[sflag:s29] =	ssyncset.done $0x0  }
0xfa: {  	[sflag:s29] =	ssyncadd.s32 $0xFFFFE000  }
0xfb: {  	_ =	swait.ge [sflag:s29], $0x2000  }
0xfc: {  	[sflag:s29] =	ssyncset.done $0x0  }
0xfd: {  	[sflag:s29] =	ssyncadd.s32 $0xFFFFE000  }
0xfe: {  	_ =	swait.ge [sflag:s28], $0x200  }
0xff: {  	[sflag:s28] =	ssyncset.done $0x0  }
0x100: {  	[sflag:s28] =	ssyncadd.s32 $0xFFFFFE00  }
0x101: {  	_ =	swait.ge [sflag:s28], $0x200  }
0x102: {  	[sflag:s28] =	ssyncset.done $0x0  }
0x103: {  	[sflag:s28] =	ssyncadd.s32 $0xFFFFFE00  }
0x104: {  	[bflag:$0x0] =	sbarrier.arrive $0xFFFF  }
0x105: {  	s9 =	rddreg [dreg:$0x12]  }
0x106: {  	s10 =	rddreg [dreg:$0x14]  }
0x107: {  	s11 =	rddreg [dreg:$0x15]  }
0x108: {  	[hbm:s9], [sflag:s10] =	dma.local [spmem:s11], $0x2800  }
0x109: {  	_ =	swait.ge [sflag:s13], $0x2800  }
0x10a: {  	s8 =	sadd.s32 $0x1, s8;
	s12 =	rddreg [dreg:$0x13]  }
0x10b: {  	p0 =	sne.s32 s8, s12  }
.Ltmp1:
0x10c: {  	_ = 	snop;
	(pc) =	sbr.rel @p0 .LBB2_1-.Ltmp1, $3  }
0x10d: {  	_ =	sdelay $0x1  }
0x10e: {  	[sflag:s13] =	ssyncset.done $0x0  }
0x10f: {  	[sflag:s13] =	ssyncadd.s32 $0xFFFFD800  }
0x110: {  	_ =	sfence.sel $0x180000  }
0x111: {  	[bflag:$0x0] =	sbarrier.arrive $0xFFFF  }
0x112: {  	_ =	strace $0x9000004A  }
0x113: {  	s0 =	stileid.u32;
	[bflag:$0x2] =	sbarrier.arrive $0xFFFF  }
0x114: {  	p0 =	sne.s32 s0, $0x0;
	s0 =	rddreg [dreg:$0x3]  }
0x115: {  	s0 =	sadd.s32 @!p0 $0x100000, s0  }
0x116: {  	[sflag:s0] =	ssyncadd.tile.s32 @!p0 $0x1;
	_ =	shalt  }
.Lfunc_end2:
_tile_overlayer_lowered:
.L_overlay_start_2:
0x117: {  	(tag) =	ssettag $0x2  }
0x118: {  	s0 =	rddreg [dreg:$0x0];
	s2 =	stileid.u32  }
0x119: {  	s1 =	rddreg [dreg:$0x1];
	p0 =	sne.s32 s2, $0x0  }
0x11a: {  	s3 =	rddreg [dreg:$0x2];
	[bflag:$0x3] =	sbarrier.arrive $0xFFFF;
	s2 =	simm.s32 @!p0 $0x1C07  }
0x11b: {  	[timem:s3], [sflag:s2] =	dma.local @!p0 [hbm:s0], s1  }
0x11c: {  	s0 =	simm.s32 @!p0 $0x7  }
0x11d: {  	_ =	swait.ge @!p0 [sflag:s0], s1  }
0x11e: {  	s1 =	ssub.s32 @!p0 $0x0, s1;
	[sflag:s0] =	ssyncset.done @!p0 $0x0  }
0x11f: {  	[sflag:s0] =	ssyncadd.s32 @!p0 s1  }
0x120: {  	[bflag:$0x3] =	sbarrier.arrive $0xFFFF  }
0x121: {  	_ =	shalt  }

// kernel: kernel.14.cloned.1.call-start
scs
__scs_entry_jumppad:
0x0: {  	(pc) =	sbr.rel $0x88, $3  }
0x1: {  	(tag) =	ssettag $0x0;
	lr =	simm.s32 $0x1  }
0x2: {  	[smem:$0x3F9B] =	sst lr;
	_ =	strace $0xD0000000  }
0x3: {  	_ = 	snop  }
0x4: {  	_ = 	snop  }
0x5: {  	_ = 	snop  }
0x6: {  	_ = 	snop  }
0x7: {  	_ = 	snop  }
__scs_overlays_trampoline_lowered:
0x8: {  	[smem:$0x3FAA] =	sst s0  }
0x9: {  	[smem:$0x3FAB] =	sst s1  }
0xa: {  	[smem:$0x3FAC] =	sst s2  }
0xb: {  	[smem:$0x3FAD] =	sst s3  }
0xc: {  	[smem:$0x3FAE] =	sst s4  }
0xd: {  	[smem:$0x3FAF] =	sst s5  }
0xe: {  	[smem:$0x3FB0] =	sst s6  }
0xf: {  	[smem:$0x3FB1] =	sst s7  }
0x10: {  	[smem:$0x3FB2] =	sst s8  }
0x11: {  	[smem:$0x3FB3] =	sst s9;
	s0 =	simm.s32 @!p0 $0x0  }
0x12: {  	s1 =	sld [smem:$0x3F99];
	s0 =	simm.s32 @p0 $0x1  }
0x13: {  	[smem:$0x3FB4] =	sst s0;
	s0 =	simm.s32 @!p1 $0x0  }
0x14: {  	s2 =	sld [smem:$0x3F98];
	s0 =	simm.s32 @p1 $0x1  }
0x15: {  	[smem:$0x3FB5] =	sst s0;
	s0 =	simm.s32 @!p2 $0x0  }
0x16: {  	s3 =	sld [smem:$0x3FDB];
	s0 =	simm.s32 @p2 $0x1  }
0x17: {  	s4 =	simm.s32 $0x1BF5;
	[smem:$0x3FB7] =	sst s0  }
0x18: {  	s0 =	sld [smem:$0x3F9A];
	_ =	swait.ge [sflag:s4], $0x0  }
0x19: {  	s7 =	sld [smem:$0x3F9B]  }
0x1a: {  	s8 =	sadd.s32 $0xFFFFE003, lr  }
0x1b: {  	s9 =	sadd.s32 $0xFFFFFEF7, lr;
	s5 =	simm.s32 $0xFFFFFFFF;
	p2 =	slt.u32 s8, $0xFFFFF086  }
0x1c: {  	p1 =	slt.u32 s9, $0xF7A;
	s5 =	simm.s32 @!p2 $0x0  }
0x1d: {  	s5 =	simm.s32 @p1 $0x1;
	p0 =	seq.s32 s7, s2  }
0x1e: {  	s7 =	smul.u32 @!p0 $0xF7A, s2;
	p2 =	seq.s32 @!p0 s5, $0x0  }
0x1f: {  	s9 =	smul.u32 $0xF7A, s1;
	s8 =	simm.s32 @!p0 $0x1BF5;
	p2 =	por !p2, p0  }
0x20: {  	[sflag:s8] =	ssyncset.s32 @!p0 $0xFFFFF086;
	s6 =	sadd.s32 @!p0 s3, s7;
	s7 =	simm.s32 @!p0 $0x108  }
0x21: {  	s3 =	sadd.s32 s3, s9;
	s6 =	sadd.s32 @!p0 $0x88, s6;
	s7 =	simm.s32 @p2 $0x1082  }
0x22: {  	[simem:s7], [sflag:s8] =	dma.local @!p0 [hbm:s6], $0xF7A  }
0x23: {  	s9 =	sor.u32 $0xD0000000, s2;
	s6 =	simm.s32 $0x108;
	_ =	swait.ge @!p0 [sflag:s8], $0x0  }
0x24: {  	s3 =	sadd.s32 $0x88, s3;
	s6 =	simm.s32 @!p1 $0x1082;
	[sflag:s4] =	ssyncset.s32 $0xFFFFF086  }
0x25: {  	[simem:s6], [sflag:s4] =	dma.local [hbm:s3], $0xF7A  }
0x26: {  	[smem:$0x3F9B] =	sst s1;
	(tag) =	ssettag s2;
	_ =	strace s9  }
0x27: {  	s1 =	sld [smem:$0x3FAB]  }
0x28: {  	s2 =	sld [smem:$0x3FAC]  }
0x29: {  	s4 =	sld [smem:$0x3FAE]  }
0x2a: {  	p0 =	seq.s32 s5, $0x0;
	s5 =	sld [smem:$0x3FAF]  }
0x2b: {  	s6 =	sld [smem:$0x3FB0]  }
0x2c: {  	s7 =	sld [smem:$0x3FB1]  }
0x2d: {  	s3 =	simm.s32 $0x108;
	s8 =	sld [smem:$0x3FB2]  }
0x2e: {  	s3 =	simm.s32 @!p0 $0x1082;
	s9 =	sld [smem:$0x3FB3]  }
0x2f: {  	lr =	sadd.s32 s0, s3;
	s0 =	sld [smem:$0x3FAA]  }
0x30: {  	s3 =	sld [smem:$0x3FAD]  }
0x31: {  	[smem:$0x3FB6] =	sst s10  }
0x32: {  	s10 =	sld [smem:$0x3FB4];
	_ =	sdelay $0x3  }
0x33: {  	p0 =	seq.s32 s10, $0x1;
	s10 =	sld [smem:$0x3FB6];
	_ =	sdelay $0x3  }
0x34: {  	[smem:$0x3FB6] =	sst s10  }
0x35: {  	s10 =	sld [smem:$0x3FB5];
	_ =	sdelay $0x3  }
0x36: {  	p1 =	seq.s32 s10, $0x1;
	s10 =	sld [smem:$0x3FB6];
	_ =	sdelay $0x3  }
0x37: {  	[smem:$0x3FB6] =	sst s10  }
0x38: {  	s10 =	sld [smem:$0x3FB7]  }
0x39: {  	_ = 	snop;
	(pc) =	sbr.ind lr, $3  }
0x3a: {  	_ = 	snop  }
0x3b: {  	_ = 	snop  }
0x3c: {  	p2 =	seq.s32 s10, $0x1;
	s10 =	sld [smem:$0x3FB6]  }
0x3d: {  	_ =	shalt  }
0x3e: {  	_ =	shalt  }
0x3f: {  	_ =	shalt  }
0x40: {  	_ =	shalt  }
0x41: {  	_ =	shalt  }
0x42: {  	_ =	shalt  }
0x43: {  	_ =	shalt  }
0x44: {  	_ =	shalt  }
0x45: {  	_ =	shalt  }
0x46: {  	_ =	shalt  }
0x47: {  	_ =	shalt  }
0x48: {  	_ =	shalt  }
0x49: {  	_ =	shalt  }
0x4a: {  	_ =	shalt  }
0x4b: {  	_ =	shalt  }
0x4c: {  	_ =	shalt  }
0x4d: {  	_ =	shalt  }
0x4e: {  	_ =	shalt  }
0x4f: {  	_ =	shalt  }
0x50: {  	_ =	shalt  }
0x51: {  	_ =	shalt  }
0x52: {  	_ =	shalt  }
0x53: {  	_ =	shalt  }
0x54: {  	_ =	shalt  }
0x55: {  	_ =	shalt  }
0x56: {  	_ =	shalt  }
0x57: {  	_ =	shalt  }
0x58: {  	_ =	shalt  }
0x59: {  	_ =	shalt  }
0x5a: {  	_ =	shalt  }
0x5b: {  	_ =	shalt  }
0x5c: {  	_ =	shalt  }
0x5d: {  	_ =	shalt  }
0x5e: {  	_ =	shalt  }
0x5f: {  	_ =	shalt  }
0x60: {  	_ =	shalt  }
0x61: {  	_ =	shalt  }
0x62: {  	_ =	shalt  }
0x63: {  	_ =	shalt  }
0x64: {  	_ =	shalt  }
0x65: {  	_ =	shalt  }
0x66: {  	_ =	shalt  }
0x67: {  	_ =	shalt  }
0x68: {  	_ =	shalt  }
0x69: {  	_ =	shalt  }
0x6a: {  	_ =	shalt  }
0x6b: {  	_ =	shalt  }
0x6c: {  	_ =	shalt  }
0x6d: {  	_ =	shalt  }
0x6e: {  	_ =	shalt  }
0x6f: {  	_ =	shalt  }
0x70: {  	_ =	shalt  }
0x71: {  	_ =	shalt  }
0x72: {  	_ =	shalt  }
0x73: {  	_ =	shalt  }
0x74: {  	_ =	shalt  }
0x75: {  	_ =	shalt  }
0x76: {  	_ =	shalt  }
0x77: {  	_ =	shalt  }
0x78: {  	_ =	shalt  }
0x79: {  	_ =	shalt  }
0x7a: {  	_ =	shalt  }
0x7b: {  	_ =	shalt  }
0x7c: {  	_ =	shalt  }
0x7d: {  	_ =	shalt  }
0x7e: {  	_ =	shalt  }
0x7f: {  	_ =	shalt  }
0x80: {  	_ =	shalt  }
0x81: {  	_ =	shalt  }
0x82: {  	_ =	shalt  }
0x83: {  	_ =	shalt  }
0x84: {  	_ =	shalt  }
0x85: {  	_ =	shalt  }
0x86: {  	_ =	shalt  }
0x87: {  	_ =	shalt  }
.Lfunc_end0:
.L_simem_size_0:
called_computation.2_lowered:
.L_overlay_start_0:
0x88: {  	s2 =	sld [smem:$0x3FD9]  }
0x89: {  	s3 =	sld [smem:$0x3FFE];
	_ =	sdelay $0x1  }
0x8a: {  	s1 =	srdreg.scid  }
0x8b: {  	s0 =	sand.u32 $0x1, s1  }
0x8c: {  	s17 =	sshll.u32 s0, $0xA;
	s2 =	sadd.s32 s3, s2  }
0x8d: {  	s2 =	sadd.s32 s2, s17  }
0x8e: {  	[smem:$0x3FC2] =	sst s2  }
0x8f: {  	_ = 	snop  }
0x90: {  	s2 =	sld [smem:$0x3FD0];
	(tm) =	ssettm $0x1  }
0x91: {  	s18 =	sld [smem:$0x3FFB];
	_ =	sdelay $0x3  }
0x92: {  	_ =	strace s18  }
0x93: {  	s3 =	sld [smem:$0x3FFC];
	_ =	sdelay $0x3  }
0x94: {  	_ =	strace s3  }
0x95: {  	s3 =	sld [smem:$0x3FFD];
	_ =	sdelay $0x3  }
0x96: {  	_ =	strace s3  }
0x97: {  	_ =	strace $0x8FFFFFFF  }
0x98: {  	s19 =	sld [smem:$0x3FDB];
	_ =	sdelay $0x1  }
0x99: {  	s4 =	simm.s32 $_scs_section_size  }
0x9a: {  	s5 =	simm.s32 $_size__tile_overlayer_lowered;
	s6 =	simm.s32 $_tile_overlayer_lowered  }
0x9b: {  	s22 =	simm.s32 $0x1BFF;
	s21 =	sshll.u32 s6, $0x1;
	s3 =	sadd.s32 s4, s19  }
0x9c: {  	s7 =	simm.s32 $0x0;
	s20 =	sshll.u32 s5, $0x1;
	s5 =	sadd.s32 s21, s3  }
0x9d: {  	[timem:s7], [sflag:s22] =	dma.local [hbm:s5], s20  }
0x9e: {  	_ =	swait.ge [sflag:s22], s20  }
0x9f: {  	s4 =	ssub.s32 $0x0, s20;
	[sflag:s22] =	ssyncset.done $0x0  }
0xa0: {  	[sflag:s22] =	ssyncadd.s32 s4;
	_ =	sdelay $0x1  }
0xa1: {  	s23 =	simm.s32 $0x1B8B  }
0xa2: {  	_ =	swait.ge [sflag:s23], $0x1  }
0xa3: {  	[sflag:s23] =	ssyncset.done $0x0  }
0xa4: {  	s25 =	simm.s32 $0x1B8E;
	s24 =	sld [smem:$0x3FFE];
	[sflag:s23] =	ssyncadd.s32 $0xFFFFFFFF  }
0xa5: {  	s26 =	simm.s32 $execute0_lowered;
	[smem:$0x3FD2] =	sst s25  }
0xa6: {  	s5 =	sshll.u32 s26, $0x1;
	_ =	strace $0x8000004C;
	[dreg:$0x1] =	wrdreg $0xFFFFFFFF  }
0xa7: {  	s28 =	simm.s32 $_size_execute0_lowered;
	s3 =	sadd.s32 s3, s5;
	[dreg:$0x0] =	wrdreg $0x0  }
0xa8: {  	s5 =	sshll.u32 s28, $0x1;
	[dreg:$0x2] =	wrdreg s3  }
0xa9: {  	[dreg:$0x3] =	wrdreg s5  }
0xaa: {  	[dreg:$0x4] =	wrdreg $0xC0  }
0xab: {  	_ =	task [dreg:s7], $0x5FFFF  }
0xac: {  	[dreg:$0x1] =	wrdreg $0xFFFFFFFF  }
0xad: {  	[dreg:$0x0] =	wrdreg $0x60  }
0xae: {  	[dreg:$0x2] =	wrdreg s24  }
0xaf: {  	[dreg:$0x3] =	wrdreg s2  }
0xb0: {  	[dreg:$0x4] =	wrdreg $0x88000  }
0xb1: {  	[dreg:$0x5] =	wrdreg $0x9  }
0xb2: {  	_ =	task.clear_ibuf [dreg:s7], $0x6FFFF;
	_ =	strace $0x9000004C  }
0xb3: {  	s29 =	simm.s32 $0x9;
	_ =	strace $0x8000004E  }
0xb4: {  	_ =	swait.ge [sflag:s29], $0x1  }
0xb5: {  	[sflag:s29] =	ssyncadd.s32 $0xFFFFFFFF  }
0xb6: {  	_ =	strace $0x9000004E  }
0xb7: {  	_ =	sfence  }
0xb8: {  	s30 =	sld [smem:$0x0];
	_ =	sdelay $0x2  }
0xb9: {  	s31 =	sshll.u32 s1, $0xD;
	s1 =	sshrl.u32 s1, $0x2  }
0xba: {  	s3 =	sand.u32 $0x4000, s31;
	s1 =	sadd.s32 s1, s30  }
0xbb: {  	s0 =	sor.u32 s3, s0;
	s1 =	sshll.u32 s1, $0x11  }
0xbc: {  	s0 =	sor.u32 s1, s0  }
0xbd: {  	s0 =	sadd.s32 $0x8F2B, s0  }
0xbe: {  	[sflag:s0] =	ssyncadd.remote.s32 $0x1  }
0xbf: {  	_ =	sfence.sel $0xFFFF  }
0xc0: {  	[dreg:$0x0] =	wrdreg $0xFFFFFFFF;
	(pc) =	sbr.abs _section_cstart, $3  }
0xc1: {  	[dreg:$0x1] =	wrdreg $0xFFFFFFFF  }
0xc2: {  	_ =	task.clear_ibuf [dreg:s7], $0x2FFFF;
	_ =	strace $0x9FFFFFFF  }
0xc3: {  	(tm) =	ssettm $0x7FFFFFFF  }
tec
execute0_lowered:
.L_overlay_start_1:
0x0: {  	(tag) =	ssettag $0x1  }
0x1: {  	s0 =	rddreg [dreg:$0x0]  }
0x2: {  	s2 =	rddreg [dreg:$0x1]  }
0x3: {  	s1 =	rddreg [dreg:$0x2]  }
0x4: {  	s3 =	simm.s32 $0x0;
	s4 =	srdreg.scid;
	s12 =	stileid.u32  }
0x5: {  	s23 =	simm.s32 $0x280;
	s24 =	simm.s32 $0x480;
	s28 =	simm.s32 $0x6  }
0x6: {  	s29 =	simm.s32 $0x2;
	s30 =	simm.s32 $0x4;
	s31 =	simm.s32 $0x500  }
0x7: {  	[smem:$0x7FF] =	sst s3;
	s5 =	sand.u32 $0x1, s4;
	s7 =	smul.u32 $0x14000, s12  }
0x8: {  	s9 =	sadd.s32 $0x16200, s0;
	s11 =	smul.u32 $0xA0, s12;
	s13 =	sadd.s32 $0x2200, s0  }
0x9: {  	s14 =	smul.u32 $0x50000, s12;
	_ =	strace $0x8000004D;
	[dreg:$0xc] =	wrdreg s13  }
0xa: {  	s6 =	smul.u32 $0x140000, s5;
	s4 =	sshll.u32 s5, $0x4;
	[dreg:$0x8] =	wrdreg s23  }
0xb: {  	s25 =	ssub.s32 $0x2, s5;
	s5 =	smul.u32 $0xA00, s5;
	[dreg:$0x9] =	wrdreg s24  }
0xc: {  	s23 =	simm.s32 $0x180;
	s24 =	simm.s32 $0x6800;
	s8 =	sor.u32 s12, s4  }
0xd: {  	s4 =	sadd.s32 $0x2A400, s0;
	s10 =	sshrl.u32 s25, $0x1;
	s8 =	smul.u32 $0xA00, s8  }
0xe: {  	s6 =	sadd.s32 s7, s6;
	s26 =	ssub.s32 s25, s10;
	s5 =	sadd.s32 s11, s5  }
0xf: {  	s7 =	sshrl.u32 s14, $0x2;
	s14 =	simm.s32 $0x200;
	s25 =	simm.s32 $0x300  }
0x10: {  	s6 =	sshrl.u32 s6, $0x3;
	s5 =	sshll.u32 s5, $0x4;
	s7 =	sadd.s32 s7, s1  }
0x11: {  	s21 =	smax.u32 s26, $0x1;
	[dreg:$0xa] =	wrdreg s25;
	s26 =	simm.s32 $0x380  }
0x12: {  	s25 =	simm.s32 $0x1;
	s0 =	sadd.s32 s6, s0;
	[dreg:$0x11] =	wrdreg s7  }
0x13: {  	s13 =	sadd.s32 s2, s8;
	s15 =	sadd.s32 s9, s8;
	[dreg:$0x13] =	wrdreg s21  }
0x14: {  	s8 =	sor.u32 $0x40, s8;
	s17 =	sor.u32 $0xC0, s5;
	[dreg:$0xb] =	wrdreg s26  }
0x15: {  	s5 =	sor.u32 $0x80, s5;
	s21 =	simm.s32 $0x100;
	[dreg:$0xd] =	wrdreg s13  }
0x16: {  	s26 =	simm.s32 $0x3;
	[dreg:$0xe] =	wrdreg s15;
	s16 =	sadd.s32 s2, s8  }
0x17: {  	s6 =	simm.s32 $0x700;
	s8 =	sadd.s32 s9, s8;
	[dreg:$0xf] =	wrdreg s16  }
0x18: {  	s7 =	simm.s32 $0x780;
	s18 =	sadd.s32 s17, s2;
	[dreg:$0x10] =	wrdreg s8  }
0x19: {  	s19 =	sadd.s32 s17, s9;
	s0 =	sadd.s32 $0x52400, s0;
	[dreg:$0x4] =	wrdreg s18  }
0x1a: {  	s20 =	sadd.s32 s5, s2;
	s22 =	sadd.s32 s5, s9;
	[dreg:$0x12] =	wrdreg s0  }
0x1b: {  	s13 =	simm.s32 $0x7;
	s15 =	simm.s32 $0x400;
	[dreg:$0x5] =	wrdreg s19  }
0x1c: {  	s17 =	simm.s32 $0x40;
	s2 =	simm.s32 $0x680;
	[dreg:$0x6] =	wrdreg s20  }
0x1d: {  	s5 =	simm.s32 $0x5;
	[dreg:$0x7] =	wrdreg s22;
	s16 =	simm.s32 $0x600  }
0x1e: {  	s18 =	simm.s32 $0x800;
	s19 =	simm.s32 $0x80;
	s20 =	simm.s32 $0x2800  }
0x1f: {  	s22 =	simm.s32 $0x4800;
	s0 =	simm.s32 $0x580;
	s8 =	simm.s32 $0x0  }
.LBB2_1:
0x20: {  	s9 =	rddreg [dreg:$0xd]  }
0x21: {  	[tilespmem:s3], [sflag:$0x7] =	stream.linear.gather [hbm4b:s9+s3], $0x200, $0x38;
	[tilespmem:$0x1C800] =	vst v63  }
0x22: {  	_ =	swait.ge [sflag:s13], $0x200  }
0x23: {  	[sflag:s13] =	ssyncset.done $0x0  }
0x24: {  	s10 =	rddreg [dreg:$0xe];
	[sflag:s13] =	ssyncadd.s32 $0xFFFFFE00  }
0x25: {  	[tilespmem:s14], [sflag:$0x7] =	stream.linear.gather [hbm4b:s10+s3], $0x200, $0x38;
	[tilespmem:$0x1C800] =	vst v63  }
0x26: {  	s10 =	stileid.u32;
	_ =	swait.ge [sflag:s13], $0x200  }
0x27: {  	s9 =	sshll.u32 s10, $0x6;
	s11 =	rddreg [dreg:$0xf]  }
0x28: {  	[sflag:s13] =	ssyncset.done $0x0;
	s12 =	rddreg [dreg:$0x10];
	s10 =	sor.u32 $0x1C07, s9  }
0x29: {  	[sflag:s13] =	ssyncadd.s32 $0xFFFFFE00;
	[dreg:$0x14] =	wrdreg s10  }
0x2a: {  	[tilespmem:s15], [sflag:$0x6] =	stream.linear.gather [hbm4b:s11+s3], $0x200, $0x38;
	[tilespmem:$0x1C800] =	vst v63  }
0x2b: {  	s11 =	rddreg [dreg:$0x11]  }
0x2c: {  	[tilespmem:s16], [sflag:$0x6] =	stream.linear.gather [hbm4b:s12+s3], $0x200, $0x38;
	[tilespmem:$0x1C800] =	vst v63  }
0x2d: {  	s11 =	sshrl.u32 s11, $0x3;
	s12 =	rddreg [dreg:$0xc]  }
0x2e: {  	[dreg:$0x15] =	wrdreg s11  }
0x2f: {  	[spmem:s11], [sflag:s10] =	dma.local [hbm:s12], $0x2800  }
0x30: {  	_ =	swait.ge [sflag:s13], $0x2800  }
0x31: {  	[sflag:s13] =	ssyncset.done $0x0  }
0x32: {  	[sflag:s13] =	ssyncadd.s32 $0xFFFFD800  }
0x33: {  	[bflag:$0x0] =	sbarrier.arrive $0xFFFF  }
0x34: {  	[tilespmem:s18], [sflag:$0x1] =	stream.indirect.gather [hbm4b:s4+s17], $0x80, s3, s17, $0xb8;
	[tilespmem:$0x1C800] =	vst v63  }
0x35: {  	_ = 	snop  }
0x36: {  	[tilespmem:s20], [sflag:$0x1] =	stream.indirect.gather [hbm4b:s4+s17], $0x80, s19, s17, $0xb8;
	[tilespmem:$0x1C800] =	vst v63  }
0x37: {  	_ = 	snop  }
0x38: {  	[tilespmem:s22], [sflag:$0x2] =	stream.indirect.gather [hbm4b:s4+s17], $0x80, s21, s17, $0xb8;
	[tilespmem:$0x1C800] =	vst v63  }
0x39: {  	_ = 	snop  }
0x3a: {  	[tilespmem:s24], [sflag:$0x2] =	stream.indirect.gather [hbm4b:s4+s17], $0x80, s23, s17, $0xb8;
	[tilespmem:$0x1C800] =	vst v63  }
0x3b: {  	_ =	swait.ge [sflag:s25], $0x2000  }
0x3c: {  	[sflag:s25] =	ssyncset.done $0x0  }
0x3d: {  	[sflag:s25] =	ssyncadd.s32 $0xFFFFE000  }
0x3e: {  	_ =	swait.ge [sflag:s25], $0x2000  }
0x3f: {  	[sflag:s25] =	ssyncset.done $0x0  }
0x40: {  	[sflag:s25] =	ssyncadd.s32 $0xFFFFE000  }
0x41: {  	[spmem:s1] =	stream.indirect.scatter.add.f32 [tilespmem:s18], [sflag:$0x3], $0x80, s14, s17, $0xb8;
	[tilespmem:$0x1C800] =	vst v63  }
0x42: {  	s12 =	rddreg [dreg:$0x8]  }
0x43: {  	[spmem:s1] =	stream.indirect.scatter.add.f32 [tilespmem:s20], [sflag:$0x3], $0x80, s12, s17, $0xb8;
	[tilespmem:$0x1C800] =	vst v63  }
0x44: {  	_ =	swait.ge [sflag:s26], $0x2000  }
0x45: {  	[sflag:s26] =	ssyncset.done $0x0  }
0x46: {  	[sflag:s26] =	ssyncadd.s32 $0xFFFFE000  }
0x47: {  	_ =	swait.ge [sflag:s26], $0x2000  }
0x48: {  	[sflag:s26] =	ssyncset.done $0x0  }
0x49: {  	[sflag:s26] =	ssyncadd.s32 $0xFFFFE000  }
0x4a: {  	_ =	swait.ge [sflag:s28], $0x200  }
0x4b: {  	[sflag:s28] =	ssyncset.done $0x0  }
0x4c: {  	[sflag:s28] =	ssyncadd.s32 $0xFFFFFE00  }
0x4d: {  	_ =	swait.ge [sflag:s28], $0x200  }
0x4e: {  	[sflag:s28] =	ssyncset.done $0x0  }
0x4f: {  	[sflag:s28] =	ssyncadd.s32 $0xFFFFFE00  }
0x50: {  	[tilespmem:s18], [sflag:$0x1] =	stream.indirect.gather [hbm4b:s4+s17], $0x80, s15, s17, $0xb8;
	[tilespmem:$0x1C800] =	vst v63  }
0x51: {  	s9 =	rddreg [dreg:$0x9]  }
0x52: {  	[tilespmem:s20], [sflag:$0x1] =	stream.indirect.gather [hbm4b:s4+s17], $0x80, s9, s17, $0xb8;
	[tilespmem:$0x1C800] =	vst v63  }
0x53: {  	_ =	swait.ge [sflag:s29], $0x2000  }
0x54: {  	[sflag:s29] =	ssyncset.done $0x0  }
0x55: {  	[sflag:s29] =	ssyncadd.s32 $0xFFFFE000  }
0x56: {  	_ =	swait.ge [sflag:s29], $0x2000  }
0x57: {  	[sflag:s29] =	ssyncset.done $0x0  }
0x58: {  	s10 =	rddreg [dreg:$0xa];
	[sflag:s29] =	ssyncadd.s32 $0xFFFFE000  }
0x59: {  	[spmem:s1] =	stream.indirect.scatter.add.f32 [tilespmem:s22], [sflag:$0x4], $0x80, s10, s17, $0xb8;
	[tilespmem:$0x1C800] =	vst v63  }
0x5a: {  	s12 =	rddreg [dreg:$0xb]  }
0x5b: {  	[spmem:s1] =	stream.indirect.scatter.add.f32 [tilespmem:s24], [sflag:$0x4], $0x80, s12, s17, $0xb8;
	[tilespmem:$0x1C800] =	vst v63  }
0x5c: {  	_ =	swait.ge [sflag:s30], $0x2000  }
0x5d: {  	[sflag:s30] =	ssyncset.done $0x0  }
0x5e: {  	[sflag:s30] =	ssyncadd.s32 $0xFFFFE000  }
0x5f: {  	_ =	swait.ge [sflag:s30], $0x2000  }
0x60: {  	s9 =	rddreg [dreg:$0x6];
	[sflag:s30] =	ssyncset.done $0x0  }
0x61: {  	s10 =	rddreg [dreg:$0x7];
	[sflag:s30] =	ssyncadd.s32 $0xFFFFE000;
	s11 =	sadd.s32 $0x0, s9  }
0x62: {  	[tilespmem:s3], [sflag:$0x5] =	stream.linear.gather [hbm4b:s11+s3], $0x200, $0x38;
	[tilespmem:$0x1C800] =	vst v63  }
0x63: {  	s12 =	sadd.s32 $0x0, s10  }
0x64: {  	[tilespmem:s14], [sflag:$0x5] =	stream.linear.gather [hbm4b:s12+s3], $0x200, $0x38;
	[tilespmem:$0x1C800] =	vst v63  }
0x65: {  	_ = 	snop  }
0x66: {  	[tilespmem:s22], [sflag:$0x2] =	stream.indirect.gather [hbm4b:s4+s17], $0x80, s31, s17, $0xb8;
	[tilespmem:$0x1C800] =	vst v63  }
0x67: {  	_ = 	snop  }
0x68: {  	[tilespmem:s24], [sflag:$0x2] =	stream.indirect.gather [hbm4b:s4+s17], $0x80, s0, s17, $0xb8;
	[tilespmem:$0x1C800] =	vst v63  }
0x69: {  	_ =	swait.ge [sflag:s25], $0x2000  }
0x6a: {  	[sflag:s25] =	ssyncset.done $0x0  }
0x6b: {  	[sflag:s25] =	ssyncadd.s32 $0xFFFFE000  }
0x6c: {  	_ =	swait.ge [sflag:s25], $0x2000  }
0x6d: {  	[sflag:s25] =	ssyncset.done $0x0  }
0x6e: {  	[sflag:s25] =	ssyncadd.s32 $0xFFFFE000  }
0x6f: {  	[spmem:s1] =	stream.indirect.scatter.add.f32 [tilespmem:s18], [sflag:$0x3], $0x80, s16, s17, $0xb8;
	[tilespmem:$0x1C800] =	vst v63  }
0x70: {  	_ = 	snop  }
0x71: {  	[spmem:s1] =	stream.indirect.scatter.add.f32 [tilespmem:s20], [sflag:$0x3], $0x80, s2, s17, $0xb8;
	[tilespmem:$0x1C800] =	vst v63  }
0x72: {  	_ =	swait.ge [sflag:s26], $0x2000  }
0x73: {  	[sflag:s26] =	ssyncset.done $0x0  }
0x74: {  	[sflag:s26] =	ssyncadd.s32 $0xFFFFE000  }
0x75: {  	_ =	swait.ge [sflag:s26], $0x2000  }
0x76: {  	[sflag:s26] =	ssyncset.done $0x0  }
0x77: {  	[sflag:s26] =	ssyncadd.s32 $0xFFFFE000  }
0x78: {  	_ =	swait.ge [sflag:s5], $0x200  }
0x79: {  	[sflag:s5] =	ssyncset.done $0x0  }
0x7a: {  	[sflag:s5] =	ssyncadd.s32 $0xFFFFFE00  }
0x7b: {  	_ =	swait.ge [sflag:s5], $0x200  }
0x7c: {  	[sflag:s5] =	ssyncset.done $0x0  }
0x7d: {  	[sflag:s5] =	ssyncadd.s32 $0xFFFFFE00  }
0x7e: {  	[tilespmem:s18], [sflag:$0x1] =	stream.indirect.gather [hbm4b:s4+s17], $0x80, s3, s17, $0xb8;
	[tilespmem:$0x1C800] =	vst v63  }
0x7f: {  	_ = 	snop  }
0x80: {  	[tilespmem:s20], [sflag:$0x1] =	stream.indirect.gather [hbm4b:s4+s17], $0x80, s19, s17, $0xb8;
	[tilespmem:$0x1C800] =	vst v63  }
0x81: {  	_ =	swait.ge [sflag:s29], $0x2000  }
0x82: {  	[sflag:s29] =	ssyncset.done $0x0  }
0x83: {  	[sflag:s29] =	ssyncadd.s32 $0xFFFFE000  }
0x84: {  	_ =	swait.ge [sflag:s29], $0x2000  }
0x85: {  	[sflag:s29] =	ssyncset.done $0x0  }
0x86: {  	[sflag:s29] =	ssyncadd.s32 $0xFFFFE000  }
0x87: {  	[spmem:s1] =	stream.indirect.scatter.add.f32 [tilespmem:s22], [sflag:$0x4], $0x80, s6, s17, $0xb8;
	[tilespmem:$0x1C800] =	vst v63  }
0x88: {  	_ = 	snop  }
0x89: {  	[spmem:s1] =	stream.indirect.scatter.add.f32 [tilespmem:s24], [sflag:$0x4], $0x80, s7, s17, $0xb8;
	[tilespmem:$0x1C800] =	vst v63  }
0x8a: {  	_ =	swait.ge [sflag:s30], $0x2000  }
0x8b: {  	[sflag:s30] =	ssyncset.done $0x0  }
0x8c: {  	[sflag:s30] =	ssyncadd.s32 $0xFFFFE000  }
0x8d: {  	_ =	swait.ge [sflag:s30], $0x2000  }
0x8e: {  	s9 =	rddreg [dreg:$0x4];
	[sflag:s30] =	ssyncset.done $0x0  }
0x8f: {  	s10 =	rddreg [dreg:$0x5];
	[sflag:s30] =	ssyncadd.s32 $0xFFFFE000;
	s11 =	sadd.s32 $0x0, s9  }
0x90: {  	[tilespmem:s15], [sflag:$0x6] =	stream.linear.gather [hbm4b:s11+s3], $0x200, $0x38;
	[tilespmem:$0x1C800] =	vst v63  }
0x91: {  	s12 =	sadd.s32 $0x0, s10  }
0x92: {  	[tilespmem:s16], [sflag:$0x6] =	stream.linear.gather [hbm4b:s12+s3], $0x200, $0x38;
	[tilespmem:$0x1C800] =	vst v63  }
0x93: {  	s11 =	simm.s32 $0x80  }
0x94: {  	[tilespmem:s22], [sflag:$0x2] =	stream.indirect.gather [hbm4b:s4+s17], $0x80, s21, s17, $0xb8;
	[tilespmem:$0x1C800] =	vst v63  }
.LBB2_2:
0x95: {  	[tilespmem:s24], [sflag:$0x2] =	stream.indirect.gather [hbm4b:s4+s17], $0x80, s23, s17, $0xb8;
	[tilespmem:$0x1C800] =	vst v63  }
0x96: {  	_ =	swait.ge [sflag:s25], $0x2000  }
0x97: {  	[sflag:s25] =	ssyncset.done $0x0  }
0x98: {  	[sflag:s25] =	ssyncadd.s32 $0xFFFFE000  }
0x99: {  	_ =	swait.ge [sflag:s25], $0x2000  }
0x9a: {  	[sflag:s25] =	ssyncset.done $0x0  }
0x9b: {  	[sflag:s25] =	ssyncadd.s32 $0xFFFFE000  }
0x9c: {  	[spmem:s1] =	stream.indirect.scatter.add.f32 [tilespmem:s18], [sflag:$0x3], $0x80, s14, s17, $0xb8;
	[tilespmem:$0x1C800] =	vst v63  }
0x9d: {  	s9 =	rddreg [dreg:$0x8]  }
0x9e: {  	[spmem:s1] =	stream.indirect.scatter.add.f32 [tilespmem:s20], [sflag:$0x3], $0x80, s9, s17, $0xb8;
	[tilespmem:$0x1C800] =	vst v63  }
0x9f: {  	_ =	swait.ge [sflag:s26], $0x2000  }
0xa0: {  	[sflag:s26] =	ssyncset.done $0x0  }
0xa1: {  	[sflag:s26] =	ssyncadd.s32 $0xFFFFE000  }
0xa2: {  	_ =	swait.ge [sflag:s26], $0x2000  }
0xa3: {  	[sflag:s26] =	ssyncset.done $0x0  }
0xa4: {  	[sflag:s26] =	ssyncadd.s32 $0xFFFFE000  }
0xa5: {  	_ =	swait.ge [sflag:s28], $0x200  }
0xa6: {  	[sflag:s28] =	ssyncset.done $0x0  }
0xa7: {  	[sflag:s28] =	ssyncadd.s32 $0xFFFFFE00  }
0xa8: {  	_ =	swait.ge [sflag:s28], $0x200  }
0xa9: {  	[sflag:s28] =	ssyncset.done $0x0  }
0xaa: {  	[sflag:s28] =	ssyncadd.s32 $0xFFFFFE00  }
0xab: {  	[tilespmem:s18], [sflag:$0x1] =	stream.indirect.gather [hbm4b:s4+s17], $0x80, s15, s17, $0xb8;
	[tilespmem:$0x1C800] =	vst v63  }
0xac: {  	s10 =	rddreg [dreg:$0x9]  }
0xad: {  	[tilespmem:s20], [sflag:$0x1] =	stream.indirect.gather [hbm4b:s4+s17], $0x80, s10, s17, $0xb8;
	[tilespmem:$0x1C800] =	vst v63  }
0xae: {  	_ =	swait.ge [sflag:s29], $0x2000  }
0xaf: {  	[sflag:s29] =	ssyncset.done $0x0  }
0xb0: {  	[sflag:s29] =	ssyncadd.s32 $0xFFFFE000  }
0xb1: {  	_ =	swait.ge [sflag:s29], $0x2000  }
0xb2: {  	[sflag:s29] =	ssyncset.done $0x0  }
0xb3: {  	s9 =	rddreg [dreg:$0xa];
	[sflag:s29] =	ssyncadd.s32 $0xFFFFE000  }
0xb4: {  	[spmem:s1] =	stream.indirect.scatter.add.f32 [tilespmem:s22], [sflag:$0x4], $0x80, s9, s17, $0xb8;
	[tilespmem:$0x1C800] =	vst v63  }
0xb5: {  	s10 =	rddreg [dreg:$0xb]  }
0xb6: {  	[spmem:s1] =	stream.indirect.scatter.add.f32 [tilespmem:s24], [sflag:$0x4], $0x80, s10, s17, $0xb8;
	[tilespmem:$0x1C800] =	vst v63  }
0xb7: {  	_ =	swait.ge [sflag:s30], $0x2000  }
0xb8: {  	[sflag:s30] =	ssyncset.done $0x0  }
0xb9: {  	[sflag:s30] =	ssyncadd.s32 $0xFFFFE000  }
0xba: {  	_ =	swait.ge [sflag:s30], $0x2000  }
0xbb: {  	s12 =	smov.u32 s11;
	s9 =	rddreg [dreg:$0x6];
	[sflag:s30] =	ssyncset.done $0x0  }
0xbc: {  	s10 =	rddreg [dreg:$0x7];
	[sflag:s30] =	ssyncadd.s32 $0xFFFFE000;
	s9 =	sadd.s32 s12, s9  }
0xbd: {  	[tilespmem:s3], [sflag:$0x5] =	stream.linear.gather [hbm4b:s9+s3], $0x200, $0x38;
	[tilespmem:$0x1C800] =	vst v63  }
0xbe: {  	s10 =	sadd.s32 s12, s10  }
0xbf: {  	[tilespmem:s14], [sflag:$0x5] =	stream.linear.gather [hbm4b:s10+s3], $0x200, $0x38;
	[tilespmem:$0x1C800] =	vst v63  }
0xc0: {  	_ = 	snop  }
0xc1: {  	[tilespmem:s22], [sflag:$0x2] =	stream.indirect.gather [hbm4b:s4+s17], $0x80, s31, s17, $0xb8;
	[tilespmem:$0x1C800] =	vst v63  }
0xc2: {  	_ = 	snop  }
0xc3: {  	[tilespmem:s24], [sflag:$0x2] =	stream.indirect.gather [hbm4b:s4+s17], $0x80, s0, s17, $0xb8;
	[tilespmem:$0x1C800] =	vst v63  }
0xc4: {  	_ =	swait.ge [sflag:s25], $0x2000  }
0xc5: {  	[sflag:s25] =	ssyncset.done $0x0  }
0xc6: {  	[sflag:s25] =	ssyncadd.s32 $0xFFFFE000  }
0xc7: {  	_ =	swait.ge [sflag:s25], $0x2000  }
0xc8: {  	[sflag:s25] =	ssyncset.done $0x0  }
0xc9: {  	[sflag:s25] =	ssyncadd.s32 $0xFFFFE000  }
0xca: {  	[spmem:s1] =	stream.indirect.scatter.add.f32 [tilespmem:s18], [sflag:$0x3], $0x80, s16, s17, $0xb8;
	[tilespmem:$0x1C800] =	vst v63  }
0xcb: {  	_ = 	snop  }
0xcc: {  	[spmem:s1] =	stream.indirect.scatter.add.f32 [tilespmem:s20], [sflag:$0x3], $0x80, s2, s17, $0xb8;
	[tilespmem:$0x1C800] =	vst v63  }
0xcd: {  	_ =	swait.ge [sflag:s26], $0x2000  }
0xce: {  	[sflag:s26] =	ssyncset.done $0x0  }
0xcf: {  	[sflag:s26] =	ssyncadd.s32 $0xFFFFE000  }
0xd0: {  	_ =	swait.ge [sflag:s26], $0x2000  }
0xd1: {  	[sflag:s26] =	ssyncset.done $0x0  }
0xd2: {  	[sflag:s26] =	ssyncadd.s32 $0xFFFFE000  }
0xd3: {  	_ =	swait.ge [sflag:s5], $0x200  }
0xd4: {  	[sflag:s5] =	ssyncset.done $0x0  }
0xd5: {  	[sflag:s5] =	ssyncadd.s32 $0xFFFFFE00  }
0xd6: {  	_ =	swait.ge [sflag:s5], $0x200  }
0xd7: {  	[sflag:s5] =	ssyncset.done $0x0  }
0xd8: {  	[sflag:s5] =	ssyncadd.s32 $0xFFFFFE00  }
0xd9: {  	[tilespmem:s18], [sflag:$0x1] =	stream.indirect.gather [hbm4b:s4+s17], $0x80, s3, s17, $0xb8;
	[tilespmem:$0x1C800] =	vst v63  }
0xda: {  	_ = 	snop  }
0xdb: {  	[tilespmem:s20], [sflag:$0x1] =	stream.indirect.gather [hbm4b:s4+s17], $0x80, s19, s17, $0xb8;
	[tilespmem:$0x1C800] =	vst v63  }
0xdc: {  	_ =	swait.ge [sflag:s29], $0x2000  }
0xdd: {  	[sflag:s29] =	ssyncset.done $0x0  }
0xde: {  	[sflag:s29] =	ssyncadd.s32 $0xFFFFE000  }
0xdf: {  	_ =	swait.ge [sflag:s29], $0x2000  }
0xe0: {  	[sflag:s29] =	ssyncset.done $0x0  }
0xe1: {  	[sflag:s29] =	ssyncadd.s32 $0xFFFFE000  }
0xe2: {  	[spmem:s1] =	stream.indirect.scatter.add.f32 [tilespmem:s22], [sflag:$0x4], $0x80, s6, s17, $0xb8;
	[tilespmem:$0x1C800] =	vst v63  }
0xe3: {  	_ = 	snop  }
0xe4: {  	[spmem:s1] =	stream.indirect.scatter.add.f32 [tilespmem:s24], [sflag:$0x4], $0x80, s7, s17, $0xb8;
	[tilespmem:$0x1C800] =	vst v63  }
0xe5: {  	_ =	swait.ge [sflag:s30], $0x2000  }
0xe6: {  	[sflag:s30] =	ssyncset.done $0x0  }
0xe7: {  	[sflag:s30] =	ssyncadd.s32 $0xFFFFE000  }
0xe8: {  	_ =	swait.ge [sflag:s30], $0x2000  }
0xe9: {  	s9 =	rddreg [dreg:$0x4];
	[sflag:s30] =	ssyncset.done $0x0  }
0xea: {  	p0 =	sne.s32 s11, $0x980;
	[sflag:s30] =	ssyncadd.s32 $0xFFFFE000;
	s9 =	sadd.s32 s12, s9  }
0xeb: {  	[tilespmem:s15], [sflag:$0x6] =	stream.linear.gather [hbm4b:s9+s3], $0x200, $0x38;
	[tilespmem:$0x1C800] =	vst v63  }
.Ltmp0:
0xec: {  	s10 =	rddreg [dreg:$0x5];
	(pc) =	sbr.rel @p0 .LBB2_2-.Ltmp0, $4  }
0xed: {  	s12 =	sadd.s32 s12, s10  }
0xee: {  	[tilespmem:s16], [sflag:$0x6] =	stream.linear.gather [hbm4b:s12+s3], $0x200, $0x38;
	[tilespmem:$0x1C800] =	vst v63  }
0xef: {  	s11 =	sadd.s32 $0x80, s11  }
0xf0: {  	[tilespmem:s22], [sflag:$0x2] =	stream.indirect.gather [hbm4b:s4+s17], $0x80, s21, s17, $0xb8;
	[tilespmem:$0x1C800] =	vst v63  }
0xf1: {  	[tilespmem:s24], [sflag:$0x2] =	stream.indirect.gather [hbm4b:s4+s17], $0x80, s23, s17, $0xb8;
	[tilespmem:$0x1C800] =	vst v63  }
0xf2: {  	_ =	swait.ge [sflag:s25], $0x2000  }
0xf3: {  	[sflag:s25] =	ssyncset.done $0x0  }
0xf4: {  	[sflag:s25] =	ssyncadd.s32 $0xFFFFE000  }
0xf5: {  	_ =	swait.ge [sflag:s25], $0x2000  }
0xf6: {  	[sflag:s25] =	ssyncset.done $0x0  }
0xf7: {  	[sflag:s25] =	ssyncadd.s32 $0xFFFFE000  }
0xf8: {  	_ =	swait.ge [sflag:s29], $0x2000  }
0xf9: {  	[sflag:s29] =	ssyncset.done $0x0  }
0xfa: {  	[sflag:s29] =	ssyncadd.s32 $0xFFFFE000  }
0xfb: {  	_ =	swait.ge [sflag:s29], $0x2000  }
0xfc: {  	[sflag:s29] =	ssyncset.done $0x0  }
0xfd: {  	[sflag:s29] =	ssyncadd.s32 $0xFFFFE000  }
0xfe: {  	_ =	swait.ge [sflag:s28], $0x200  }
0xff: {  	[sflag:s28] =	ssyncset.done $0x0  }
0x100: {  	[sflag:s28] =	ssyncadd.s32 $0xFFFFFE00  }
0x101: {  	_ =	swait.ge [sflag:s28], $0x200  }
0x102: {  	[sflag:s28] =	ssyncset.done $0x0  }
0x103: {  	[sflag:s28] =	ssyncadd.s32 $0xFFFFFE00  }
0x104: {  	[bflag:$0x0] =	sbarrier.arrive $0xFFFF  }
0x105: {  	s9 =	rddreg [dreg:$0x12]  }
0x106: {  	s10 =	rddreg [dreg:$0x14]  }
0x107: {  	s11 =	rddreg [dreg:$0x15]  }
0x108: {  	[hbm:s9], [sflag:s10] =	dma.local [spmem:s11], $0x2800  }
0x109: {  	_ =	swait.ge [sflag:s13], $0x2800  }
0x10a: {  	s8 =	sadd.s32 $0x1, s8;
	s12 =	rddreg [dreg:$0x13]  }
0x10b: {  	p0 =	sne.s32 s8, s12  }
.Ltmp1:
0x10c: {  	_ = 	snop;
	(pc) =	sbr.rel @p0 .LBB2_1-.Ltmp1, $3  }
0x10d: {  	_ =	sdelay $0x1  }
0x10e: {  	[sflag:s13] =	ssyncset.done $0x0  }
0x10f: {  	[sflag:s13] =	ssyncadd.s32 $0xFFFFD800  }
0x110: {  	_ =	sfence.sel $0x180000  }
0x111: {  	[bflag:$0x0] =	sbarrier.arrive $0xFFFF  }
0x112: {  	_ =	strace $0x9000004D  }
0x113: {  	s0 =	stileid.u32;
	[bflag:$0x2] =	sbarrier.arrive $0xFFFF  }
0x114: {  	p0 =	sne.s32 s0, $0x0;
	s0 =	rddreg [dreg:$0x3]  }
0x115: {  	s0 =	sadd.s32 @!p0 $0x100000, s0  }
0x116: {  	[sflag:s0] =	ssyncadd.tile.s32 @!p0 $0x1;
	_ =	shalt  }
.Lfunc_end2:
_tile_overlayer_lowered:
.L_overlay_start_2:
0x117: {  	(tag) =	ssettag $0x2  }
0x118: {  	s0 =	rddreg [dreg:$0x0];
	s2 =	stileid.u32  }
0x119: {  	s1 =	rddreg [dreg:$0x1];
	p0 =	sne.s32 s2, $0x0  }
0x11a: {  	s3 =	rddreg [dreg:$0x2];
	[bflag:$0x3] =	sbarrier.arrive $0xFFFF;
	s2 =	simm.s32 @!p0 $0x1C07  }
0x11b: {  	[timem:s3], [sflag:s2] =	dma.local @!p0 [hbm:s0], s1  }
0x11c: {  	s0 =	simm.s32 @!p0 $0x7  }
0x11d: {  	_ =	swait.ge @!p0 [sflag:s0], s1  }
0x11e: {  	s1 =	ssub.s32 @!p0 $0x0, s1;
	[sflag:s0] =	ssyncset.done @!p0 $0x0  }
0x11f: {  	[sflag:s0] =	ssyncadd.s32 @!p0 s1  }
0x120: {  	[bflag:$0x3] =	sbarrier.arrive $0xFFFF  }
0x121: {  	_ =	shalt  }

// kernel: kernel.8.cloned.1.call-start
scs
__scs_entry_jumppad:
0x0: {  	(pc) =	sbr.rel $0x88, $3  }
0x1: {  	(tag) =	ssettag $0x0;
	lr =	simm.s32 $0x1  }
0x2: {  	[smem:$0x3F9B] =	sst lr;
	_ =	strace $0xD0000000  }
0x3: {  	_ = 	snop  }
0x4: {  	_ = 	snop  }
0x5: {  	_ = 	snop  }
0x6: {  	_ = 	snop  }
0x7: {  	_ = 	snop  }
__scs_overlays_trampoline_lowered:
0x8: {  	[smem:$0x3FAA] =	sst s0  }
0x9: {  	[smem:$0x3FAB] =	sst s1  }
0xa: {  	[smem:$0x3FAC] =	sst s2  }
0xb: {  	[smem:$0x3FAD] =	sst s3  }
0xc: {  	[smem:$0x3FAE] =	sst s4  }
0xd: {  	[smem:$0x3FAF] =	sst s5  }
0xe: {  	[smem:$0x3FB0] =	sst s6  }
0xf: {  	[smem:$0x3FB1] =	sst s7  }
0x10: {  	[smem:$0x3FB2] =	sst s8  }
0x11: {  	[smem:$0x3FB3] =	sst s9;
	s0 =	simm.s32 @!p0 $0x0  }
0x12: {  	s1 =	sld [smem:$0x3F99];
	s0 =	simm.s32 @p0 $0x1  }
0x13: {  	[smem:$0x3FB4] =	sst s0;
	s0 =	simm.s32 @!p1 $0x0  }
0x14: {  	s2 =	sld [smem:$0x3F98];
	s0 =	simm.s32 @p1 $0x1  }
0x15: {  	[smem:$0x3FB5] =	sst s0;
	s0 =	simm.s32 @!p2 $0x0  }
0x16: {  	s3 =	sld [smem:$0x3FDB];
	s0 =	simm.s32 @p2 $0x1  }
0x17: {  	s4 =	simm.s32 $0x1BF5;
	[smem:$0x3FB7] =	sst s0  }
0x18: {  	s0 =	sld [smem:$0x3F9A];
	_ =	swait.ge [sflag:s4], $0x0  }
0x19: {  	s7 =	sld [smem:$0x3F9B]  }
0x1a: {  	s8 =	sadd.s32 $0xFFFFE003, lr  }
0x1b: {  	s9 =	sadd.s32 $0xFFFFFEF7, lr;
	s5 =	simm.s32 $0xFFFFFFFF;
	p2 =	slt.u32 s8, $0xFFFFF086  }
0x1c: {  	p1 =	slt.u32 s9, $0xF7A;
	s5 =	simm.s32 @!p2 $0x0  }
0x1d: {  	s5 =	simm.s32 @p1 $0x1;
	p0 =	seq.s32 s7, s2  }
0x1e: {  	s7 =	smul.u32 @!p0 $0xF7A, s2;
	p2 =	seq.s32 @!p0 s5, $0x0  }
0x1f: {  	s9 =	smul.u32 $0xF7A, s1;
	s8 =	simm.s32 @!p0 $0x1BF5;
	p2 =	por !p2, p0  }
0x20: {  	[sflag:s8] =	ssyncset.s32 @!p0 $0xFFFFF086;
	s6 =	sadd.s32 @!p0 s3, s7;
	s7 =	simm.s32 @!p0 $0x108  }
0x21: {  	s3 =	sadd.s32 s3, s9;
	s6 =	sadd.s32 @!p0 $0x88, s6;
	s7 =	simm.s32 @p2 $0x1082  }
0x22: {  	[simem:s7], [sflag:s8] =	dma.local @!p0 [hbm:s6], $0xF7A  }
0x23: {  	s9 =	sor.u32 $0xD0000000, s2;
	s6 =	simm.s32 $0x108;
	_ =	swait.ge @!p0 [sflag:s8], $0x0  }
0x24: {  	s3 =	sadd.s32 $0x88, s3;
	s6 =	simm.s32 @!p1 $0x1082;
	[sflag:s4] =	ssyncset.s32 $0xFFFFF086  }
0x25: {  	[simem:s6], [sflag:s4] =	dma.local [hbm:s3], $0xF7A  }
0x26: {  	[smem:$0x3F9B] =	sst s1;
	(tag) =	ssettag s2;
	_ =	strace s9  }
0x27: {  	s1 =	sld [smem:$0x3FAB]  }
0x28: {  	s2 =	sld [smem:$0x3FAC]  }
0x29: {  	s4 =	sld [smem:$0x3FAE]  }
0x2a: {  	p0 =	seq.s32 s5, $0x0;
	s5 =	sld [smem:$0x3FAF]  }
0x2b: {  	s6 =	sld [smem:$0x3FB0]  }
0x2c: {  	s7 =	sld [smem:$0x3FB1]  }
0x2d: {  	s3 =	simm.s32 $0x108;
	s8 =	sld [smem:$0x3FB2]  }
0x2e: {  	s3 =	simm.s32 @!p0 $0x1082;
	s9 =	sld [smem:$0x3FB3]  }
0x2f: {  	lr =	sadd.s32 s0, s3;
	s0 =	sld [smem:$0x3FAA]  }
0x30: {  	s3 =	sld [smem:$0x3FAD]  }
0x31: {  	[smem:$0x3FB6] =	sst s10  }
0x32: {  	s10 =	sld [smem:$0x3FB4];
	_ =	sdelay $0x3  }
0x33: {  	p0 =	seq.s32 s10, $0x1;
	s10 =	sld [smem:$0x3FB6];
	_ =	sdelay $0x3  }
0x34: {  	[smem:$0x3FB6] =	sst s10  }
0x35: {  	s10 =	sld [smem:$0x3FB5];
	_ =	sdelay $0x3  }
0x36: {  	p1 =	seq.s32 s10, $0x1;
	s10 =	sld [smem:$0x3FB6];
	_ =	sdelay $0x3  }
0x37: {  	[smem:$0x3FB6] =	sst s10  }
0x38: {  	s10 =	sld [smem:$0x3FB7]  }
0x39: {  	_ = 	snop;
	(pc) =	sbr.ind lr, $3  }
0x3a: {  	_ = 	snop  }
0x3b: {  	_ = 	snop  }
0x3c: {  	p2 =	seq.s32 s10, $0x1;
	s10 =	sld [smem:$0x3FB6]  }
0x3d: {  	_ =	shalt  }
0x3e: {  	_ =	shalt  }
0x3f: {  	_ =	shalt  }
0x40: {  	_ =	shalt  }
0x41: {  	_ =	shalt  }
0x42: {  	_ =	shalt  }
0x43: {  	_ =	shalt  }
0x44: {  	_ =	shalt  }
0x45: {  	_ =	shalt  }
0x46: {  	_ =	shalt  }
0x47: {  	_ =	shalt  }
0x48: {  	_ =	shalt  }
0x49: {  	_ =	shalt  }
0x4a: {  	_ =	shalt  }
0x4b: {  	_ =	shalt  }
0x4c: {  	_ =	shalt  }
0x4d: {  	_ =	shalt  }
0x4e: {  	_ =	shalt  }
0x4f: {  	_ =	shalt  }
0x50: {  	_ =	shalt  }
0x51: {  	_ =	shalt  }
0x52: {  	_ =	shalt  }
0x53: {  	_ =	shalt  }
0x54: {  	_ =	shalt  }
0x55: {  	_ =	shalt  }
0x56: {  	_ =	shalt  }
0x57: {  	_ =	shalt  }
0x58: {  	_ =	shalt  }
0x59: {  	_ =	shalt  }
0x5a: {  	_ =	shalt  }
0x5b: {  	_ =	shalt  }
0x5c: {  	_ =	shalt  }
0x5d: {  	_ =	shalt  }
0x5e: {  	_ =	shalt  }
0x5f: {  	_ =	shalt  }
0x60: {  	_ =	shalt  }
0x61: {  	_ =	shalt  }
0x62: {  	_ =	shalt  }
0x63: {  	_ =	shalt  }
0x64: {  	_ =	shalt  }
0x65: {  	_ =	shalt  }
0x66: {  	_ =	shalt  }
0x67: {  	_ =	shalt  }
0x68: {  	_ =	shalt  }
0x69: {  	_ =	shalt  }
0x6a: {  	_ =	shalt  }
0x6b: {  	_ =	shalt  }
0x6c: {  	_ =	shalt  }
0x6d: {  	_ =	shalt  }
0x6e: {  	_ =	shalt  }
0x6f: {  	_ =	shalt  }
0x70: {  	_ =	shalt  }
0x71: {  	_ =	shalt  }
0x72: {  	_ =	shalt  }
0x73: {  	_ =	shalt  }
0x74: {  	_ =	shalt  }
0x75: {  	_ =	shalt  }
0x76: {  	_ =	shalt  }
0x77: {  	_ =	shalt  }
0x78: {  	_ =	shalt  }
0x79: {  	_ =	shalt  }
0x7a: {  	_ =	shalt  }
0x7b: {  	_ =	shalt  }
0x7c: {  	_ =	shalt  }
0x7d: {  	_ =	shalt  }
0x7e: {  	_ =	shalt  }
0x7f: {  	_ =	shalt  }
0x80: {  	_ =	shalt  }
0x81: {  	_ =	shalt  }
0x82: {  	_ =	shalt  }
0x83: {  	_ =	shalt  }
0x84: {  	_ =	shalt  }
0x85: {  	_ =	shalt  }
0x86: {  	_ =	shalt  }
0x87: {  	_ =	shalt  }
.Lfunc_end0:
.L_simem_size_0:
called_computation_lowered:
.L_overlay_start_0:
0x88: {  	s2 =	sld [smem:$0x3FD9]  }
0x89: {  	s3 =	sld [smem:$0x3FFE];
	_ =	sdelay $0x1  }
0x8a: {  	s1 =	srdreg.scid  }
0x8b: {  	s0 =	sand.u32 $0x1, s1  }
0x8c: {  	s16 =	sshll.u32 s0, $0xA;
	s2 =	sadd.s32 s3, s2  }
0x8d: {  	s2 =	sadd.s32 s2, s16  }
0x8e: {  	[smem:$0x3FC2] =	sst s2  }
0x8f: {  	_ = 	snop  }
0x90: {  	(tm) =	ssettm $0x1  }
0x91: {  	s17 =	sld [smem:$0x3FFB];
	_ =	sdelay $0x3  }
0x92: {  	_ =	strace s17  }
0x93: {  	s2 =	sld [smem:$0x3FFC];
	_ =	sdelay $0x3  }
0x94: {  	_ =	strace s2  }
0x95: {  	s2 =	sld [smem:$0x3FFD];
	_ =	sdelay $0x3  }
0x96: {  	_ =	strace s2  }
0x97: {  	_ =	strace $0x8FFFFFFF  }
0x98: {  	s18 =	sld [smem:$0x3FDB];
	_ =	sdelay $0x1  }
0x99: {  	s19 =	simm.s32 $_scs_section_size  }
0x9a: {  	s4 =	simm.s32 $_size__tile_overlayer_lowered;
	s5 =	simm.s32 $_tile_overlayer_lowered  }
0x9b: {  	s22 =	simm.s32 $0x1BFF;
	s21 =	sshll.u32 s5, $0x1;
	s2 =	sadd.s32 s19, s18  }
0x9c: {  	s6 =	simm.s32 $0x0;
	s20 =	sshll.u32 s4, $0x1;
	s4 =	sadd.s32 s21, s2  }
0x9d: {  	[timem:s6], [sflag:s22] =	dma.local [hbm:s4], s20  }
0x9e: {  	_ =	swait.ge [sflag:s22], s20  }
0x9f: {  	s3 =	ssub.s32 $0x0, s20;
	[sflag:s22] =	ssyncset.done $0x0  }
0xa0: {  	[sflag:s22] =	ssyncadd.s32 s3;
	_ =	sdelay $0x1  }
0xa1: {  	s23 =	simm.s32 $0x1B8B  }
0xa2: {  	_ =	swait.ge [sflag:s23], $0x1  }
0xa3: {  	[sflag:s23] =	ssyncset.done $0x0  }
0xa4: {  	s25 =	simm.s32 $0x1B8E;
	s24 =	sld [smem:$0x3FFE];
	[sflag:s23] =	ssyncadd.s32 $0xFFFFFFFF  }
0xa5: {  	s26 =	simm.s32 $execute0_lowered;
	[smem:$0x3FD2] =	sst s25  }
0xa6: {  	s4 =	sshll.u32 s26, $0x1;
	_ =	strace $0x80000046;
	[dreg:$0x1] =	wrdreg $0xFFFFFFFF  }
0xa7: {  	s28 =	simm.s32 $_size_execute0_lowered;
	s2 =	sadd.s32 s2, s4;
	[dreg:$0x0] =	wrdreg $0x0  }
0xa8: {  	s4 =	sshll.u32 s28, $0x1;
	[dreg:$0x2] =	wrdreg s2  }
0xa9: {  	[dreg:$0x3] =	wrdreg s4  }
0xaa: {  	[dreg:$0x4] =	wrdreg $0xC0  }
0xab: {  	_ =	task [dreg:s6], $0x5FFFF  }
0xac: {  	[dreg:$0x1] =	wrdreg $0xFFFFFFFF  }
0xad: {  	[dreg:$0x0] =	wrdreg $0x60  }
0xae: {  	[dreg:$0x2] =	wrdreg s24  }
0xaf: {  	[dreg:$0x3] =	wrdreg $0x9  }
0xb0: {  	_ =	task.clear_ibuf [dreg:s6], $0x4FFFF;
	_ =	strace $0x90000046  }
0xb1: {  	s29 =	simm.s32 $0x9;
	_ =	strace $0x80000048  }
0xb2: {  	_ =	swait.ge [sflag:s29], $0x1  }
0xb3: {  	[sflag:s29] =	ssyncadd.s32 $0xFFFFFFFF  }
0xb4: {  	_ =	strace $0x90000048  }
0xb5: {  	_ =	sfence  }
0xb6: {  	s30 =	sld [smem:$0x0];
	_ =	sdelay $0x2  }
0xb7: {  	s31 =	sshll.u32 s1, $0xD;
	s1 =	sshrl.u32 s1, $0x2  }
0xb8: {  	s3 =	sand.u32 $0x4000, s31;
	s1 =	sadd.s32 s1, s30  }
0xb9: {  	s0 =	sor.u32 s3, s0;
	s1 =	sshll.u32 s1, $0x11  }
0xba: {  	s0 =	sor.u32 s1, s0  }
0xbb: {  	s0 =	sadd.s32 $0x8F2B, s0  }
0xbc: {  	[sflag:s0] =	ssyncadd.remote.s32 $0x1  }
0xbd: {  	_ =	sfence.sel $0xFFFF  }
0xbe: {  	[dreg:$0x0] =	wrdreg $0xFFFFFFFF;
	(pc) =	sbr.abs _section_cstart, $3  }
0xbf: {  	[dreg:$0x1] =	wrdreg $0xFFFFFFFF  }
0xc0: {  	_ =	task.clear_ibuf [dreg:s6], $0x2FFFF;
	_ =	strace $0x9FFFFFFF  }
0xc1: {  	(tm) =	ssettm $0x7FFFFFFF  }
tec
execute0_lowered:
.L_overlay_start_1:
0x0: {  	(tag) =	ssettag $0x1  }
0x1: {  	s0 =	srdreg.scid  }
0x2: {  	s5 =	rddreg [dreg:$0x0];
	s3 =	sand.u32 $0x1, s0  }
0x3: {  	s2 =	simm.s32 $0x0;
	s0 =	stileid.u32;
	s1 =	sshll.u32 s3, $0x4  }
0x4: {  	s8 =	simm.s32 $0x80;
	s9 =	simm.s32 $0x400;
	s4 =	sor.u32 s0, s1  }
0x5: {  	s10 =	simm.s32 $0x0;
	[smem:$0x7FF] =	sst s2;
	s1 =	sshrl.u32 s4, $0x3  }
0x6: {  	s7 =	sshll.u32 s0, $0x7;
	s3 =	ssub.s32 $0x2, s3;
	s6 =	smul.u32 $0x14000, s1  }
0x7: {  	s7 =	sand.u32 $0x380, s7;
	s31 =	sshrl.u32 s3, $0x1;
	s4 =	smul.u32 $0x500, s4  }
0x8: {  	s1 =	rddreg [dreg:$0x1];
	_ =	strace $0x80000047;
	s6 =	sor.u32 s7, s6  }
0x9: {  	s4 =	sadd.s32 s4, s5;
	s7 =	simm.s32 $0x2800;
	s6 =	sshrl.u32 s6, $0x3  }
0xa: {  	s5 =	sadd.s32 s6, s5;
	s6 =	ssub.s32 s3, s31;
	s3 =	sadd.s32 $0x2200, s4  }
0xb: {  	v0 =	vimm.f32 $0.0e+00;
	v1 =	vimm.f32 $1.000000000e+00;
	s4 =	sadd.s32 $0xC200, s5;
	s5 =	smax.u32 s6, $0x1;
	s6 =	simm.s32 $0x1  }
.LBB2_1:
0xc: {  	[tilespmem:s2], [sflag:$0x1] =	stream.linear.gather [hbm4b:s3+s2], $0x2800, $0x38;
	[tilespmem:$0x5000] =	vst v63  }
0xd: {  	_ =	swait.ge [sflag:s6], $0x2800  }
0xe: {  	[sflag:s6] =	ssyncset.done $0x0  }
0xf: {  	s11 =	simm.s32 $0x0;
	[sflag:s6] =	ssyncadd.s32 $0xFFFFD800  }
.LBB2_2:
0x10: {  	p0 =	sne.s32 s11, $0x9FC0  }
.Ltmp0:
0x11: {  	_ = 	snop;
	(pc) =	sbr.rel @p0 .LBB2_2-.Ltmp0, $3  }
0x12: {  	_ =	sdelay $0x1  }
0x13: {  	s12 =	sshra.s32 s11, $0x2  }
0x14: {  	s11 =	sadd.s32 $0x40, s11;
	[tilespmem:s12+$0x2800] =	vst v0  }
0x15: {  	s12 =	simm.s32 $0x0;
	s11 =	simm.s32 $0x40  }
.LBB2_4:
0x16: {  	p0 =	sne.s32 s11, $0x9FC0;
	v2 =	vld [tilespmem:s12+$0x0];
	_ =	sdelay $0x3  }
.Ltmp1:
0x17: {  	(pc) =	sbr.rel @p0 .LBB2_4-.Ltmp1, $2  }
0x18: {  	_ =	sdelay $0x2  }
0x19: {  	s12 =	sshra.s32 s11, $0x2;
	s11 =	sadd.s32 $0x40, s11;
	[tilespmem:v2+s7+$0x0] =	vst.idx.add.f32.msk $0xffff, v1  }
0x1a: {  	v2 =	vld [tilespmem:s12+$0x0];
	_ =	sdelay $0x5  }
0x1b: {  	s10 =	sadd.s32 $0x1, s10  }
0x1c: {  	p0 =	sne.s32 s10, s5  }
.Ltmp2:
0x1d: {  	[tilespmem:v2+s7+$0x0] =	vst.idx.add.f32.msk $0xffff, v1;
	(pc) =	sbr.rel @p0 .LBB2_1-.Ltmp2, $4  }
0x1e: {  	[hbm4b:s4+s8] =	stream.strided.scatter [tilespmem:s7], [sflag:$0x1], $0x2800, s9, s8, $0x38;
	[tilespmem:$0x5000] =	vst v63  }
0x1f: {  	_ =	swait.ge [sflag:s6], $0x2800  }
0x20: {  	[sflag:s6] =	ssyncset.done $0x0  }
0x21: {  	[sflag:s6] =	ssyncadd.s32 $0xFFFFD800  }
0x22: {  	_ =	sfence.sel $0x180000  }
0x23: {  	[bflag:$0x0] =	sbarrier.arrive $0xFFFF  }
0x24: {  	p0 =	sne.s32 s0, $0x0;
	_ =	strace $0x90000047  }
0x25: {  	s0 =	sadd.s32 @!p0 $0x100000, s1;
	[bflag:$0x2] =	sbarrier.arrive $0xFFFF  }
0x26: {  	[sflag:s0] =	ssyncadd.tile.s32 @!p0 $0x1;
	_ =	shalt  }
.Lfunc_end2:
_tile_overlayer_lowered:
.L_overlay_start_2:
0x27: {  	(tag) =	ssettag $0x2  }
0x28: {  	s0 =	rddreg [dreg:$0x0];
	s2 =	stileid.u32  }
0x29: {  	s1 =	rddreg [dreg:$0x1];
	p0 =	sne.s32 s2, $0x0  }
0x2a: {  	s3 =	rddreg [dreg:$0x2];
	[bflag:$0x3] =	sbarrier.arrive $0xFFFF;
	s2 =	simm.s32 @!p0 $0x1C01  }
0x2b: {  	[timem:s3], [sflag:s2] =	dma.local @!p0 [hbm:s0], s1  }
0x2c: {  	s0 =	simm.s32 @!p0 $0x1  }
0x2d: {  	_ =	swait.ge @!p0 [sflag:s0], s1  }
0x2e: {  	s1 =	ssub.s32 @!p0 $0x0, s1;
	[sflag:s0] =	ssyncset.done @!p0 $0x0  }
0x2f: {  	[sflag:s0] =	ssyncadd.s32 @!p0 s1  }
0x30: {  	[bflag:$0x3] =	sbarrier.arrive $0xFFFF  }
0x31: {  	_ =	shalt  }

</sc_bundles>
